<compile_context>
chip_gen: v7x
topology: tpu7x:2x2x1
jax: 0.10.2.dev20260603
libtpu: 0.0.44.dev20260713+nightly
codegen_flags: <defaults>
</compile_context>

<pallas_src>
import functools

import jax
import jax.numpy as jnp
from jax import lax
from jax.experimental import pallas as pl
from jax.experimental.pallas import tpu as pltpu
from jax.experimental.pallas import tpu_sc as plsc

NUM_EMBEDDINGS = 1000000
EMBED_DIM = 64
DENSE_OUT = 64
BATCH = 16384
HIST = 50

NC = 2
NS = 16
NW = NC * NS

BAGS_PER_TILE = BATCH // NW
CHUNK_BAGS = 4
CHUNKS_PER_TILE = BAGS_PER_TILE // CHUNK_BAGS
GHIST = 56
IDX_PER_CHUNK = CHUNK_BAGS * GHIST
XPAD = 128
SUPER_BAGS = 64
CHUNKS_PER_SUPER = SUPER_BAGS // CHUNK_BAGS

_TR_BLOCK = 16384
_TR_GRID = -(-NUM_EMBEDDINGS // _TR_BLOCK)


def _tr_body(t_ref, o_ref):
    eye = jnp.eye(EMBED_DIM, dtype=jnp.float32)
    o_ref[:, :EMBED_DIM] = lax.dot_general(
        t_ref[:], eye, (((0,), (0,)), ((), ())),
        preferred_element_type=jnp.float32)


def _tc_repack(tableT):
    return pl.pallas_call(
        _tr_body,
        grid=(_TR_GRID,),
        in_specs=[pl.BlockSpec((EMBED_DIM, _TR_BLOCK), lambda i: (0, i))],
        out_specs=pl.BlockSpec((_TR_BLOCK, XPAD), lambda i: (i, 0)),
        out_shape=jax.ShapeDtypeStruct((NUM_EMBEDDINGS, XPAD), jnp.float32),
    )(tableT)


def _sc_pool(xp, table):

    mesh = plsc.VectorSubcoreMesh(core_axis_name="c", subcore_axis_name="s")

    @functools.partial(
        pl.kernel,
        mesh=mesh,
        compiler_params=pltpu.CompilerParams(use_tc_tiling_on_sc=False),
        out_type=jax.ShapeDtypeStruct((BATCH, EMBED_DIM), jnp.float32),
        scratch_types=[
            pltpu.VMEM((2, SUPER_BAGS, GHIST), jnp.int32),
            pltpu.VMEM((2, IDX_PER_CHUNK, XPAD), jnp.float32),
            pltpu.VMEM((BAGS_PER_TILE, EMBED_DIM), jnp.float32),
            pltpu.SemaphoreType.DMA,
            pltpu.SemaphoreType.DMA,
        ],
    )
    def sc_pool(x_hbm, table_hbm, out_hbm, idx_v, rows_v, acc_v, sem0, sem1):
        wid = lax.axis_index("s") * NC + lax.axis_index("c")
        bag0 = wid * BAGS_PER_TILE
        sems = (sem0, sem1)
        rows_b = (rows_v.at[0], rows_v.at[1])

        def _bag_idx(chunk, j):
            s = chunk // CHUNKS_PER_SUPER
            r = (chunk % CHUNKS_PER_SUPER) * CHUNK_BAGS + j
            return idx_v.at[s % 2, r]

        def _src(chunk, j):
            return table_hbm.at[_bag_idx(chunk, j)]

        def fire(chunk, b):
            @pl.when(chunk % CHUNKS_PER_SUPER == 0)
            def _():
                s = chunk // CHUNKS_PER_SUPER
                pltpu.sync_copy(
                    x_hbm.at[pl.ds(bag0 + s * SUPER_BAGS, SUPER_BAGS),
                             pl.ds(0, GHIST)],
                    idx_v.at[s % 2])

            for j in range(CHUNK_BAGS):
                pltpu.async_copy(
                    _src(chunk, j),
                    rows_b[b].at[pl.ds(j * GHIST, GHIST)],
                    sems[b])

        def drain(chunk, b):
            for j in range(CHUNK_BAGS):
                pltpu.make_async_copy(
                    _src(chunk, j),
                    rows_b[b].at[pl.ds(j * GHIST, GHIST)],
                    sems[b]).wait()

        def compute(chunk, b):
            rb = rows_b[b]

            def bag_body(j, carry):
                rbase = j * GHIST

                def r_body(ri, accs):
                    out = list(accs)
                    for u in range(10):
                        row = rbase + ri * 10 + u
                        for dk in range(4):
                            out[dk] = out[dk] + rb[row, pl.ds(dk * 16, 16)]
                    return tuple(out)

                z = jnp.zeros((16,), jnp.float32)
                accs = lax.fori_loop(0, HIST // 10, r_body, (z, z, z, z))
                gbag = chunk * CHUNK_BAGS + j
                for dk in range(4):
                    acc_v[gbag, pl.ds(dk * 16, 16)] = accs[dk]
                return carry

            lax.fori_loop(0, CHUNK_BAGS, bag_body, 0)

        fire(0, 0)
        fire(1, 1)

        def step(c, carry):
            for b in range(2):
                chunk = 2 * c + b
                drain(chunk, b)
                compute(chunk, b)

                @pl.when(chunk < CHUNKS_PER_TILE - 2)
                def _():
                    fire(chunk + 2, b)
            return carry

        lax.fori_loop(0, CHUNKS_PER_TILE // 2, step, 0)
        pltpu.sync_copy(acc_v, out_hbm.at[pl.ds(bag0, BAGS_PER_TILE)])

    return sc_pool(xp, table)


def _tc_body(p_ref, w_ref, b_ref, o_ref):
    p = p_ref[:] * (1.0 / HIST)
    logits = lax.dot_general(p, w_ref[:], (((1,), (1,)), ((), ())),
                             preferred_element_type=jnp.float32)
    logits = logits + b_ref[:]
    m = jnp.max(logits, axis=1, keepdims=True)
    e = jnp.exp(logits - m)
    o_ref[:] = e / jnp.sum(e, axis=1, keepdims=True)


_TC_BLOCK = 1024


def _tc_dense(pooled, W, b2):
    return pl.pallas_call(
        _tc_body,
        grid=(BATCH // _TC_BLOCK,),
        in_specs=[
            pl.BlockSpec((_TC_BLOCK, EMBED_DIM), lambda i: (i, 0)),
            pl.BlockSpec((DENSE_OUT, EMBED_DIM), lambda i: (0, 0)),
            pl.BlockSpec((1, DENSE_OUT), lambda i: (0, 0)),
        ],
        out_specs=pl.BlockSpec((_TC_BLOCK, DENSE_OUT), lambda i: (i, 0)),
        out_shape=jax.ShapeDtypeStruct((BATCH, DENSE_OUT), jnp.float32),
    )(pooled, W, b2)


@jax.jit
def kernel(x, table, W, b):
    xi = x.astype(jnp.int32)
    xp = jnp.pad(jnp.concatenate([xi, xi[:, :GHIST - HIST]], axis=1),
                 ((0, 0), (0, XPAD - GHIST)))
    tp = _tc_repack(table.T)
    pooled = _sc_pool(xp, tp)
    return _tc_dense(pooled, W, b.reshape(1, DENSE_OUT))

# --- scband reference (transcript-rebuilt; emitter-appended) ---
"""Pipeline reference for scband-dummy-model-18932215841133 (READ-ONLY COPY).

The authoritative reference and input builder live on the scoring server;
editing this copy changes nothing except your own understanding.
"""

import jax, jax.numpy as jnp
import numpy as np

NUM_EMBEDDINGS = 1000000
EMBED_DIM = 64
DENSE_OUT = 64
BATCH = 16384
HIST = 50

def setup_inputs(seed: int = 0) -> dict:
    key = jax.random.key(seed)
    k1, k2, k3, k4 = jax.random.split(key, 4)
    x = jax.random.randint(k1, (BATCH, HIST), 0, NUM_EMBEDDINGS)
    table = jax.random.normal(k2, (NUM_EMBEDDINGS, EMBED_DIM), dtype=jnp.float32)
    # nn.Linear params: weight [out, in], bias [out]
    W = jax.random.normal(k3, (DENSE_OUT, EMBED_DIM), dtype=jnp.float32) * 0.1
    b = jax.random.normal(k4, (DENSE_OUT,), dtype=jnp.float32) * 0.01
    return {"x": x, "table": table, "W": W, "b": b}

def reference(x, table, W, b):
    # nn.EmbeddingBag default mode='mean': gather rows then mean over bag dim
    emb = jnp.take(table, x, axis=0)        # [B, L, D]
    pooled = jnp.mean(emb, axis=1)          # [B, D]
    logits = pooled @ W.T + b               # [B, out]
    return jax.nn.softmax(logits, axis=1)

if __name__ == "__main__":
    import jax
    _d = setup_inputs()
    print(jax.jit(kernel)(*tuple(_d.values())))

</pallas_src>

<mosaic_0001>
#map = affine_map<(d0, d1) -> (0, 0)>
module attributes {stable_mosaic.version = 14 : i64} {
  func.func @sc_pool(%arg0: i32, %arg1: i32, %arg2: memref<16384x128xi32, #tpu.memory_space<hbm>>, %arg3: memref<1000000x128xf32, #tpu.memory_space<hbm>>, %arg4: memref<16384x64xf32, #tpu.memory_space<hbm>>, %arg5: memref<2x64x56xi32, #tpu.memory_space<vmem>>, %arg6: memref<2x224x128xf32, #tpu.memory_space<vmem>>, %arg7: memref<512x64xf32, #tpu.memory_space<vmem>>, %arg8: memref<!tpu.dma_semaphore, #tpu.memory_space<semaphore_mem>>, %arg9: memref<!tpu.dma_semaphore, #tpu.memory_space<semaphore_mem>>) attributes {dimension_semantics = [#tpu.dimension_semantics<core_parallel>, #tpu.dimension_semantics<subcore_parallel>], iteration_bounds = array<i64: 2, 16>, scalar_prefetch = 0 : i64, scratch_operands = 5 : i64, tpu.core_type = #tpu.core_type<sc_vector_subcore>, window_params = [{transform_indices = #map}, {transform_indices = #map}, {transform_indices = #map}]} {
    %mul3A = arith.constant 2 : i32
    %mul3A_0 = arith.muli %arg1, %mul3A : i32
    %add3A = arith.addi %mul3A_0, %arg0 : i32
    %mul3A_1 = arith.constant 512 : i32
    %mul3A_2 = arith.muli %add3A, %mul3A_1 : i32
    %add3A_3 = arith.constant 0 : i32
    %add3A_4 = arith.addi %mul3A_2, %add3A_3 : i32
    %run_scoped3A = arith.constant 0 : i32
    "tpu.region"() ({
      %run_scoped3A_139 = tpu.sem_alloc : memref<!tpu.dma_semaphore, #tpu.memory_space<semaphore_mem>>
      %dma_start3A_140 = arith.constant 0 : i32
      %dma_start3A_141 = arith.constant 0 : i32
      %dma_start3A_142 = tpu.memref_slice %arg5[%run_scoped3A, %dma_start3A_140, %dma_start3A_141] : memref<2x64x56xi32, #tpu.memory_space<vmem>> -> memref<1x64x56xi32, #tpu.memory_space<vmem>>
      %dma_start3A_143 = tpu.memref_squeeze %dma_start3A_142 : memref<1x64x56xi32, #tpu.memory_space<vmem>> -> memref<64x56xi32, #tpu.memory_space<vmem>>
      %dma_start3A_144 = arith.constant 0 : i32
      %dma_start3A_145 = tpu.memref_slice %arg2[%add3A_4, %dma_start3A_144] : memref<16384x128xi32, #tpu.memory_space<hbm>> -> memref<64x56xi32, #tpu.memory_space<hbm>>
      %dma_start3A_146 = arith.constant 0 : i32
      %dma_start3A_147 = arith.constant 0 : i32
      %dma_start3A_148 = tpu.memref_slice %arg5[%run_scoped3A, %dma_start3A_146, %dma_start3A_147] : memref<2x64x56xi32, #tpu.memory_space<vmem>> -> memref<1x64x56xi32, #tpu.memory_space<vmem>>
      %dma_start3A_149 = tpu.memref_squeeze %dma_start3A_148 : memref<1x64x56xi32, #tpu.memory_space<vmem>> -> memref<64x56xi32, #tpu.memory_space<vmem>>
      %dma_start3A_150 = arith.constant 0 : i32
      %dma_start3A_151 = tpu.memref_slice %arg2[%add3A_4, %dma_start3A_150] : memref<16384x128xi32, #tpu.memory_space<hbm>> -> memref<64x56xi32, #tpu.memory_space<hbm>>
      tpu.enqueue_dma source(%dma_start3A_151 : memref<64x56xi32, #tpu.memory_space<hbm>>) target(%dma_start3A_149 : memref<64x56xi32, #tpu.memory_space<vmem>>) target_semaphore(%run_scoped3A_139 : memref<!tpu.dma_semaphore, #tpu.memory_space<semaphore_mem>>)
      %dma_wait3A = arith.constant 0 : i32
      %dma_wait3A_152 = arith.constant 0 : i32
      %dma_wait3A_153 = tpu.memref_slice %arg5[%run_scoped3A, %dma_wait3A, %dma_wait3A_152] : memref<2x64x56xi32, #tpu.memory_space<vmem>> -> memref<1x64x56xi32, #tpu.memory_space<vmem>>
      %dma_wait3A_154 = tpu.memref_squeeze %dma_wait3A_153 : memref<1x64x56xi32, #tpu.memory_space<vmem>> -> memref<64x56xi32, #tpu.memory_space<vmem>>
      %dma_wait3A_155 = arith.constant 0 : i32
      %dma_wait3A_156 = tpu.memref_slice %arg2[%add3A_4, %dma_wait3A_155] : memref<16384x128xi32, #tpu.memory_space<hbm>> -> memref<64x56xi32, #tpu.memory_space<hbm>>
      %dma_wait3A_157 = arith.constant 0 : i32
      %dma_wait3A_158 = arith.constant 0 : i32
      %dma_wait3A_159 = tpu.memref_slice %arg5[%run_scoped3A, %dma_wait3A_157, %dma_wait3A_158] : memref<2x64x56xi32, #tpu.memory_space<vmem>> -> memref<1x64x56xi32, #tpu.memory_space<vmem>>
      %dma_wait3A_160 = tpu.memref_squeeze %dma_wait3A_159 : memref<1x64x56xi32, #tpu.memory_space<vmem>> -> memref<64x56xi32, #tpu.memory_space<vmem>>
      %dma_wait3A_161 = arith.constant 0 : i32
      %dma_wait3A_162 = tpu.memref_slice %arg2[%add3A_4, %dma_wait3A_161] : memref<16384x128xi32, #tpu.memory_space<hbm>> -> memref<64x56xi32, #tpu.memory_space<hbm>>
      tpu.wait_dma2 semaphore(%run_scoped3A_139 : memref<!tpu.dma_semaphore, #tpu.memory_space<semaphore_mem>>) src(%dma_wait3A_162 : memref<64x56xi32, #tpu.memory_space<hbm>>) dst(%dma_wait3A_160 : memref<64x56xi32, #tpu.memory_space<vmem>>)
      tpu.yield
    }) : () -> ()
    %dma_start3A = arith.constant 0 : i32
    %dma_start3A_5 = arith.constant 0 : i32
    %dma_start3A_6 = arith.constant 0 : i32
    %dma_start3A_7 = arith.constant 0 : i32
    %dma_start3A_8 = arith.constant 0 : i32
    %dma_start3A_9 = tpu.memref_slice %arg6[%dma_start3A_6, %dma_start3A_7, %dma_start3A_8] : memref<2x224x128xf32, #tpu.memory_space<vmem>> -> memref<1x224x128xf32, #tpu.memory_space<vmem>>
    %dma_start3A_10 = tpu.memref_squeeze %dma_start3A_9 : memref<1x224x128xf32, #tpu.memory_space<vmem>> -> memref<224x128xf32, #tpu.memory_space<vmem>>
    %dma_start3A_11 = arith.constant 0 : i32
    %dma_start3A_12 = arith.constant 0 : i32
    %dma_start3A_13 = tpu.memref_slice %dma_start3A_10[%dma_start3A_11, %dma_start3A_12] : memref<224x128xf32, #tpu.memory_space<vmem>> -> memref<56x128xf32, #tpu.memory_space<vmem>>
    %dma_start3A_14 = arith.constant 0 : i32
    %dma_start3A_15 = tpu.memref_slice %arg5[%dma_start3A, %dma_start3A_5, %dma_start3A_14] : memref<2x64x56xi32, #tpu.memory_space<vmem>> -> memref<1x1x56xi32, #tpu.memory_space<vmem>>
    %dma_start3A_16 = tpu.memref_squeeze %dma_start3A_15 : memref<1x1x56xi32, #tpu.memory_space<vmem>> -> memref<56xi32, #tpu.memory_space<vmem>>
    %dma_start3A_17 = arith.constant 0 : i32
    %dma_start3A_18 = arith.constant 0 : i32
    %dma_start3A_19 = tpu.memref_slice %arg3[%dma_start3A_17, %dma_start3A_18] : memref<1000000x128xf32, #tpu.memory_space<hbm>> -> memref<1000000x128xf32, #tpu.memory_space<hbm>>
    tpu.enqueue_indirect_dma source(%dma_start3A_19 : memref<1000000x128xf32, #tpu.memory_space<hbm>>) target(%dma_start3A_13 : memref<56x128xf32, #tpu.memory_space<vmem>>) offsets(%dma_start3A_16 : memref<56xi32, #tpu.memory_space<vmem>>) semaphore(%arg8 : memref<!tpu.dma_semaphore, #tpu.memory_space<semaphore_mem>>)
    %dma_start3A_20 = arith.constant 0 : i32
    %dma_start3A_21 = arith.constant 1 : i32
    %dma_start3A_22 = arith.constant 0 : i32
    %dma_start3A_23 = arith.constant 0 : i32
    %dma_start3A_24 = arith.constant 0 : i32
    %dma_start3A_25 = tpu.memref_slice %arg6[%dma_start3A_22, %dma_start3A_23, %dma_start3A_24] : memref<2x224x128xf32, #tpu.memory_space<vmem>> -> memref<1x224x128xf32, #tpu.memory_space<vmem>>
    %dma_start3A_26 = tpu.memref_squeeze %dma_start3A_25 : memref<1x224x128xf32, #tpu.memory_space<vmem>> -> memref<224x128xf32, #tpu.memory_space<vmem>>
    %dma_start3A_27 = arith.constant 56 : i32
    %dma_start3A_28 = arith.constant 0 : i32
    %dma_start3A_29 = tpu.memref_slice %dma_start3A_26[%dma_start3A_27, %dma_start3A_28] : memref<224x128xf32, #tpu.memory_space<vmem>> -> memref<56x128xf32, #tpu.memory_space<vmem>>
    %dma_start3A_30 = arith.constant 0 : i32
    %dma_start3A_31 = tpu.memref_slice %arg5[%dma_start3A_20, %dma_start3A_21, %dma_start3A_30] : memref<2x64x56xi32, #tpu.memory_space<vmem>> -> memref<1x1x56xi32, #tpu.memory_space<vmem>>
    %dma_start3A_32 = tpu.memref_squeeze %dma_start3A_31 : memref<1x1x56xi32, #tpu.memory_space<vmem>> -> memref<56xi32, #tpu.memory_space<vmem>>
    %dma_start3A_33 = arith.constant 0 : i32
    %dma_start3A_34 = arith.constant 0 : i32
    %dma_start3A_35 = tpu.memref_slice %arg3[%dma_start3A_33, %dma_start3A_34] : memref<1000000x128xf32, #tpu.memory_space<hbm>> -> memref<1000000x128xf32, #tpu.memory_space<hbm>>
    tpu.enqueue_indirect_dma source(%dma_start3A_35 : memref<1000000x128xf32, #tpu.memory_space<hbm>>) target(%dma_start3A_29 : memref<56x128xf32, #tpu.memory_space<vmem>>) offsets(%dma_start3A_32 : memref<56xi32, #tpu.memory_space<vmem>>) semaphore(%arg8 : memref<!tpu.dma_semaphore, #tpu.memory_space<semaphore_mem>>)
    %dma_start3A_36 = arith.constant 0 : i32
    %dma_start3A_37 = arith.constant 2 : i32
    %dma_start3A_38 = arith.constant 0 : i32
    %dma_start3A_39 = arith.constant 0 : i32
    %dma_start3A_40 = arith.constant 0 : i32
    %dma_start3A_41 = tpu.memref_slice %arg6[%dma_start3A_38, %dma_start3A_39, %dma_start3A_40] : memref<2x224x128xf32, #tpu.memory_space<vmem>> -> memref<1x224x128xf32, #tpu.memory_space<vmem>>
    %dma_start3A_42 = tpu.memref_squeeze %dma_start3A_41 : memref<1x224x128xf32, #tpu.memory_space<vmem>> -> memref<224x128xf32, #tpu.memory_space<vmem>>
    %dma_start3A_43 = arith.constant 112 : i32
    %dma_start3A_44 = arith.constant 0 : i32
    %dma_start3A_45 = tpu.memref_slice %dma_start3A_42[%dma_start3A_43, %dma_start3A_44] : memref<224x128xf32, #tpu.memory_space<vmem>> -> memref<56x128xf32, #tpu.memory_space<vmem>>
    %dma_start3A_46 = arith.constant 0 : i32
    %dma_start3A_47 = tpu.memref_slice %arg5[%dma_start3A_36, %dma_start3A_37, %dma_start3A_46] : memref<2x64x56xi32, #tpu.memory_space<vmem>> -> memref<1x1x56xi32, #tpu.memory_space<vmem>>
    %dma_start3A_48 = tpu.memref_squeeze %dma_start3A_47 : memref<1x1x56xi32, #tpu.memory_space<vmem>> -> memref<56xi32, #tpu.memory_space<vmem>>
    %dma_start3A_49 = arith.constant 0 : i32
    %dma_start3A_50 = arith.constant 0 : i32
    %dma_start3A_51 = tpu.memref_slice %arg3[%dma_start3A_49, %dma_start3A_50] : memref<1000000x128xf32, #tpu.memory_space<hbm>> -> memref<1000000x128xf32, #tpu.memory_space<hbm>>
    tpu.enqueue_indirect_dma source(%dma_start3A_51 : memref<1000000x128xf32, #tpu.memory_space<hbm>>) target(%dma_start3A_45 : memref<56x128xf32, #tpu.memory_space<vmem>>) offsets(%dma_start3A_48 : memref<56xi32, #tpu.memory_space<vmem>>) semaphore(%arg8 : memref<!tpu.dma_semaphore, #tpu.memory_space<semaphore_mem>>)
    %dma_start3A_52 = arith.constant 0 : i32
    %dma_start3A_53 = arith.constant 3 : i32
    %dma_start3A_54 = arith.constant 0 : i32
    %dma_start3A_55 = arith.constant 0 : i32
    %dma_start3A_56 = arith.constant 0 : i32
    %dma_start3A_57 = tpu.memref_slice %arg6[%dma_start3A_54, %dma_start3A_55, %dma_start3A_56] : memref<2x224x128xf32, #tpu.memory_space<vmem>> -> memref<1x224x128xf32, #tpu.memory_space<vmem>>
    %dma_start3A_58 = tpu.memref_squeeze %dma_start3A_57 : memref<1x224x128xf32, #tpu.memory_space<vmem>> -> memref<224x128xf32, #tpu.memory_space<vmem>>
    %dma_start3A_59 = arith.constant 168 : i32
    %dma_start3A_60 = arith.constant 0 : i32
    %dma_start3A_61 = tpu.memref_slice %dma_start3A_58[%dma_start3A_59, %dma_start3A_60] : memref<224x128xf32, #tpu.memory_space<vmem>> -> memref<56x128xf32, #tpu.memory_space<vmem>>
    %dma_start3A_62 = arith.constant 0 : i32
    %dma_start3A_63 = tpu.memref_slice %arg5[%dma_start3A_52, %dma_start3A_53, %dma_start3A_62] : memref<2x64x56xi32, #tpu.memory_space<vmem>> -> memref<1x1x56xi32, #tpu.memory_space<vmem>>
    %dma_start3A_64 = tpu.memref_squeeze %dma_start3A_63 : memref<1x1x56xi32, #tpu.memory_space<vmem>> -> memref<56xi32, #tpu.memory_space<vmem>>
    %dma_start3A_65 = arith.constant 0 : i32
    %dma_start3A_66 = arith.constant 0 : i32
    %dma_start3A_67 = tpu.memref_slice %arg3[%dma_start3A_65, %dma_start3A_66] : memref<1000000x128xf32, #tpu.memory_space<hbm>> -> memref<1000000x128xf32, #tpu.memory_space<hbm>>
    tpu.enqueue_indirect_dma source(%dma_start3A_67 : memref<1000000x128xf32, #tpu.memory_space<hbm>>) target(%dma_start3A_61 : memref<56x128xf32, #tpu.memory_space<vmem>>) offsets(%dma_start3A_64 : memref<56xi32, #tpu.memory_space<vmem>>) semaphore(%arg8 : memref<!tpu.dma_semaphore, #tpu.memory_space<semaphore_mem>>)
    %dma_start3A_68 = arith.constant 0 : i32
    %dma_start3A_69 = arith.constant 4 : i32
    %dma_start3A_70 = arith.constant 1 : i32
    %dma_start3A_71 = arith.constant 0 : i32
    %dma_start3A_72 = arith.constant 0 : i32
    %dma_start3A_73 = tpu.memref_slice %arg6[%dma_start3A_70, %dma_start3A_71, %dma_start3A_72] : memref<2x224x128xf32, #tpu.memory_space<vmem>> -> memref<1x224x128xf32, #tpu.memory_space<vmem>>
    %dma_start3A_74 = tpu.memref_squeeze %dma_start3A_73 : memref<1x224x128xf32, #tpu.memory_space<vmem>> -> memref<224x128xf32, #tpu.memory_space<vmem>>
    %dma_start3A_75 = arith.constant 0 : i32
    %dma_start3A_76 = arith.constant 0 : i32
    %dma_start3A_77 = tpu.memref_slice %dma_start3A_74[%dma_start3A_75, %dma_start3A_76] : memref<224x128xf32, #tpu.memory_space<vmem>> -> memref<56x128xf32, #tpu.memory_space<vmem>>
    %dma_start3A_78 = arith.constant 0 : i32
    %dma_start3A_79 = tpu.memref_slice %arg5[%dma_start3A_68, %dma_start3A_69, %dma_start3A_78] : memref<2x64x56xi32, #tpu.memory_space<vmem>> -> memref<1x1x56xi32, #tpu.memory_space<vmem>>
    %dma_start3A_80 = tpu.memref_squeeze %dma_start3A_79 : memref<1x1x56xi32, #tpu.memory_space<vmem>> -> memref<56xi32, #tpu.memory_space<vmem>>
    %dma_start3A_81 = arith.constant 0 : i32
    %dma_start3A_82 = arith.constant 0 : i32
    %dma_start3A_83 = tpu.memref_slice %arg3[%dma_start3A_81, %dma_start3A_82] : memref<1000000x128xf32, #tpu.memory_space<hbm>> -> memref<1000000x128xf32, #tpu.memory_space<hbm>>
    tpu.enqueue_indirect_dma source(%dma_start3A_83 : memref<1000000x128xf32, #tpu.memory_space<hbm>>) target(%dma_start3A_77 : memref<56x128xf32, #tpu.memory_space<vmem>>) offsets(%dma_start3A_80 : memref<56xi32, #tpu.memory_space<vmem>>) semaphore(%arg9 : memref<!tpu.dma_semaphore, #tpu.memory_space<semaphore_mem>>)
    %dma_start3A_84 = arith.constant 0 : i32
    %dma_start3A_85 = arith.constant 5 : i32
    %dma_start3A_86 = arith.constant 1 : i32
    %dma_start3A_87 = arith.constant 0 : i32
    %dma_start3A_88 = arith.constant 0 : i32
    %dma_start3A_89 = tpu.memref_slice %arg6[%dma_start3A_86, %dma_start3A_87, %dma_start3A_88] : memref<2x224x128xf32, #tpu.memory_space<vmem>> -> memref<1x224x128xf32, #tpu.memory_space<vmem>>
    %dma_start3A_90 = tpu.memref_squeeze %dma_start3A_89 : memref<1x224x128xf32, #tpu.memory_space<vmem>> -> memref<224x128xf32, #tpu.memory_space<vmem>>
    %dma_start3A_91 = arith.constant 56 : i32
    %dma_start3A_92 = arith.constant 0 : i32
    %dma_start3A_93 = tpu.memref_slice %dma_start3A_90[%dma_start3A_91, %dma_start3A_92] : memref<224x128xf32, #tpu.memory_space<vmem>> -> memref<56x128xf32, #tpu.memory_space<vmem>>
    %dma_start3A_94 = arith.constant 0 : i32
    %dma_start3A_95 = tpu.memref_slice %arg5[%dma_start3A_84, %dma_start3A_85, %dma_start3A_94] : memref<2x64x56xi32, #tpu.memory_space<vmem>> -> memref<1x1x56xi32, #tpu.memory_space<vmem>>
    %dma_start3A_96 = tpu.memref_squeeze %dma_start3A_95 : memref<1x1x56xi32, #tpu.memory_space<vmem>> -> memref<56xi32, #tpu.memory_space<vmem>>
    %dma_start3A_97 = arith.constant 0 : i32
    %dma_start3A_98 = arith.constant 0 : i32
    %dma_start3A_99 = tpu.memref_slice %arg3[%dma_start3A_97, %dma_start3A_98] : memref<1000000x128xf32, #tpu.memory_space<hbm>> -> memref<1000000x128xf32, #tpu.memory_space<hbm>>
    tpu.enqueue_indirect_dma source(%dma_start3A_99 : memref<1000000x128xf32, #tpu.memory_space<hbm>>) target(%dma_start3A_93 : memref<56x128xf32, #tpu.memory_space<vmem>>) offsets(%dma_start3A_96 : memref<56xi32, #tpu.memory_space<vmem>>) semaphore(%arg9 : memref<!tpu.dma_semaphore, #tpu.memory_space<semaphore_mem>>)
    %dma_start3A_100 = arith.constant 0 : i32
    %dma_start3A_101 = arith.constant 6 : i32
    %dma_start3A_102 = arith.constant 1 : i32
    %dma_start3A_103 = arith.constant 0 : i32
    %dma_start3A_104 = arith.constant 0 : i32
    %dma_start3A_105 = tpu.memref_slice %arg6[%dma_start3A_102, %dma_start3A_103, %dma_start3A_104] : memref<2x224x128xf32, #tpu.memory_space<vmem>> -> memref<1x224x128xf32, #tpu.memory_space<vmem>>
    %dma_start3A_106 = tpu.memref_squeeze %dma_start3A_105 : memref<1x224x128xf32, #tpu.memory_space<vmem>> -> memref<224x128xf32, #tpu.memory_space<vmem>>
    %dma_start3A_107 = arith.constant 112 : i32
    %dma_start3A_108 = arith.constant 0 : i32
    %dma_start3A_109 = tpu.memref_slice %dma_start3A_106[%dma_start3A_107, %dma_start3A_108] : memref<224x128xf32, #tpu.memory_space<vmem>> -> memref<56x128xf32, #tpu.memory_space<vmem>>
    %dma_start3A_110 = arith.constant 0 : i32
    %dma_start3A_111 = tpu.memref_slice %arg5[%dma_start3A_100, %dma_start3A_101, %dma_start3A_110] : memref<2x64x56xi32, #tpu.memory_space<vmem>> -> memref<1x1x56xi32, #tpu.memory_space<vmem>>
    %dma_start3A_112 = tpu.memref_squeeze %dma_start3A_111 : memref<1x1x56xi32, #tpu.memory_space<vmem>> -> memref<56xi32, #tpu.memory_space<vmem>>
    %dma_start3A_113 = arith.constant 0 : i32
    %dma_start3A_114 = arith.constant 0 : i32
    %dma_start3A_115 = tpu.memref_slice %arg3[%dma_start3A_113, %dma_start3A_114] : memref<1000000x128xf32, #tpu.memory_space<hbm>> -> memref<1000000x128xf32, #tpu.memory_space<hbm>>
    tpu.enqueue_indirect_dma source(%dma_start3A_115 : memref<1000000x128xf32, #tpu.memory_space<hbm>>) target(%dma_start3A_109 : memref<56x128xf32, #tpu.memory_space<vmem>>) offsets(%dma_start3A_112 : memref<56xi32, #tpu.memory_space<vmem>>) semaphore(%arg9 : memref<!tpu.dma_semaphore, #tpu.memory_space<semaphore_mem>>)
    %dma_start3A_116 = arith.constant 0 : i32
    %dma_start3A_117 = arith.constant 7 : i32
    %dma_start3A_118 = arith.constant 1 : i32
    %dma_start3A_119 = arith.constant 0 : i32
    %dma_start3A_120 = arith.constant 0 : i32
    %dma_start3A_121 = tpu.memref_slice %arg6[%dma_start3A_118, %dma_start3A_119, %dma_start3A_120] : memref<2x224x128xf32, #tpu.memory_space<vmem>> -> memref<1x224x128xf32, #tpu.memory_space<vmem>>
    %dma_start3A_122 = tpu.memref_squeeze %dma_start3A_121 : memref<1x224x128xf32, #tpu.memory_space<vmem>> -> memref<224x128xf32, #tpu.memory_space<vmem>>
    %dma_start3A_123 = arith.constant 168 : i32
    %dma_start3A_124 = arith.constant 0 : i32
    %dma_start3A_125 = tpu.memref_slice %dma_start3A_122[%dma_start3A_123, %dma_start3A_124] : memref<224x128xf32, #tpu.memory_space<vmem>> -> memref<56x128xf32, #tpu.memory_space<vmem>>
    %dma_start3A_126 = arith.constant 0 : i32
    %dma_start3A_127 = tpu.memref_slice %arg5[%dma_start3A_116, %dma_start3A_117, %dma_start3A_126] : memref<2x64x56xi32, #tpu.memory_space<vmem>> -> memref<1x1x56xi32, #tpu.memory_space<vmem>>
    %dma_start3A_128 = tpu.memref_squeeze %dma_start3A_127 : memref<1x1x56xi32, #tpu.memory_space<vmem>> -> memref<56xi32, #tpu.memory_space<vmem>>
    %dma_start3A_129 = arith.constant 0 : i32
    %dma_start3A_130 = arith.constant 0 : i32
    %dma_start3A_131 = tpu.memref_slice %arg3[%dma_start3A_129, %dma_start3A_130] : memref<1000000x128xf32, #tpu.memory_space<hbm>> -> memref<1000000x128xf32, #tpu.memory_space<hbm>>
    tpu.enqueue_indirect_dma source(%dma_start3A_131 : memref<1000000x128xf32, #tpu.memory_space<hbm>>) target(%dma_start3A_125 : memref<56x128xf32, #tpu.memory_space<vmem>>) offsets(%dma_start3A_128 : memref<56xi32, #tpu.memory_space<vmem>>) semaphore(%arg9 : memref<!tpu.dma_semaphore, #tpu.memory_space<semaphore_mem>>)
    %scan3A = arith.constant 0 : i32
    %scan3A_132 = arith.constant 0 : i32
    %scan3A_133 = arith.constant 1 : i32
    %scan3A_134 = arith.constant 0 : i32
    %scan3A_135 = arith.constant 64 : i32
    %scan3A_136 = arith.addi %scan3A_134, %scan3A_135 : i32
    %scan3A_137 = arith.constant 1 : i32
    scf.for %scan3A_139 = %scan3A_134 to %scan3A_136 step %scan3A_137  : i32 {
      %mul3A_140 = arith.constant 2 : i32
      %mul3A_141 = arith.muli %mul3A_140, %scan3A_139 : i32
      %add3A_142 = arith.constant 0 : i32
      %add3A_143 = arith.addi %mul3A_141, %add3A_142 : i32
      %jit3A = arith.constant 16 : i32
      %div3A = arith.divsi %add3A_143, %jit3A : i32
      %sign3A = arith.constant 0 : i32
      %sign3A_144 = arith.cmpi sgt, %add3A_143, %sign3A : i32
      %sign3A_145 = arith.extui %sign3A_144 : i1 to i32
      %sign3A_146 = arith.constant 0 : i32
      %sign3A_147 = arith.cmpi slt, %add3A_143, %sign3A_146 : i32
      %sign3A_148 = arith.extui %sign3A_147 : i1 to i32
      %sign3A_149 = arith.subi %sign3A_145, %sign3A_148 : i32
      %sign3A_150 = arith.constant 0 : i32
      %sign3A_151 = arith.cmpi sgt, %jit3A, %sign3A_150 : i32
      %sign3A_152 = arith.extui %sign3A_151 : i1 to i32
      %sign3A_153 = arith.constant 0 : i32
      %sign3A_154 = arith.cmpi slt, %jit3A, %sign3A_153 : i32
      %sign3A_155 = arith.extui %sign3A_154 : i1 to i32
      %sign3A_156 = arith.subi %sign3A_152, %sign3A_155 : i32
      %ne3A = arith.cmpi ne, %sign3A_149, %sign3A_156 : i32
      %rem3A = arith.remsi %add3A_143, %jit3A : i32
      %ne3A_157 = arith.constant 0 : i32
      %ne3A_158 = arith.cmpi ne, %rem3A, %ne3A_157 : i32
      %and3A = arith.andi %ne3A, %ne3A_158 : i1
      %sub3A = arith.constant 1 : i32
      %sub3A_159 = arith.subi %div3A, %sub3A : i32
      %select_n3A = arith.select %and3A, %sub3A_159, %div3A : i32
      %jit3A_160 = arith.constant 16 : i32
      %eq3A = arith.constant 0 : i32
      %eq3A_161 = arith.cmpi eq, %jit3A_160, %eq3A : i32
      %jit3A_162 = arith.constant 1 : i32
      %select_n3A_163 = arith.select %eq3A_161, %jit3A_162, %jit3A_160 : i32
      %rem3A_164 = arith.remsi %add3A_143, %select_n3A_163 : i32
      %ne3A_165 = arith.constant 0 : i32
      %ne3A_166 = arith.cmpi ne, %rem3A_164, %ne3A_165 : i32
      %lt3A = arith.constant 0 : i32
      %lt3A_167 = arith.cmpi slt, %rem3A_164, %lt3A : i32
      %lt3A_168 = arith.constant 0 : i32
      %lt3A_169 = arith.cmpi slt, %select_n3A_163, %lt3A_168 : i32
      %ne3A_170 = arith.xori %lt3A_167, %lt3A_169 : i1
      %and3A_171 = arith.andi %ne3A_170, %ne3A_166 : i1
      %add3A_172 = arith.addi %rem3A_164, %select_n3A_163 : i32
      %select_n3A_173 = arith.select %and3A_171, %add3A_172, %rem3A_164 : i32
      %mul3A_174 = arith.constant 4 : i32
      %mul3A_175 = arith.muli %select_n3A_173, %mul3A_174 : i32
      %add3A_176 = arith.constant 0 : i32
      %add3A_177 = arith.addi %mul3A_175, %add3A_176 : i32
      %jit3A_178 = arith.constant 2 : i32
      %eq3A_179 = arith.constant 0 : i32
      %eq3A_180 = arith.cmpi eq, %jit3A_178, %eq3A_179 : i32
      %jit3A_181 = arith.constant 1 : i32
      %select_n3A_182 = arith.select %eq3A_180, %jit3A_181, %jit3A_178 : i32
      %rem3A_183 = arith.remsi %select_n3A, %select_n3A_182 : i32
      %ne3A_184 = arith.constant 0 : i32
      %ne3A_185 = arith.cmpi ne, %rem3A_183, %ne3A_184 : i32
      %lt3A_186 = arith.constant 0 : i32
      %lt3A_187 = arith.cmpi slt, %rem3A_183, %lt3A_186 : i32
      %lt3A_188 = arith.constant 0 : i32
      %lt3A_189 = arith.cmpi slt, %select_n3A_182, %lt3A_188 : i32
      %ne3A_190 = arith.xori %lt3A_187, %lt3A_189 : i1
      %and3A_191 = arith.andi %ne3A_190, %ne3A_185 : i1
      %add3A_192 = arith.addi %rem3A_183, %select_n3A_182 : i32
      %select_n3A_193 = arith.select %and3A_191, %add3A_192, %rem3A_183 : i32
      %dma_wait3A = arith.constant 0 : i32
      %dma_wait3A_194 = arith.constant 0 : i32
      %dma_wait3A_195 = tpu.memref_slice %arg6[%scan3A_132, %dma_wait3A, %dma_wait3A_194] : memref<2x224x128xf32, #tpu.memory_space<vmem>> -> memref<1x224x128xf32, #tpu.memory_space<vmem>>
      %dma_wait3A_196 = tpu.memref_squeeze %dma_wait3A_195 : memref<1x224x128xf32, #tpu.memory_space<vmem>> -> memref<224x128xf32, #tpu.memory_space<vmem>>
      %dma_wait3A_197 = arith.constant 0 : i32
      %dma_wait3A_198 = arith.constant 0 : i32
      %dma_wait3A_199 = tpu.memref_slice %dma_wait3A_196[%dma_wait3A_197, %dma_wait3A_198] : memref<224x128xf32, #tpu.memory_space<vmem>> -> memref<56x128xf32, #tpu.memory_space<vmem>>
      %dma_wait3A_200 = arith.constant 0 : i32
      %dma_wait3A_201 = tpu.memref_slice %arg5[%select_n3A_193, %add3A_177, %dma_wait3A_200] : memref<2x64x56xi32, #tpu.memory_space<vmem>> -> memref<1x1x56xi32, #tpu.memory_space<vmem>>
      %dma_wait3A_202 = tpu.memref_squeeze %dma_wait3A_201 : memref<1x1x56xi32, #tpu.memory_space<vmem>> -> memref<56xi32, #tpu.memory_space<vmem>>
      %dma_wait3A_203 = arith.constant 0 : i32
      %dma_wait3A_204 = arith.constant 0 : i32
      %dma_wait3A_205 = tpu.memref_slice %arg3[%dma_wait3A_203, %dma_wait3A_204] : memref<1000000x128xf32, #tpu.memory_space<hbm>> -> memref<1000000x128xf32, #tpu.memory_space<hbm>>
      tpu.wait_indirect_dma semaphore(%arg8 : memref<!tpu.dma_semaphore, #tpu.memory_space<semaphore_mem>>) src(%dma_wait3A_205 : memref<1000000x128xf32, #tpu.memory_space<hbm>>) dst(%dma_wait3A_199 : memref<56x128xf32, #tpu.memory_space<vmem>>)
      %jit3A_206 = arith.constant 16 : i32
      %div3A_207 = arith.divsi %add3A_143, %jit3A_206 : i32
      %sign3A_208 = arith.constant 0 : i32
      %sign3A_209 = arith.cmpi sgt, %add3A_143, %sign3A_208 : i32
      %sign3A_210 = arith.extui %sign3A_209 : i1 to i32
      %sign3A_211 = arith.constant 0 : i32
      %sign3A_212 = arith.cmpi slt, %add3A_143, %sign3A_211 : i32
      %sign3A_213 = arith.extui %sign3A_212 : i1 to i32
      %sign3A_214 = arith.subi %sign3A_210, %sign3A_213 : i32
      %sign3A_215 = arith.constant 0 : i32
      %sign3A_216 = arith.cmpi sgt, %jit3A_206, %sign3A_215 : i32
      %sign3A_217 = arith.extui %sign3A_216 : i1 to i32
      %sign3A_218 = arith.constant 0 : i32
      %sign3A_219 = arith.cmpi slt, %jit3A_206, %sign3A_218 : i32
      %sign3A_220 = arith.extui %sign3A_219 : i1 to i32
      %sign3A_221 = arith.subi %sign3A_217, %sign3A_220 : i32
      %ne3A_222 = arith.cmpi ne, %sign3A_214, %sign3A_221 : i32
      %rem3A_223 = arith.remsi %add3A_143, %jit3A_206 : i32
      %ne3A_224 = arith.constant 0 : i32
      %ne3A_225 = arith.cmpi ne, %rem3A_223, %ne3A_224 : i32
      %and3A_226 = arith.andi %ne3A_222, %ne3A_225 : i1
      %sub3A_227 = arith.constant 1 : i32
      %sub3A_228 = arith.subi %div3A_207, %sub3A_227 : i32
      %select_n3A_229 = arith.select %and3A_226, %sub3A_228, %div3A_207 : i32
      %jit3A_230 = arith.constant 16 : i32
      %eq3A_231 = arith.constant 0 : i32
      %eq3A_232 = arith.cmpi eq, %jit3A_230, %eq3A_231 : i32
      %jit3A_233 = arith.constant 1 : i32
      %select_n3A_234 = arith.select %eq3A_232, %jit3A_233, %jit3A_230 : i32
      %rem3A_235 = arith.remsi %add3A_143, %select_n3A_234 : i32
      %ne3A_236 = arith.constant 0 : i32
      %ne3A_237 = arith.cmpi ne, %rem3A_235, %ne3A_236 : i32
      %lt3A_238 = arith.constant 0 : i32
      %lt3A_239 = arith.cmpi slt, %rem3A_235, %lt3A_238 : i32
      %lt3A_240 = arith.constant 0 : i32
      %lt3A_241 = arith.cmpi slt, %select_n3A_234, %lt3A_240 : i32
      %ne3A_242 = arith.xori %lt3A_239, %lt3A_241 : i1
      %and3A_243 = arith.andi %ne3A_242, %ne3A_237 : i1
      %add3A_244 = arith.addi %rem3A_235, %select_n3A_234 : i32
      %select_n3A_245 = arith.select %and3A_243, %add3A_244, %rem3A_235 : i32
      %mul3A_246 = arith.constant 4 : i32
      %mul3A_247 = arith.muli %select_n3A_245, %mul3A_246 : i32
      %add3A_248 = arith.constant 1 : i32
      %add3A_249 = arith.addi %mul3A_247, %add3A_248 : i32
      %jit3A_250 = arith.constant 2 : i32
      %eq3A_251 = arith.constant 0 : i32
      %eq3A_252 = arith.cmpi eq, %jit3A_250, %eq3A_251 : i32
      %jit3A_253 = arith.constant 1 : i32
      %select_n3A_254 = arith.select %eq3A_252, %jit3A_253, %jit3A_250 : i32
      %rem3A_255 = arith.remsi %select_n3A_229, %select_n3A_254 : i32
      %ne3A_256 = arith.constant 0 : i32
      %ne3A_257 = arith.cmpi ne, %rem3A_255, %ne3A_256 : i32
      %lt3A_258 = arith.constant 0 : i32
      %lt3A_259 = arith.cmpi slt, %rem3A_255, %lt3A_258 : i32
      %lt3A_260 = arith.constant 0 : i32
      %lt3A_261 = arith.cmpi slt, %select_n3A_254, %lt3A_260 : i32
      %ne3A_262 = arith.xori %lt3A_259, %lt3A_261 : i1
      %and3A_263 = arith.andi %ne3A_262, %ne3A_257 : i1
      %add3A_264 = arith.addi %rem3A_255, %select_n3A_254 : i32
      %select_n3A_265 = arith.select %and3A_263, %add3A_264, %rem3A_255 : i32
      %dma_wait3A_266 = arith.constant 0 : i32
      %dma_wait3A_267 = arith.constant 0 : i32
      %dma_wait3A_268 = tpu.memref_slice %arg6[%scan3A_132, %dma_wait3A_266, %dma_wait3A_267] : memref<2x224x128xf32, #tpu.memory_space<vmem>> -> memref<1x224x128xf32, #tpu.memory_space<vmem>>
      %dma_wait3A_269 = tpu.memref_squeeze %dma_wait3A_268 : memref<1x224x128xf32, #tpu.memory_space<vmem>> -> memref<224x128xf32, #tpu.memory_space<vmem>>
      %dma_wait3A_270 = arith.constant 56 : i32
      %dma_wait3A_271 = arith.constant 0 : i32
      %dma_wait3A_272 = tpu.memref_slice %dma_wait3A_269[%dma_wait3A_270, %dma_wait3A_271] : memref<224x128xf32, #tpu.memory_space<vmem>> -> memref<56x128xf32, #tpu.memory_space<vmem>>
      %dma_wait3A_273 = arith.constant 0 : i32
      %dma_wait3A_274 = tpu.memref_slice %arg5[%select_n3A_265, %add3A_249, %dma_wait3A_273] : memref<2x64x56xi32, #tpu.memory_space<vmem>> -> memref<1x1x56xi32, #tpu.memory_space<vmem>>
      %dma_wait3A_275 = tpu.memref_squeeze %dma_wait3A_274 : memref<1x1x56xi32, #tpu.memory_space<vmem>> -> memref<56xi32, #tpu.memory_space<vmem>>
      %dma_wait3A_276 = arith.constant 0 : i32
      %dma_wait3A_277 = arith.constant 0 : i32
      %dma_wait3A_278 = tpu.memref_slice %arg3[%dma_wait3A_276, %dma_wait3A_277] : memref<1000000x128xf32, #tpu.memory_space<hbm>> -> memref<1000000x128xf32, #tpu.memory_space<hbm>>
      tpu.wait_indirect_dma semaphore(%arg8 : memref<!tpu.dma_semaphore, #tpu.memory_space<semaphore_mem>>) src(%dma_wait3A_278 : memref<1000000x128xf32, #tpu.memory_space<hbm>>) dst(%dma_wait3A_272 : memref<56x128xf32, #tpu.memory_space<vmem>>)
      %jit3A_279 = arith.constant 16 : i32
      %div3A_280 = arith.divsi %add3A_143, %jit3A_279 : i32
      %sign3A_281 = arith.constant 0 : i32
      %sign3A_282 = arith.cmpi sgt, %add3A_143, %sign3A_281 : i32
      %sign3A_283 = arith.extui %sign3A_282 : i1 to i32
      %sign3A_284 = arith.constant 0 : i32
      %sign3A_285 = arith.cmpi slt, %add3A_143, %sign3A_284 : i32
      %sign3A_286 = arith.extui %sign3A_285 : i1 to i32
      %sign3A_287 = arith.subi %sign3A_283, %sign3A_286 : i32
      %sign3A_288 = arith.constant 0 : i32
      %sign3A_289 = arith.cmpi sgt, %jit3A_279, %sign3A_288 : i32
      %sign3A_290 = arith.extui %sign3A_289 : i1 to i32
      %sign3A_291 = arith.constant 0 : i32
      %sign3A_292 = arith.cmpi slt, %jit3A_279, %sign3A_291 : i32
      %sign3A_293 = arith.extui %sign3A_292 : i1 to i32
      %sign3A_294 = arith.subi %sign3A_290, %sign3A_293 : i32
      %ne3A_295 = arith.cmpi ne, %sign3A_287, %sign3A_294 : i32
      %rem3A_296 = arith.remsi %add3A_143, %jit3A_279 : i32
      %ne3A_297 = arith.constant 0 : i32
      %ne3A_298 = arith.cmpi ne, %rem3A_296, %ne3A_297 : i32
      %and3A_299 = arith.andi %ne3A_295, %ne3A_298 : i1
      %sub3A_300 = arith.constant 1 : i32
      %sub3A_301 = arith.subi %div3A_280, %sub3A_300 : i32
      %select_n3A_302 = arith.select %and3A_299, %sub3A_301, %div3A_280 : i32
      %jit3A_303 = arith.constant 16 : i32
      %eq3A_304 = arith.constant 0 : i32
      %eq3A_305 = arith.cmpi eq, %jit3A_303, %eq3A_304 : i32
      %jit3A_306 = arith.constant 1 : i32
      %select_n3A_307 = arith.select %eq3A_305, %jit3A_306, %jit3A_303 : i32
      %rem3A_308 = arith.remsi %add3A_143, %select_n3A_307 : i32
      %ne3A_309 = arith.constant 0 : i32
      %ne3A_310 = arith.cmpi ne, %rem3A_308, %ne3A_309 : i32
      %lt3A_311 = arith.constant 0 : i32
      %lt3A_312 = arith.cmpi slt, %rem3A_308, %lt3A_311 : i32
      %lt3A_313 = arith.constant 0 : i32
      %lt3A_314 = arith.cmpi slt, %select_n3A_307, %lt3A_313 : i32
      %ne3A_315 = arith.xori %lt3A_312, %lt3A_314 : i1
      %and3A_316 = arith.andi %ne3A_315, %ne3A_310 : i1
      %add3A_317 = arith.addi %rem3A_308, %select_n3A_307 : i32
      %select_n3A_318 = arith.select %and3A_316, %add3A_317, %rem3A_308 : i32
      %mul3A_319 = arith.constant 4 : i32
      %mul3A_320 = arith.muli %select_n3A_318, %mul3A_319 : i32
      %add3A_321 = arith.constant 2 : i32
      %add3A_322 = arith.addi %mul3A_320, %add3A_321 : i32
      %jit3A_323 = arith.constant 2 : i32
      %eq3A_324 = arith.constant 0 : i32
      %eq3A_325 = arith.cmpi eq, %jit3A_323, %eq3A_324 : i32
      %jit3A_326 = arith.constant 1 : i32
      %select_n3A_327 = arith.select %eq3A_325, %jit3A_326, %jit3A_323 : i32
      %rem3A_328 = arith.remsi %select_n3A_302, %select_n3A_327 : i32
      %ne3A_329 = arith.constant 0 : i32
      %ne3A_330 = arith.cmpi ne, %rem3A_328, %ne3A_329 : i32
      %lt3A_331 = arith.constant 0 : i32
      %lt3A_332 = arith.cmpi slt, %rem3A_328, %lt3A_331 : i32
      %lt3A_333 = arith.constant 0 : i32
      %lt3A_334 = arith.cmpi slt, %select_n3A_327, %lt3A_333 : i32
      %ne3A_335 = arith.xori %lt3A_332, %lt3A_334 : i1
      %and3A_336 = arith.andi %ne3A_335, %ne3A_330 : i1
      %add3A_337 = arith.addi %rem3A_328, %select_n3A_327 : i32
      %select_n3A_338 = arith.select %and3A_336, %add3A_337, %rem3A_328 : i32
      %dma_wait3A_339 = arith.constant 0 : i32
      %dma_wait3A_340 = arith.constant 0 : i32
      %dma_wait3A_341 = tpu.memref_slice %arg6[%scan3A_132, %dma_wait3A_339, %dma_wait3A_340] : memref<2x224x128xf32, #tpu.memory_space<vmem>> -> memref<1x224x128xf32, #tpu.memory_space<vmem>>
      %dma_wait3A_342 = tpu.memref_squeeze %dma_wait3A_341 : memref<1x224x128xf32, #tpu.memory_space<vmem>> -> memref<224x128xf32, #tpu.memory_space<vmem>>
      %dma_wait3A_343 = arith.constant 112 : i32
      %dma_wait3A_344 = arith.constant 0 : i32
      %dma_wait3A_345 = tpu.memref_slice %dma_wait3A_342[%dma_wait3A_343, %dma_wait3A_344] : memref<224x128xf32, #tpu.memory_space<vmem>> -> memref<56x128xf32, #tpu.memory_space<vmem>>
      %dma_wait3A_346 = arith.constant 0 : i32
      %dma_wait3A_347 = tpu.memref_slice %arg5[%select_n3A_338, %add3A_322, %dma_wait3A_346] : memref<2x64x56xi32, #tpu.memory_space<vmem>> -> memref<1x1x56xi32, #tpu.memory_space<vmem>>
      %dma_wait3A_348 = tpu.memref_squeeze %dma_wait3A_347 : memref<1x1x56xi32, #tpu.memory_space<vmem>> -> memref<56xi32, #tpu.memory_space<vmem>>
      %dma_wait3A_349 = arith.constant 0 : i32
      %dma_wait3A_350 = arith.constant 0 : i32
      %dma_wait3A_351 = tpu.memref_slice %arg3[%dma_wait3A_349, %dma_wait3A_350] : memref<1000000x128xf32, #tpu.memory_space<hbm>> -> memref<1000000x128xf32, #tpu.memory_space<hbm>>
      tpu.wait_indirect_dma semaphore(%arg8 : memref<!tpu.dma_semaphore, #tpu.memory_space<semaphore_mem>>) src(%dma_wait3A_351 : memref<1000000x128xf32, #tpu.memory_space<hbm>>) dst(%dma_wait3A_345 : memref<56x128xf32, #tpu.memory_space<vmem>>)
      %jit3A_352 = arith.constant 16 : i32
      %div3A_353 = arith.divsi %add3A_143, %jit3A_352 : i32
      %sign3A_354 = arith.constant 0 : i32
      %sign3A_355 = arith.cmpi sgt, %add3A_143, %sign3A_354 : i32
      %sign3A_356 = arith.extui %sign3A_355 : i1 to i32
      %sign3A_357 = arith.constant 0 : i32
      %sign3A_358 = arith.cmpi slt, %add3A_143, %sign3A_357 : i32
      %sign3A_359 = arith.extui %sign3A_358 : i1 to i32
      %sign3A_360 = arith.subi %sign3A_356, %sign3A_359 : i32
      %sign3A_361 = arith.constant 0 : i32
      %sign3A_362 = arith.cmpi sgt, %jit3A_352, %sign3A_361 : i32
      %sign3A_363 = arith.extui %sign3A_362 : i1 to i32
      %sign3A_364 = arith.constant 0 : i32
      %sign3A_365 = arith.cmpi slt, %jit3A_352, %sign3A_364 : i32
      %sign3A_366 = arith.extui %sign3A_365 : i1 to i32
      %sign3A_367 = arith.subi %sign3A_363, %sign3A_366 : i32
      %ne3A_368 = arith.cmpi ne, %sign3A_360, %sign3A_367 : i32
      %rem3A_369 = arith.remsi %add3A_143, %jit3A_352 : i32
      %ne3A_370 = arith.constant 0 : i32
      %ne3A_371 = arith.cmpi ne, %rem3A_369, %ne3A_370 : i32
      %and3A_372 = arith.andi %ne3A_368, %ne3A_371 : i1
      %sub3A_373 = arith.constant 1 : i32
      %sub3A_374 = arith.subi %div3A_353, %sub3A_373 : i32
      %select_n3A_375 = arith.select %and3A_372, %sub3A_374, %div3A_353 : i32
      %jit3A_376 = arith.constant 16 : i32
      %eq3A_377 = arith.constant 0 : i32
      %eq3A_378 = arith.cmpi eq, %jit3A_376, %eq3A_377 : i32
      %jit3A_379 = arith.constant 1 : i32
      %select_n3A_380 = arith.select %eq3A_378, %jit3A_379, %jit3A_376 : i32
      %rem3A_381 = arith.remsi %add3A_143, %select_n3A_380 : i32
      %ne3A_382 = arith.constant 0 : i32
      %ne3A_383 = arith.cmpi ne, %rem3A_381, %ne3A_382 : i32
      %lt3A_384 = arith.constant 0 : i32
      %lt3A_385 = arith.cmpi slt, %rem3A_381, %lt3A_384 : i32
      %lt3A_386 = arith.constant 0 : i32
      %lt3A_387 = arith.cmpi slt, %select_n3A_380, %lt3A_386 : i32
      %ne3A_388 = arith.xori %lt3A_385, %lt3A_387 : i1
      %and3A_389 = arith.andi %ne3A_388, %ne3A_383 : i1
      %add3A_390 = arith.addi %rem3A_381, %select_n3A_380 : i32
      %select_n3A_391 = arith.select %and3A_389, %add3A_390, %rem3A_381 : i32
      %mul3A_392 = arith.constant 4 : i32
      %mul3A_393 = arith.muli %select_n3A_391, %mul3A_392 : i32
      %add3A_394 = arith.constant 3 : i32
      %add3A_395 = arith.addi %mul3A_393, %add3A_394 : i32
      %jit3A_396 = arith.constant 2 : i32
      %eq3A_397 = arith.constant 0 : i32
      %eq3A_398 = arith.cmpi eq, %jit3A_396, %eq3A_397 : i32
      %jit3A_399 = arith.constant 1 : i32
      %select_n3A_400 = arith.select %eq3A_398, %jit3A_399, %jit3A_396 : i32
      %rem3A_401 = arith.remsi %select_n3A_375, %select_n3A_400 : i32
      %ne3A_402 = arith.constant 0 : i32
      %ne3A_403 = arith.cmpi ne, %rem3A_401, %ne3A_402 : i32
      %lt3A_404 = arith.constant 0 : i32
      %lt3A_405 = arith.cmpi slt, %rem3A_401, %lt3A_404 : i32
      %lt3A_406 = arith.constant 0 : i32
      %lt3A_407 = arith.cmpi slt, %select_n3A_400, %lt3A_406 : i32
      %ne3A_408 = arith.xori %lt3A_405, %lt3A_407 : i1
      %and3A_409 = arith.andi %ne3A_408, %ne3A_403 : i1
      %add3A_410 = arith.addi %rem3A_401, %select_n3A_400 : i32
      %select_n3A_411 = arith.select %and3A_409, %add3A_410, %rem3A_401 : i32
      %dma_wait3A_412 = arith.constant 0 : i32
      %dma_wait3A_413 = arith.constant 0 : i32
      %dma_wait3A_414 = tpu.memref_slice %arg6[%scan3A_132, %dma_wait3A_412, %dma_wait3A_413] : memref<2x224x128xf32, #tpu.memory_space<vmem>> -> memref<1x224x128xf32, #tpu.memory_space<vmem>>
      %dma_wait3A_415 = tpu.memref_squeeze %dma_wait3A_414 : memref<1x224x128xf32, #tpu.memory_space<vmem>> -> memref<224x128xf32, #tpu.memory_space<vmem>>
      %dma_wait3A_416 = arith.constant 168 : i32
      %dma_wait3A_417 = arith.constant 0 : i32
      %dma_wait3A_418 = tpu.memref_slice %dma_wait3A_415[%dma_wait3A_416, %dma_wait3A_417] : memref<224x128xf32, #tpu.memory_space<vmem>> -> memref<56x128xf32, #tpu.memory_space<vmem>>
      %dma_wait3A_419 = arith.constant 0 : i32
      %dma_wait3A_420 = tpu.memref_slice %arg5[%select_n3A_411, %add3A_395, %dma_wait3A_419] : memref<2x64x56xi32, #tpu.memory_space<vmem>> -> memref<1x1x56xi32, #tpu.memory_space<vmem>>
      %dma_wait3A_421 = tpu.memref_squeeze %dma_wait3A_420 : memref<1x1x56xi32, #tpu.memory_space<vmem>> -> memref<56xi32, #tpu.memory_space<vmem>>
      %dma_wait3A_422 = arith.constant 0 : i32
      %dma_wait3A_423 = arith.constant 0 : i32
      %dma_wait3A_424 = tpu.memref_slice %arg3[%dma_wait3A_422, %dma_wait3A_423] : memref<1000000x128xf32, #tpu.memory_space<hbm>> -> memref<1000000x128xf32, #tpu.memory_space<hbm>>
      tpu.wait_indirect_dma semaphore(%arg8 : memref<!tpu.dma_semaphore, #tpu.memory_space<semaphore_mem>>) src(%dma_wait3A_424 : memref<1000000x128xf32, #tpu.memory_space<hbm>>) dst(%dma_wait3A_418 : memref<56x128xf32, #tpu.memory_space<vmem>>)
      %scan3A_425 = arith.constant 0 : i32
      %scan3A_426 = arith.constant 0 : i32
      %scan3A_427 = arith.constant 4 : i32
      %scan3A_428 = arith.addi %scan3A_426, %scan3A_427 : i32
      %scan3A_429 = arith.constant 1 : i32
      scf.for %scan3A_741 = %scan3A_426 to %scan3A_428 step %scan3A_429  : i32 {
        %mul3A_742 = arith.constant 56 : i32
        %mul3A_743 = arith.muli %scan3A_741, %mul3A_742 : i32
        %broadcast_in_dim3A = arith.constant 0.000000e+00 : f32
        %broadcast_in_dim3A_744 = vector.broadcast %broadcast_in_dim3A : f32 to vector<16xf32>
        %scan3A_745 = arith.constant 0 : i32
        %scan3A_746 = arith.constant 5 : i32
        %scan3A_747 = arith.addi %scan3A_745, %scan3A_746 : i32
        %scan3A_748 = arith.constant 1 : i32
        %scan3A_749:4 = scf.for %scan3A_773 = %scan3A_745 to %scan3A_747 step %scan3A_748 iter_args(%scan3A_774 = %broadcast_in_dim3A_744, %scan3A_775 = %broadcast_in_dim3A_744, %scan3A_776 = %broadcast_in_dim3A_744, %scan3A_777 = %broadcast_in_dim3A_744) -> (vector<16xf32>, vector<16xf32>, vector<16xf32>, vector<16xf32>)  : i32 {
          %mul3A_778 = arith.constant 10 : i32
          %mul3A_779 = arith.muli %scan3A_773, %mul3A_778 : i32
          %add3A_780 = arith.addi %mul3A_743, %mul3A_779 : i32
          %add3A_781 = arith.constant 0 : i32
          %add3A_782 = arith.addi %add3A_780, %add3A_781 : i32
          %get3A = arith.constant 0 : i32
          %get3A_783 = arith.constant 0 : i32
          %get3A_784 = tpu.memref_slice %arg6[%scan3A_132, %get3A, %get3A_783] : memref<2x224x128xf32, #tpu.memory_space<vmem>> -> memref<1x224x128xf32, #tpu.memory_space<vmem>>
          %get3A_785 = tpu.memref_squeeze %get3A_784 : memref<1x224x128xf32, #tpu.memory_space<vmem>> -> memref<224x128xf32, #tpu.memory_space<vmem>>
          %get3A_786 = arith.index_cast %add3A_782 : i32 to index
          %get3A_787 = arith.constant 0 : index
          %get3A_788 = tpu.vector_load %get3A_785[%get3A_786, %get3A_787] {strides = array<i32>} : memref<224x128xf32, #tpu.memory_space<vmem>>, vector<1x16xf32>,
          %get3A_789 = vector.shape_cast %get3A_788 : vector<1x16xf32> to vector<16xf32>
          %add3A_790 = arith.addf %scan3A_774, %get3A_789 : vector<16xf32>
          %get3A_791 = arith.constant 0 : i32
          %get3A_792 = arith.constant 0 : i32
          %get3A_793 = tpu.memref_slice %arg6[%scan3A_132, %get3A_791, %get3A_792] : memref<2x224x128xf32, #tpu.memory_space<vmem>> -> memref<1x224x128xf32, #tpu.memory_space<vmem>>
          %get3A_794 = tpu.memref_squeeze %get3A_793 : memref<1x224x128xf32, #tpu.memory_space<vmem>> -> memref<224x128xf32, #tpu.memory_space<vmem>>
          %get3A_795 = arith.index_cast %add3A_782 : i32 to index
          %get3A_796 = arith.constant 16 : index
          %get3A_797 = tpu.vector_load %get3A_794[%get3A_795, %get3A_796] {strides = array<i32>} : memref<224x128xf32, #tpu.memory_space<vmem>>, vector<1x16xf32>,
          %get3A_798 = vector.shape_cast %get3A_797 : vector<1x16xf32> to vector<16xf32>
          %add3A_799 = arith.addf %scan3A_775, %get3A_798 : vector<16xf32>
          %get3A_800 = arith.constant 0 : i32
          %get3A_801 = arith.constant 0 : i32
          %get3A_802 = tpu.memref_slice %arg6[%scan3A_132, %get3A_800, %get3A_801] : memref<2x224x128xf32, #tpu.memory_space<vmem>> -> memref<1x224x128xf32, #tpu.memory_space<vmem>>
          %get3A_803 = tpu.memref_squeeze %get3A_802 : memref<1x224x128xf32, #tpu.memory_space<vmem>> -> memref<224x128xf32, #tpu.memory_space<vmem>>
          %get3A_804 = arith.index_cast %add3A_782 : i32 to index
          %get3A_805 = arith.constant 32 : index
          %get3A_806 = tpu.vector_load %get3A_803[%get3A_804, %get3A_805] {strides = array<i32>} : memref<224x128xf32, #tpu.memory_space<vmem>>, vector<1x16xf32>,
          %get3A_807 = vector.shape_cast %get3A_806 : vector<1x16xf32> to vector<16xf32>
          %add3A_808 = arith.addf %scan3A_776, %get3A_807 : vector<16xf32>
          %get3A_809 = arith.constant 0 : i32
          %get3A_810 = arith.constant 0 : i32
          %get3A_811 = tpu.memref_slice %arg6[%scan3A_132, %get3A_809, %get3A_810] : memref<2x224x128xf32, #tpu.memory_space<vmem>> -> memref<1x224x128xf32, #tpu.memory_space<vmem>>
          %get3A_812 = tpu.memref_squeeze %get3A_811 : memref<1x224x128xf32, #tpu.memory_space<vmem>> -> memref<224x128xf32, #tpu.memory_space<vmem>>
          %get3A_813 = arith.index_cast %add3A_782 : i32 to index
          %get3A_814 = arith.constant 48 : index
          %get3A_815 = tpu.vector_load %get3A_812[%get3A_813, %get3A_814] {strides = array<i32>} : memref<224x128xf32, #tpu.memory_space<vmem>>, vector<1x16xf32>,
          %get3A_816 = vector.shape_cast %get3A_815 : vector<1x16xf32> to vector<16xf32>
          %add3A_817 = arith.addf %scan3A_777, %get3A_816 : vector<16xf32>
          %mul3A_818 = arith.constant 10 : i32
          %mul3A_819 = arith.muli %scan3A_773, %mul3A_818 : i32
          %add3A_820 = arith.addi %mul3A_743, %mul3A_819 : i32
          %add3A_821 = arith.constant 1 : i32
          %add3A_822 = arith.addi %add3A_820, %add3A_821 : i32
          %get3A_823 = arith.constant 0 : i32
          %get3A_824 = arith.constant 0 : i32
          %get3A_825 = tpu.memref_slice %arg6[%scan3A_132, %get3A_823, %get3A_824] : memref<2x224x128xf32, #tpu.memory_space<vmem>> -> memref<1x224x128xf32, #tpu.memory_space<vmem>>
          %get3A_826 = tpu.memref_squeeze %get3A_825 : memref<1x224x128xf32, #tpu.memory_space<vmem>> -> memref<224x128xf32, #tpu.memory_space<vmem>>
          %get3A_827 = arith.index_cast %add3A_822 : i32 to index
          %get3A_828 = arith.constant 0 : index
          %get3A_829 = tpu.vector_load %get3A_826[%get3A_827, %get3A_828] {strides = array<i32>} : memref<224x128xf32, #tpu.memory_space<vmem>>, vector<1x16xf32>,
          %get3A_830 = vector.shape_cast %get3A_829 : vector<1x16xf32> to vector<16xf32>
          %add3A_831 = arith.addf %add3A_790, %get3A_830 : vector<16xf32>
          %get3A_832 = arith.constant 0 : i32
          %get3A_833 = arith.constant 0 : i32
          %get3A_834 = tpu.memref_slice %arg6[%scan3A_132, %get3A_832, %get3A_833] : memref<2x224x128xf32, #tpu.memory_space<vmem>> -> memref<1x224x128xf32, #tpu.memory_space<vmem>>
          %get3A_835 = tpu.memref_squeeze %get3A_834 : memref<1x224x128xf32, #tpu.memory_space<vmem>> -> memref<224x128xf32, #tpu.memory_space<vmem>>
          %get3A_836 = arith.index_cast %add3A_822 : i32 to index
          %get3A_837 = arith.constant 16 : index
          %get3A_838 = tpu.vector_load %get3A_835[%get3A_836, %get3A_837] {strides = array<i32>} : memref<224x128xf32, #tpu.memory_space<vmem>>, vector<1x16xf32>,
          %get3A_839 = vector.shape_cast %get3A_838 : vector<1x16xf32> to vector<16xf32>
          %add3A_840 = arith.addf %add3A_799, %get3A_839 : vector<16xf32>
          %get3A_841 = arith.constant 0 : i32
          %get3A_842 = arith.constant 0 : i32
          %get3A_843 = tpu.memref_slice %arg6[%scan3A_132, %get3A_841, %get3A_842] : memref<2x224x128xf32, #tpu.memory_space<vmem>> -> memref<1x224x128xf32, #tpu.memory_space<vmem>>
          %get3A_844 = tpu.memref_squeeze %get3A_843 : memref<1x224x128xf32, #tpu.memory_space<vmem>> -> memref<224x128xf32, #tpu.memory_space<vmem>>
          %get3A_845 = arith.index_cast %add3A_822 : i32 to index
          %get3A_846 = arith.constant 32 : index
          %get3A_847 = tpu.vector_load %get3A_844[%get3A_845, %get3A_846] {strides = array<i32>} : memref<224x128xf32, #tpu.memory_space<vmem>>, vector<1x16xf32>,
          %get3A_848 = vector.shape_cast %get3A_847 : vector<1x16xf32> to vector<16xf32>
          %add3A_849 = arith.addf %add3A_808, %get3A_848 : vector<16xf32>
          %get3A_850 = arith.constant 0 : i32
          %get3A_851 = arith.constant 0 : i32
          %get3A_852 = tpu.memref_slice %arg6[%scan3A_132, %get3A_850, %get3A_851] : memref<2x224x128xf32, #tpu.memory_space<vmem>> -> memref<1x224x128xf32, #tpu.memory_space<vmem>>
          %get3A_853 = tpu.memref_squeeze %get3A_852 : memref<1x224x128xf32, #tpu.memory_space<vmem>> -> memref<224x128xf32, #tpu.memory_space<vmem>>
          %get3A_854 = arith.index_cast %add3A_822 : i32 to index
          %get3A_855 = arith.constant 48 : index
          %get3A_856 = tpu.vector_load %get3A_853[%get3A_854, %get3A_855] {strides = array<i32>} : memref<224x128xf32, #tpu.memory_space<vmem>>, vector<1x16xf32>,
          %get3A_857 = vector.shape_cast %get3A_856 : vector<1x16xf32> to vector<16xf32>
          %add3A_858 = arith.addf %add3A_817, %get3A_857 : vector<16xf32>
          %mul3A_859 = arith.constant 10 : i32
          %mul3A_860 = arith.muli %scan3A_773, %mul3A_859 : i32
          %add3A_861 = arith.addi %mul3A_743, %mul3A_860 : i32
          %add3A_862 = arith.constant 2 : i32
          %add3A_863 = arith.addi %add3A_861, %add3A_862 : i32
          %get3A_864 = arith.constant 0 : i32
          %get3A_865 = arith.constant 0 : i32
          %get3A_866 = tpu.memref_slice %arg6[%scan3A_132, %get3A_864, %get3A_865] : memref<2x224x128xf32, #tpu.memory_space<vmem>> -> memref<1x224x128xf32, #tpu.memory_space<vmem>>
          %get3A_867 = tpu.memref_squeeze %get3A_866 : memref<1x224x128xf32, #tpu.memory_space<vmem>> -> memref<224x128xf32, #tpu.memory_space<vmem>>
          %get3A_868 = arith.index_cast %add3A_863 : i32 to index
          %get3A_869 = arith.constant 0 : index
          %get3A_870 = tpu.vector_load %get3A_867[%get3A_868, %get3A_869] {strides = array<i32>} : memref<224x128xf32, #tpu.memory_space<vmem>>, vector<1x16xf32>,
          %get3A_871 = vector.shape_cast %get3A_870 : vector<1x16xf32> to vector<16xf32>
          %add3A_872 = arith.addf %add3A_831, %get3A_871 : vector<16xf32>
          %get3A_873 = arith.constant 0 : i32
          %get3A_874 = arith.constant 0 : i32
          %get3A_875 = tpu.memref_slice %arg6[%scan3A_132, %get3A_873, %get3A_874] : memref<2x224x128xf32, #tpu.memory_space<vmem>> -> memref<1x224x128xf32, #tpu.memory_space<vmem>>
          %get3A_876 = tpu.memref_squeeze %get3A_875 : memref<1x224x128xf32, #tpu.memory_space<vmem>> -> memref<224x128xf32, #tpu.memory_space<vmem>>
          %get3A_877 = arith.index_cast %add3A_863 : i32 to index
          %get3A_878 = arith.constant 16 : index
          %get3A_879 = tpu.vector_load %get3A_876[%get3A_877, %get3A_878] {strides = array<i32>} : memref<224x128xf32, #tpu.memory_space<vmem>>, vector<1x16xf32>,
          %get3A_880 = vector.shape_cast %get3A_879 : vector<1x16xf32> to vector<16xf32>
          %add3A_881 = arith.addf %add3A_840, %get3A_880 : vector<16xf32>
          %get3A_882 = arith.constant 0 : i32
          %get3A_883 = arith.constant 0 : i32
          %get3A_884 = tpu.memref_slice %arg6[%scan3A_132, %get3A_882, %get3A_883] : memref<2x224x128xf32, #tpu.memory_space<vmem>> -> memref<1x224x128xf32, #tpu.memory_space<vmem>>
          %get3A_885 = tpu.memref_squeeze %get3A_884 : memref<1x224x128xf32, #tpu.memory_space<vmem>> -> memref<224x128xf32, #tpu.memory_space<vmem>>
          %get3A_886 = arith.index_cast %add3A_863 : i32 to index
          %get3A_887 = arith.constant 32 : index
          %get3A_888 = tpu.vector_load %get3A_885[%get3A_886, %get3A_887] {strides = array<i32>} : memref<224x128xf32, #tpu.memory_space<vmem>>, vector<1x16xf32>,
          %get3A_889 = vector.shape_cast %get3A_888 : vector<1x16xf32> to vector<16xf32>
          %add3A_890 = arith.addf %add3A_849, %get3A_889 : vector<16xf32>
          %get3A_891 = arith.constant 0 : i32
          %get3A_892 = arith.constant 0 : i32
          %get3A_893 = tpu.memref_slice %arg6[%scan3A_132, %get3A_891, %get3A_892] : memref<2x224x128xf32, #tpu.memory_space<vmem>> -> memref<1x224x128xf32, #tpu.memory_space<vmem>>
          %get3A_894 = tpu.memref_squeeze %get3A_893 : memref<1x224x128xf32, #tpu.memory_space<vmem>> -> memref<224x128xf32, #tpu.memory_space<vmem>>
          %get3A_895 = arith.index_cast %add3A_863 : i32 to index
          %get3A_896 = arith.constant 48 : index
          %get3A_897 = tpu.vector_load %get3A_894[%get3A_895, %get3A_896] {strides = array<i32>} : memref<224x128xf32, #tpu.memory_space<vmem>>, vector<1x16xf32>,
          %get3A_898 = vector.shape_cast %get3A_897 : vector<1x16xf32> to vector<16xf32>
          %add3A_899 = arith.addf %add3A_858, %get3A_898 : vector<16xf32>
          %mul3A_900 = arith.constant 10 : i32
          %mul3A_901 = arith.muli %scan3A_773, %mul3A_900 : i32
          %add3A_902 = arith.addi %mul3A_743, %mul3A_901 : i32
          %add3A_903 = arith.constant 3 : i32
          %add3A_904 = arith.addi %add3A_902, %add3A_903 : i32
          %get3A_905 = arith.constant 0 : i32
          %get3A_906 = arith.constant 0 : i32
          %get3A_907 = tpu.memref_slice %arg6[%scan3A_132, %get3A_905, %get3A_906] : memref<2x224x128xf32, #tpu.memory_space<vmem>> -> memref<1x224x128xf32, #tpu.memory_space<vmem>>
          %get3A_908 = tpu.memref_squeeze %get3A_907 : memref<1x224x128xf32, #tpu.memory_space<vmem>> -> memref<224x128xf32, #tpu.memory_space<vmem>>
          %get3A_909 = arith.index_cast %add3A_904 : i32 to index
          %get3A_910 = arith.constant 0 : index
          %get3A_911 = tpu.vector_load %get3A_908[%get3A_909, %get3A_910] {strides = array<i32>} : memref<224x128xf32, #tpu.memory_space<vmem>>, vector<1x16xf32>,
          %get3A_912 = vector.shape_cast %get3A_911 : vector<1x16xf32> to vector<16xf32>
          %add3A_913 = arith.addf %add3A_872, %get3A_912 : vector<16xf32>
          %get3A_914 = arith.constant 0 : i32
          %get3A_915 = arith.constant 0 : i32
          %get3A_916 = tpu.memref_slice %arg6[%scan3A_132, %get3A_914, %get3A_915] : memref<2x224x128xf32, #tpu.memory_space<vmem>> -> memref<1x224x128xf32, #tpu.memory_space<vmem>>
          %get3A_917 = tpu.memref_squeeze %get3A_916 : memref<1x224x128xf32, #tpu.memory_space<vmem>> -> memref<224x128xf32, #tpu.memory_space<vmem>>
          %get3A_918 = arith.index_cast %add3A_904 : i32 to index
          %get3A_919 = arith.constant 16 : index
          %get3A_920 = tpu.vector_load %get3A_917[%get3A_918, %get3A_919] {strides = array<i32>} : memref<224x128xf32, #tpu.memory_space<vmem>>, vector<1x16xf32>,
          %get3A_921 = vector.shape_cast %get3A_920 : vector<1x16xf32> to vector<16xf32>
          %add3A_922 = arith.addf %add3A_881, %get3A_921 : vector<16xf32>
          %get3A_923 = arith.constant 0 : i32
          %get3A_924 = arith.constant 0 : i32
          %get3A_925 = tpu.memref_slice %arg6[%scan3A_132, %get3A_923, %get3A_924] : memref<2x224x128xf32, #tpu.memory_space<vmem>> -> memref<1x224x128xf32, #tpu.memory_space<vmem>>
          %get3A_926 = tpu.memref_squeeze %get3A_925 : memref<1x224x128xf32, #tpu.memory_space<vmem>> -> memref<224x128xf32, #tpu.memory_space<vmem>>
          %get3A_927 = arith.index_cast %add3A_904 : i32 to index
          %get3A_928 = arith.constant 32 : index
          %get3A_929 = tpu.vector_load %get3A_926[%get3A_927, %get3A_928] {strides = array<i32>} : memref<224x128xf32, #tpu.memory_space<vmem>>, vector<1x16xf32>,
          %get3A_930 = vector.shape_cast %get3A_929 : vector<1x16xf32> to vector<16xf32>
          %add3A_931 = arith.addf %add3A_890, %get3A_930 : vector<16xf32>
          %get3A_932 = arith.constant 0 : i32
          %get3A_933 = arith.constant 0 : i32
          %get3A_934 = tpu.memref_slice %arg6[%scan3A_132, %get3A_932, %get3A_933] : memref<2x224x128xf32, #tpu.memory_space<vmem>> -> memref<1x224x128xf32, #tpu.memory_space<vmem>>
          %get3A_935 = tpu.memref_squeeze %get3A_934 : memref<1x224x128xf32, #tpu.memory_space<vmem>> -> memref<224x128xf32, #tpu.memory_space<vmem>>
          %get3A_936 = arith.index_cast %add3A_904 : i32 to index
          %get3A_937 = arith.constant 48 : index
          %get3A_938 = tpu.vector_load %get3A_935[%get3A_936, %get3A_937] {strides = array<i32>} : memref<224x128xf32, #tpu.memory_space<vmem>>, vector<1x16xf32>,
          %get3A_939 = vector.shape_cast %get3A_938 : vector<1x16xf32> to vector<16xf32>
          %add3A_940 = arith.addf %add3A_899, %get3A_939 : vector<16xf32>
          %mul3A_941 = arith.constant 10 : i32
          %mul3A_942 = arith.muli %scan3A_773, %mul3A_941 : i32
          %add3A_943 = arith.addi %mul3A_743, %mul3A_942 : i32
          %add3A_944 = arith.constant 4 : i32
          %add3A_945 = arith.addi %add3A_943, %add3A_944 : i32
          %get3A_946 = arith.constant 0 : i32
          %get3A_947 = arith.constant 0 : i32
          %get3A_948 = tpu.memref_slice %arg6[%scan3A_132, %get3A_946, %get3A_947] : memref<2x224x128xf32, #tpu.memory_space<vmem>> -> memref<1x224x128xf32, #tpu.memory_space<vmem>>
          %get3A_949 = tpu.memref_squeeze %get3A_948 : memref<1x224x128xf32, #tpu.memory_space<vmem>> -> memref<224x128xf32, #tpu.memory_space<vmem>>
          %get3A_950 = arith.index_cast %add3A_945 : i32 to index
          %get3A_951 = arith.constant 0 : index
          %get3A_952 = tpu.vector_load %get3A_949[%get3A_950, %get3A_951] {strides = array<i32>} : memref<224x128xf32, #tpu.memory_space<vmem>>, vector<1x16xf32>,
          %get3A_953 = vector.shape_cast %get3A_952 : vector<1x16xf32> to vector<16xf32>
          %add3A_954 = arith.addf %add3A_913, %get3A_953 : vector<16xf32>
          %get3A_955 = arith.constant 0 : i32
          %get3A_956 = arith.constant 0 : i32
          %get3A_957 = tpu.memref_slice %arg6[%scan3A_132, %get3A_955, %get3A_956] : memref<2x224x128xf32, #tpu.memory_space<vmem>> -> memref<1x224x128xf32, #tpu.memory_space<vmem>>
          %get3A_958 = tpu.memref_squeeze %get3A_957 : memref<1x224x128xf32, #tpu.memory_space<vmem>> -> memref<224x128xf32, #tpu.memory_space<vmem>>
          %get3A_959 = arith.index_cast %add3A_945 : i32 to index
          %get3A_960 = arith.constant 16 : index
          %get3A_961 = tpu.vector_load %get3A_958[%get3A_959, %get3A_960] {strides = array<i32>} : memref<224x128xf32, #tpu.memory_space<vmem>>, vector<1x16xf32>,
          %get3A_962 = vector.shape_cast %get3A_961 : vector<1x16xf32> to vector<16xf32>
          %add3A_963 = arith.addf %add3A_922, %get3A_962 : vector<16xf32>
          %get3A_964 = arith.constant 0 : i32
          %get3A_965 = arith.constant 0 : i32
          %get3A_966 = tpu.memref_slice %arg6[%scan3A_132, %get3A_964, %get3A_965] : memref<2x224x128xf32, #tpu.memory_space<vmem>> -> memref<1x224x128xf32, #tpu.memory_space<vmem>>
          %get3A_967 = tpu.memref_squeeze %get3A_966 : memref<1x224x128xf32, #tpu.memory_space<vmem>> -> memref<224x128xf32, #tpu.memory_space<vmem>>
          %get3A_968 = arith.index_cast %add3A_945 : i32 to index
          %get3A_969 = arith.constant 32 : index
          %get3A_970 = tpu.vector_load %get3A_967[%get3A_968, %get3A_969] {strides = array<i32>} : memref<224x128xf32, #tpu.memory_space<vmem>>, vector<1x16xf32>,
          %get3A_971 = vector.shape_cast %get3A_970 : vector<1x16xf32> to vector<16xf32>
          %add3A_972 = arith.addf %add3A_931, %get3A_971 : vector<16xf32>
          %get3A_973 = arith.constant 0 : i32
          %get3A_974 = arith.constant 0 : i32
          %get3A_975 = tpu.memref_slice %arg6[%scan3A_132, %get3A_973, %get3A_974] : memref<2x224x128xf32, #tpu.memory_space<vmem>> -> memref<1x224x128xf32, #tpu.memory_space<vmem>>
          %get3A_976 = tpu.memref_squeeze %get3A_975 : memref<1x224x128xf32, #tpu.memory_space<vmem>> -> memref<224x128xf32, #tpu.memory_space<vmem>>
          %get3A_977 = arith.index_cast %add3A_945 : i32 to index
          %get3A_978 = arith.constant 48 : index
          %get3A_979 = tpu.vector_load %get3A_976[%get3A_977, %get3A_978] {strides = array<i32>} : memref<224x128xf32, #tpu.memory_space<vmem>>, vector<1x16xf32>,
          %get3A_980 = vector.shape_cast %get3A_979 : vector<1x16xf32> to vector<16xf32>
          %add3A_981 = arith.addf %add3A_940, %get3A_980 : vector<16xf32>
          %mul3A_982 = arith.constant 10 : i32
          %mul3A_983 = arith.muli %scan3A_773, %mul3A_982 : i32
          %add3A_984 = arith.addi %mul3A_743, %mul3A_983 : i32
          %add3A_985 = arith.constant 5 : i32
          %add3A_986 = arith.addi %add3A_984, %add3A_985 : i32
          %get3A_987 = arith.constant 0 : i32
          %get3A_988 = arith.constant 0 : i32
          %get3A_989 = tpu.memref_slice %arg6[%scan3A_132, %get3A_987, %get3A_988] : memref<2x224x128xf32, #tpu.memory_space<vmem>> -> memref<1x224x128xf32, #tpu.memory_space<vmem>>
          %get3A_990 = tpu.memref_squeeze %get3A_989 : memref<1x224x128xf32, #tpu.memory_space<vmem>> -> memref<224x128xf32, #tpu.memory_space<vmem>>
          %get3A_991 = arith.index_cast %add3A_986 : i32 to index
          %get3A_992 = arith.constant 0 : index
          %get3A_993 = tpu.vector_load %get3A_990[%get3A_991, %get3A_992] {strides = array<i32>} : memref<224x128xf32, #tpu.memory_space<vmem>>, vector<1x16xf32>,
          %get3A_994 = vector.shape_cast %get3A_993 : vector<1x16xf32> to vector<16xf32>
          %add3A_995 = arith.addf %add3A_954, %get3A_994 : vector<16xf32>
          %get3A_996 = arith.constant 0 : i32
          %get3A_997 = arith.constant 0 : i32
          %get3A_998 = tpu.memref_slice %arg6[%scan3A_132, %get3A_996, %get3A_997] : memref<2x224x128xf32, #tpu.memory_space<vmem>> -> memref<1x224x128xf32, #tpu.memory_space<vmem>>
          %get3A_999 = tpu.memref_squeeze %get3A_998 : memref<1x224x128xf32, #tpu.memory_space<vmem>> -> memref<224x128xf32, #tpu.memory_space<vmem>>
          %get3A_1000 = arith.index_cast %add3A_986 : i32 to index
          %get3A_1001 = arith.constant 16 : index
          %get3A_1002 = tpu.vector_load %get3A_999[%get3A_1000, %get3A_1001] {strides = array<i32>} : memref<224x128xf32, #tpu.memory_space<vmem>>, vector<1x16xf32>,
          %get3A_1003 = vector.shape_cast %get3A_1002 : vector<1x16xf32> to vector<16xf32>
          %add3A_1004 = arith.addf %add3A_963, %get3A_1003 : vector<16xf32>
          %get3A_1005 = arith.constant 0 : i32
          %get3A_1006 = arith.constant 0 : i32
          %get3A_1007 = tpu.memref_slice %arg6[%scan3A_132, %get3A_1005, %get3A_1006] : memref<2x224x128xf32, #tpu.memory_space<vmem>> -> memref<1x224x128xf32, #tpu.memory_space<vmem>>
          %get3A_1008 = tpu.memref_squeeze %get3A_1007 : memref<1x224x128xf32, #tpu.memory_space<vmem>> -> memref<224x128xf32, #tpu.memory_space<vmem>>
          %get3A_1009 = arith.index_cast %add3A_986 : i32 to index
          %get3A_1010 = arith.constant 32 : index
          %get3A_1011 = tpu.vector_load %get3A_1008[%get3A_1009, %get3A_1010] {strides = array<i32>} : memref<224x128xf32, #tpu.memory_space<vmem>>, vector<1x16xf32>,
          %get3A_1012 = vector.shape_cast %get3A_1011 : vector<1x16xf32> to vector<16xf32>
          %add3A_1013 = arith.addf %add3A_972, %get3A_1012 : vector<16xf32>
          %get3A_1014 = arith.constant 0 : i32
          %get3A_1015 = arith.constant 0 : i32
          %get3A_1016 = tpu.memref_slice %arg6[%scan3A_132, %get3A_1014, %get3A_1015] : memref<2x224x128xf32, #tpu.memory_space<vmem>> -> memref<1x224x128xf32, #tpu.memory_space<vmem>>
          %get3A_1017 = tpu.memref_squeeze %get3A_1016 : memref<1x224x128xf32, #tpu.memory_space<vmem>> -> memref<224x128xf32, #tpu.memory_space<vmem>>
          %get3A_1018 = arith.index_cast %add3A_986 : i32 to index
          %get3A_1019 = arith.constant 48 : index
          %get3A_1020 = tpu.vector_load %get3A_1017[%get3A_1018, %get3A_1019] {strides = array<i32>} : memref<224x128xf32, #tpu.memory_space<vmem>>, vector<1x16xf32>,
          %get3A_1021 = vector.shape_cast %get3A_1020 : vector<1x16xf32> to vector<16xf32>
          %add3A_1022 = arith.addf %add3A_981, %get3A_1021 : vector<16xf32>
          %mul3A_1023 = arith.constant 10 : i32
          %mul3A_1024 = arith.muli %scan3A_773, %mul3A_1023 : i32
          %add3A_1025 = arith.addi %mul3A_743, %mul3A_1024 : i32
          %add3A_1026 = arith.constant 6 : i32
          %add3A_1027 = arith.addi %add3A_1025, %add3A_1026 : i32
          %get3A_1028 = arith.constant 0 : i32
          %get3A_1029 = arith.constant 0 : i32
          %get3A_1030 = tpu.memref_slice %arg6[%scan3A_132, %get3A_1028, %get3A_1029] : memref<2x224x128xf32, #tpu.memory_space<vmem>> -> memref<1x224x128xf32, #tpu.memory_space<vmem>>
          %get3A_1031 = tpu.memref_squeeze %get3A_1030 : memref<1x224x128xf32, #tpu.memory_space<vmem>> -> memref<224x128xf32, #tpu.memory_space<vmem>>
          %get3A_1032 = arith.index_cast %add3A_1027 : i32 to index
          %get3A_1033 = arith.constant 0 : index
          %get3A_1034 = tpu.vector_load %get3A_1031[%get3A_1032, %get3A_1033] {strides = array<i32>} : memref<224x128xf32, #tpu.memory_space<vmem>>, vector<1x16xf32>,
          %get3A_1035 = vector.shape_cast %get3A_1034 : vector<1x16xf32> to vector<16xf32>
          %add3A_1036 = arith.addf %add3A_995, %get3A_1035 : vector<16xf32>
          %get3A_1037 = arith.constant 0 : i32
          %get3A_1038 = arith.constant 0 : i32
          %get3A_1039 = tpu.memref_slice %arg6[%scan3A_132, %get3A_1037, %get3A_1038] : memref<2x224x128xf32, #tpu.memory_space<vmem>> -> memref<1x224x128xf32, #tpu.memory_space<vmem>>
          %get3A_1040 = tpu.memref_squeeze %get3A_1039 : memref<1x224x128xf32, #tpu.memory_space<vmem>> -> memref<224x128xf32, #tpu.memory_space<vmem>>
          %get3A_1041 = arith.index_cast %add3A_1027 : i32 to index
          %get3A_1042 = arith.constant 16 : index
          %get3A_1043 = tpu.vector_load %get3A_1040[%get3A_1041, %get3A_1042] {strides = array<i32>} : memref<224x128xf32, #tpu.memory_space<vmem>>, vector<1x16xf32>,
          %get3A_1044 = vector.shape_cast %get3A_1043 : vector<1x16xf32> to vector<16xf32>
          %add3A_1045 = arith.addf %add3A_1004, %get3A_1044 : vector<16xf32>
          %get3A_1046 = arith.constant 0 : i32
          %get3A_1047 = arith.constant 0 : i32
          %get3A_1048 = tpu.memref_slice %arg6[%scan3A_132, %get3A_1046, %get3A_1047] : memref<2x224x128xf32, #tpu.memory_space<vmem>> -> memref<1x224x128xf32, #tpu.memory_space<vmem>>
          %get3A_1049 = tpu.memref_squeeze %get3A_1048 : memref<1x224x128xf32, #tpu.memory_space<vmem>> -> memref<224x128xf32, #tpu.memory_space<vmem>>
          %get3A_1050 = arith.index_cast %add3A_1027 : i32 to index
          %get3A_1051 = arith.constant 32 : index
          %get3A_1052 = tpu.vector_load %get3A_1049[%get3A_1050, %get3A_1051] {strides = array<i32>} : memref<224x128xf32, #tpu.memory_space<vmem>>, vector<1x16xf32>,
          %get3A_1053 = vector.shape_cast %get3A_1052 : vector<1x16xf32> to vector<16xf32>
          %add3A_1054 = arith.addf %add3A_1013, %get3A_1053 : vector<16xf32>
          %get3A_1055 = arith.constant 0 : i32
          %get3A_1056 = arith.constant 0 : i32
          %get3A_1057 = tpu.memref_slice %arg6[%scan3A_132, %get3A_1055, %get3A_1056] : memref<2x224x128xf32, #tpu.memory_space<vmem>> -> memref<1x224x128xf32, #tpu.memory_space<vmem>>
          %get3A_1058 = tpu.memref_squeeze %get3A_1057 : memref<1x224x128xf32, #tpu.memory_space<vmem>> -> memref<224x128xf32, #tpu.memory_space<vmem>>
          %get3A_1059 = arith.index_cast %add3A_1027 : i32 to index
          %get3A_1060 = arith.constant 48 : index
          %get3A_1061 = tpu.vector_load %get3A_1058[%get3A_1059, %get3A_1060] {strides = array<i32>} : memref<224x128xf32, #tpu.memory_space<vmem>>, vector<1x16xf32>,
          %get3A_1062 = vector.shape_cast %get3A_1061 : vector<1x16xf32> to vector<16xf32>
          %add3A_1063 = arith.addf %add3A_1022, %get3A_1062 : vector<16xf32>
          %mul3A_1064 = arith.constant 10 : i32
          %mul3A_1065 = arith.muli %scan3A_773, %mul3A_1064 : i32
          %add3A_1066 = arith.addi %mul3A_743, %mul3A_1065 : i32
          %add3A_1067 = arith.constant 7 : i32
          %add3A_1068 = arith.addi %add3A_1066, %add3A_1067 : i32
          %get3A_1069 = arith.constant 0 : i32
          %get3A_1070 = arith.constant 0 : i32
          %get3A_1071 = tpu.memref_slice %arg6[%scan3A_132, %get3A_1069, %get3A_1070] : memref<2x224x128xf32, #tpu.memory_space<vmem>> -> memref<1x224x128xf32, #tpu.memory_space<vmem>>
          %get3A_1072 = tpu.memref_squeeze %get3A_1071 : memref<1x224x128xf32, #tpu.memory_space<vmem>> -> memref<224x128xf32, #tpu.memory_space<vmem>>
          %get3A_1073 = arith.index_cast %add3A_1068 : i32 to index
          %get3A_1074 = arith.constant 0 : index
          %get3A_1075 = tpu.vector_load %get3A_1072[%get3A_1073, %get3A_1074] {strides = array<i32>} : memref<224x128xf32, #tpu.memory_space<vmem>>, vector<1x16xf32>,
          %get3A_1076 = vector.shape_cast %get3A_1075 : vector<1x16xf32> to vector<16xf32>
          %add3A_1077 = arith.addf %add3A_1036, %get3A_1076 : vector<16xf32>
          %get3A_1078 = arith.constant 0 : i32
          %get3A_1079 = arith.constant 0 : i32
          %get3A_1080 = tpu.memref_slice %arg6[%scan3A_132, %get3A_1078, %get3A_1079] : memref<2x224x128xf32, #tpu.memory_space<vmem>> -> memref<1x224x128xf32, #tpu.memory_space<vmem>>
          %get3A_1081 = tpu.memref_squeeze %get3A_1080 : memref<1x224x128xf32, #tpu.memory_space<vmem>> -> memref<224x128xf32, #tpu.memory_space<vmem>>
          %get3A_1082 = arith.index_cast %add3A_1068 : i32 to index
          %get3A_1083 = arith.constant 16 : index
          %get3A_1084 = tpu.vector_load %get3A_1081[%get3A_1082, %get3A_1083] {strides = array<i32>} : memref<224x128xf32, #tpu.memory_space<vmem>>, vector<1x16xf32>,
          %get3A_1085 = vector.shape_cast %get3A_1084 : vector<1x16xf32> to vector<16xf32>
          %add3A_1086 = arith.addf %add3A_1045, %get3A_1085 : vector<16xf32>
          %get3A_1087 = arith.constant 0 : i32
          %get3A_1088 = arith.constant 0 : i32
          %get3A_1089 = tpu.memref_slice %arg6[%scan3A_132, %get3A_1087, %get3A_1088] : memref<2x224x128xf32, #tpu.memory_space<vmem>> -> memref<1x224x128xf32, #tpu.memory_space<vmem>>
          %get3A_1090 = tpu.memref_squeeze %get3A_1089 : memref<1x224x128xf32, #tpu.memory_space<vmem>> -> memref<224x128xf32, #tpu.memory_space<vmem>>
          %get3A_1091 = arith.index_cast %add3A_1068 : i32 to index
          %get3A_1092 = arith.constant 32 : index
          %get3A_1093 = tpu.vector_load %get3A_1090[%get3A_1091, %get3A_1092] {strides = array<i32>} : memref<224x128xf32, #tpu.memory_space<vmem>>, vector<1x16xf32>,
          %get3A_1094 = vector.shape_cast %get3A_1093 : vector<1x16xf32> to vector<16xf32>
          %add3A_1095 = arith.addf %add3A_1054, %get3A_1094 : vector<16xf32>
          %get3A_1096 = arith.constant 0 : i32
          %get3A_1097 = arith.constant 0 : i32
          %get3A_1098 = tpu.memref_slice %arg6[%scan3A_132, %get3A_1096, %get3A_1097] : memref<2x224x128xf32, #tpu.memory_space<vmem>> -> memref<1x224x128xf32, #tpu.memory_space<vmem>>
          %get3A_1099 = tpu.memref_squeeze %get3A_1098 : memref<1x224x128xf32, #tpu.memory_space<vmem>> -> memref<224x128xf32, #tpu.memory_space<vmem>>
          %get3A_1100 = arith.index_cast %add3A_1068 : i32 to index
          %get3A_1101 = arith.constant 48 : index
          %get3A_1102 = tpu.vector_load %get3A_1099[%get3A_1100, %get3A_1101] {strides = array<i32>} : memref<224x128xf32, #tpu.memory_space<vmem>>, vector<1x16xf32>,
          %get3A_1103 = vector.shape_cast %get3A_1102 : vector<1x16xf32> to vector<16xf32>
          %add3A_1104 = arith.addf %add3A_1063, %get3A_1103 : vector<16xf32>
          %mul3A_1105 = arith.constant 10 : i32
          %mul3A_1106 = arith.muli %scan3A_773, %mul3A_1105 : i32
          %add3A_1107 = arith.addi %mul3A_743, %mul3A_1106 : i32
          %add3A_1108 = arith.constant 8 : i32
          %add3A_1109 = arith.addi %add3A_1107, %add3A_1108 : i32
          %get3A_1110 = arith.constant 0 : i32
          %get3A_1111 = arith.constant 0 : i32
          %get3A_1112 = tpu.memref_slice %arg6[%scan3A_132, %get3A_1110, %get3A_1111] : memref<2x224x128xf32, #tpu.memory_space<vmem>> -> memref<1x224x128xf32, #tpu.memory_space<vmem>>
          %get3A_1113 = tpu.memref_squeeze %get3A_1112 : memref<1x224x128xf32, #tpu.memory_space<vmem>> -> memref<224x128xf32, #tpu.memory_space<vmem>>
          %get3A_1114 = arith.index_cast %add3A_1109 : i32 to index
          %get3A_1115 = arith.constant 0 : index
          %get3A_1116 = tpu.vector_load %get3A_1113[%get3A_1114, %get3A_1115] {strides = array<i32>} : memref<224x128xf32, #tpu.memory_space<vmem>>, vector<1x16xf32>,
          %get3A_1117 = vector.shape_cast %get3A_1116 : vector<1x16xf32> to vector<16xf32>
          %add3A_1118 = arith.addf %add3A_1077, %get3A_1117 : vector<16xf32>
          %get3A_1119 = arith.constant 0 : i32
          %get3A_1120 = arith.constant 0 : i32
          %get3A_1121 = tpu.memref_slice %arg6[%scan3A_132, %get3A_1119, %get3A_1120] : memref<2x224x128xf32, #tpu.memory_space<vmem>> -> memref<1x224x128xf32, #tpu.memory_space<vmem>>
          %get3A_1122 = tpu.memref_squeeze %get3A_1121 : memref<1x224x128xf32, #tpu.memory_space<vmem>> -> memref<224x128xf32, #tpu.memory_space<vmem>>
          %get3A_1123 = arith.index_cast %add3A_1109 : i32 to index
          %get3A_1124 = arith.constant 16 : index
          %get3A_1125 = tpu.vector_load %get3A_1122[%get3A_1123, %get3A_1124] {strides = array<i32>} : memref<224x128xf32, #tpu.memory_space<vmem>>, vector<1x16xf32>,
          %get3A_1126 = vector.shape_cast %get3A_1125 : vector<1x16xf32> to vector<16xf32>
          %add3A_1127 = arith.addf %add3A_1086, %get3A_1126 : vector<16xf32>
          %get3A_1128 = arith.constant 0 : i32
          %get3A_1129 = arith.constant 0 : i32
          %get3A_1130 = tpu.memref_slice %arg6[%scan3A_132, %get3A_1128, %get3A_1129] : memref<2x224x128xf32, #tpu.memory_space<vmem>> -> memref<1x224x128xf32, #tpu.memory_space<vmem>>
          %get3A_1131 = tpu.memref_squeeze %get3A_1130 : memref<1x224x128xf32, #tpu.memory_space<vmem>> -> memref<224x128xf32, #tpu.memory_space<vmem>>
          %get3A_1132 = arith.index_cast %add3A_1109 : i32 to index
          %get3A_1133 = arith.constant 32 : index
          %get3A_1134 = tpu.vector_load %get3A_1131[%get3A_1132, %get3A_1133] {strides = array<i32>} : memref<224x128xf32, #tpu.memory_space<vmem>>, vector<1x16xf32>,
          %get3A_1135 = vector.shape_cast %get3A_1134 : vector<1x16xf32> to vector<16xf32>
          %add3A_1136 = arith.addf %add3A_1095, %get3A_1135 : vector<16xf32>
          %get3A_1137 = arith.constant 0 : i32
          %get3A_1138 = arith.constant 0 : i32
          %get3A_1139 = tpu.memref_slice %arg6[%scan3A_132, %get3A_1137, %get3A_1138] : memref<2x224x128xf32, #tpu.memory_space<vmem>> -> memref<1x224x128xf32, #tpu.memory_space<vmem>>
          %get3A_1140 = tpu.memref_squeeze %get3A_1139 : memref<1x224x128xf32, #tpu.memory_space<vmem>> -> memref<224x128xf32, #tpu.memory_space<vmem>>
          %get3A_1141 = arith.index_cast %add3A_1109 : i32 to index
          %get3A_1142 = arith.constant 48 : index
          %get3A_1143 = tpu.vector_load %get3A_1140[%get3A_1141, %get3A_1142] {strides = array<i32>} : memref<224x128xf32, #tpu.memory_space<vmem>>, vector<1x16xf32>,
          %get3A_1144 = vector.shape_cast %get3A_1143 : vector<1x16xf32> to vector<16xf32>
          %add3A_1145 = arith.addf %add3A_1104, %get3A_1144 : vector<16xf32>
          %mul3A_1146 = arith.constant 10 : i32
          %mul3A_1147 = arith.muli %scan3A_773, %mul3A_1146 : i32
          %add3A_1148 = arith.addi %mul3A_743, %mul3A_1147 : i32
          %add3A_1149 = arith.constant 9 : i32
          %add3A_1150 = arith.addi %add3A_1148, %add3A_1149 : i32
          %get3A_1151 = arith.constant 0 : i32
          %get3A_1152 = arith.constant 0 : i32
          %get3A_1153 = tpu.memref_slice %arg6[%scan3A_132, %get3A_1151, %get3A_1152] : memref<2x224x128xf32, #tpu.memory_space<vmem>> -> memref<1x224x128xf32, #tpu.memory_space<vmem>>
          %get3A_1154 = tpu.memref_squeeze %get3A_1153 : memref<1x224x128xf32, #tpu.memory_space<vmem>> -> memref<224x128xf32, #tpu.memory_space<vmem>>
          %get3A_1155 = arith.index_cast %add3A_1150 : i32 to index
          %get3A_1156 = arith.constant 0 : index
          %get3A_1157 = tpu.vector_load %get3A_1154[%get3A_1155, %get3A_1156] {strides = array<i32>} : memref<224x128xf32, #tpu.memory_space<vmem>>, vector<1x16xf32>,
          %get3A_1158 = vector.shape_cast %get3A_1157 : vector<1x16xf32> to vector<16xf32>
          %add3A_1159 = arith.addf %add3A_1118, %get3A_1158 : vector<16xf32>
          %get3A_1160 = arith.constant 0 : i32
          %get3A_1161 = arith.constant 0 : i32
          %get3A_1162 = tpu.memref_slice %arg6[%scan3A_132, %get3A_1160, %get3A_1161] : memref<2x224x128xf32, #tpu.memory_space<vmem>> -> memref<1x224x128xf32, #tpu.memory_space<vmem>>
          %get3A_1163 = tpu.memref_squeeze %get3A_1162 : memref<1x224x128xf32, #tpu.memory_space<vmem>> -> memref<224x128xf32, #tpu.memory_space<vmem>>
          %get3A_1164 = arith.index_cast %add3A_1150 : i32 to index
          %get3A_1165 = arith.constant 16 : index
          %get3A_1166 = tpu.vector_load %get3A_1163[%get3A_1164, %get3A_1165] {strides = array<i32>} : memref<224x128xf32, #tpu.memory_space<vmem>>, vector<1x16xf32>,
          %get3A_1167 = vector.shape_cast %get3A_1166 : vector<1x16xf32> to vector<16xf32>
          %add3A_1168 = arith.addf %add3A_1127, %get3A_1167 : vector<16xf32>
          %get3A_1169 = arith.constant 0 : i32
          %get3A_1170 = arith.constant 0 : i32
          %get3A_1171 = tpu.memref_slice %arg6[%scan3A_132, %get3A_1169, %get3A_1170] : memref<2x224x128xf32, #tpu.memory_space<vmem>> -> memref<1x224x128xf32, #tpu.memory_space<vmem>>
          %get3A_1172 = tpu.memref_squeeze %get3A_1171 : memref<1x224x128xf32, #tpu.memory_space<vmem>> -> memref<224x128xf32, #tpu.memory_space<vmem>>
          %get3A_1173 = arith.index_cast %add3A_1150 : i32 to index
          %get3A_1174 = arith.constant 32 : index
          %get3A_1175 = tpu.vector_load %get3A_1172[%get3A_1173, %get3A_1174] {strides = array<i32>} : memref<224x128xf32, #tpu.memory_space<vmem>>, vector<1x16xf32>,
          %get3A_1176 = vector.shape_cast %get3A_1175 : vector<1x16xf32> to vector<16xf32>
          %add3A_1177 = arith.addf %add3A_1136, %get3A_1176 : vector<16xf32>
          %get3A_1178 = arith.constant 0 : i32
          %get3A_1179 = arith.constant 0 : i32
          %get3A_1180 = tpu.memref_slice %arg6[%scan3A_132, %get3A_1178, %get3A_1179] : memref<2x224x128xf32, #tpu.memory_space<vmem>> -> memref<1x224x128xf32, #tpu.memory_space<vmem>>
          %get3A_1181 = tpu.memref_squeeze %get3A_1180 : memref<1x224x128xf32, #tpu.memory_space<vmem>> -> memref<224x128xf32, #tpu.memory_space<vmem>>
          %get3A_1182 = arith.index_cast %add3A_1150 : i32 to index
          %get3A_1183 = arith.constant 48 : index
          %get3A_1184 = tpu.vector_load %get3A_1181[%get3A_1182, %get3A_1183] {strides = array<i32>} : memref<224x128xf32, #tpu.memory_space<vmem>>, vector<1x16xf32>,
          %get3A_1185 = vector.shape_cast %get3A_1184 : vector<1x16xf32> to vector<16xf32>
          %add3A_1186 = arith.addf %add3A_1145, %get3A_1185 : vector<16xf32>
          scf.yield %add3A_1159, %add3A_1168, %add3A_1177, %add3A_1186 : vector<16xf32>, vector<16xf32>, vector<16xf32>, vector<16xf32>
        }
        %scan3A_750 = arith.constant 5 : i32
        %mul3A_751 = arith.constant 4 : i32
        %mul3A_752 = arith.muli %add3A_143, %mul3A_751 : i32
        %add3A_753 = arith.addi %mul3A_752, %scan3A_741 : i32
        %swap3A = arith.index_cast %add3A_753 : i32 to index
        %swap3A_754 = arith.constant 0 : index
        %swap3A_755 = tpu.vector_load %arg7[%swap3A, %swap3A_754] {strides = array<i32>} : memref<512x64xf32, #tpu.memory_space<vmem>>, vector<1x16xf32>,
        %swap3A_756 = vector.shape_cast %swap3A_755 : vector<1x16xf32> to vector<16xf32>
        %swap3A_757 = vector.shape_cast %scan3A_749#0 : vector<16xf32> to vector<1x16xf32>
        tpu.vector_store %arg7[%swap3A, %swap3A_754], %swap3A_757 {strides = array<i32>} : memref<512x64xf32, #tpu.memory_space<vmem>>, vector<1x16xf32>,
        %swap3A_758 = arith.index_cast %add3A_753 : i32 to index
        %swap3A_759 = arith.constant 16 : index
        %swap3A_760 = tpu.vector_load %arg7[%swap3A_758, %swap3A_759] {strides = array<i32>} : memref<512x64xf32, #tpu.memory_space<vmem>>, vector<1x16xf32>,
        %swap3A_761 = vector.shape_cast %swap3A_760 : vector<1x16xf32> to vector<16xf32>
        %swap3A_762 = vector.shape_cast %scan3A_749#1 : vector<16xf32> to vector<1x16xf32>
        tpu.vector_store %arg7[%swap3A_758, %swap3A_759], %swap3A_762 {strides = array<i32>} : memref<512x64xf32, #tpu.memory_space<vmem>>, vector<1x16xf32>,
        %swap3A_763 = arith.index_cast %add3A_753 : i32 to index
        %swap3A_764 = arith.constant 32 : index
        %swap3A_765 = tpu.vector_load %arg7[%swap3A_763, %swap3A_764] {strides = array<i32>} : memref<512x64xf32, #tpu.memory_space<vmem>>, vector<1x16xf32>,
        %swap3A_766 = vector.shape_cast %swap3A_765 : vector<1x16xf32> to vector<16xf32>
        %swap3A_767 = vector.shape_cast %scan3A_749#2 : vector<16xf32> to vector<1x16xf32>
        tpu.vector_store %arg7[%swap3A_763, %swap3A_764], %swap3A_767 {strides = array<i32>} : memref<512x64xf32, #tpu.memory_space<vmem>>, vector<1x16xf32>,
        %swap3A_768 = arith.index_cast %add3A_753 : i32 to index
        %swap3A_769 = arith.constant 48 : index
        %swap3A_770 = tpu.vector_load %arg7[%swap3A_768, %swap3A_769] {strides = array<i32>} : memref<512x64xf32, #tpu.memory_space<vmem>>, vector<1x16xf32>,
        %swap3A_771 = vector.shape_cast %swap3A_770 : vector<1x16xf32> to vector<16xf32>
        %swap3A_772 = vector.shape_cast %scan3A_749#3 : vector<16xf32> to vector<1x16xf32>
        tpu.vector_store %arg7[%swap3A_768, %swap3A_769], %swap3A_772 {strides = array<i32>} : memref<512x64xf32, #tpu.memory_space<vmem>>, vector<1x16xf32>,
      }
      %scan3A_430 = arith.constant 4 : i32
      %lt3A_431 = arith.constant 126 : i32
      %lt3A_432 = arith.cmpi slt, %add3A_143, %lt3A_431 : i32
      %convert_element_type3A = arith.extui %lt3A_432 : i1 to i32
      %cond3A = arith.constant 0 : i32
      %cond3A_433 = arith.cmpi ne, %convert_element_type3A, %cond3A : i32
      scf.if %cond3A_433 {
        %add3A_741 = arith.constant 2 : i32
        %add3A_742 = arith.addi %add3A_143, %add3A_741 : i32
        %jit3A_743 = arith.constant 16 : i32
        %eq3A_744 = arith.constant 0 : i32
        %eq3A_745 = arith.cmpi eq, %jit3A_743, %eq3A_744 : i32
        %jit3A_746 = arith.constant 1 : i32
        %select_n3A_747 = arith.select %eq3A_745, %jit3A_746, %jit3A_743 : i32
        %rem3A_748 = arith.remsi %add3A_742, %select_n3A_747 : i32
        %ne3A_749 = arith.constant 0 : i32
        %ne3A_750 = arith.cmpi ne, %rem3A_748, %ne3A_749 : i32
        %lt3A_751 = arith.constant 0 : i32
        %lt3A_752 = arith.cmpi slt, %rem3A_748, %lt3A_751 : i32
        %lt3A_753 = arith.constant 0 : i32
        %lt3A_754 = arith.cmpi slt, %select_n3A_747, %lt3A_753 : i32
        %ne3A_755 = arith.xori %lt3A_752, %lt3A_754 : i1
        %and3A_756 = arith.andi %ne3A_755, %ne3A_750 : i1
        %add3A_757 = arith.addi %rem3A_748, %select_n3A_747 : i32
        %select_n3A_758 = arith.select %and3A_756, %add3A_757, %rem3A_748 : i32
        %eq3A_759 = arith.constant 0 : i32
        %eq3A_760 = arith.cmpi eq, %select_n3A_758, %eq3A_759 : i32
        %convert_element_type3A_761 = arith.extui %eq3A_760 : i1 to i32
        %cond3A_762 = arith.constant 0 : i32
        %cond3A_763 = arith.cmpi ne, %convert_element_type3A_761, %cond3A_762 : i32
        scf.if %cond3A_763 {
          %jit3A_1056 = arith.constant 16 : i32
          %div3A_1057 = arith.divsi %add3A_742, %jit3A_1056 : i32
          %sign3A_1058 = arith.constant 0 : i32
          %sign3A_1059 = arith.cmpi sgt, %add3A_742, %sign3A_1058 : i32
          %sign3A_1060 = arith.extui %sign3A_1059 : i1 to i32
          %sign3A_1061 = arith.constant 0 : i32
          %sign3A_1062 = arith.cmpi slt, %add3A_742, %sign3A_1061 : i32
          %sign3A_1063 = arith.extui %sign3A_1062 : i1 to i32
          %sign3A_1064 = arith.subi %sign3A_1060, %sign3A_1063 : i32
          %sign3A_1065 = arith.constant 0 : i32
          %sign3A_1066 = arith.cmpi sgt, %jit3A_1056, %sign3A_1065 : i32
          %sign3A_1067 = arith.extui %sign3A_1066 : i1 to i32
          %sign3A_1068 = arith.constant 0 : i32
          %sign3A_1069 = arith.cmpi slt, %jit3A_1056, %sign3A_1068 : i32
          %sign3A_1070 = arith.extui %sign3A_1069 : i1 to i32
          %sign3A_1071 = arith.subi %sign3A_1067, %sign3A_1070 : i32
          %ne3A_1072 = arith.cmpi ne, %sign3A_1064, %sign3A_1071 : i32
          %rem3A_1073 = arith.remsi %add3A_742, %jit3A_1056 : i32
          %ne3A_1074 = arith.constant 0 : i32
          %ne3A_1075 = arith.cmpi ne, %rem3A_1073, %ne3A_1074 : i32
          %and3A_1076 = arith.andi %ne3A_1072, %ne3A_1075 : i1
          %sub3A_1077 = arith.constant 1 : i32
          %sub3A_1078 = arith.subi %div3A_1057, %sub3A_1077 : i32
          %select_n3A_1079 = arith.select %and3A_1076, %sub3A_1078, %div3A_1057 : i32
          %mul3A_1080 = arith.constant 64 : i32
          %mul3A_1081 = arith.muli %select_n3A_1079, %mul3A_1080 : i32
          %add3A_1082 = arith.addi %mul3A_2, %mul3A_1081 : i32
          %jit3A_1083 = arith.constant 2 : i32
          %eq3A_1084 = arith.constant 0 : i32
          %eq3A_1085 = arith.cmpi eq, %jit3A_1083, %eq3A_1084 : i32
          %jit3A_1086 = arith.constant 1 : i32
          %select_n3A_1087 = arith.select %eq3A_1085, %jit3A_1086, %jit3A_1083 : i32
          %rem3A_1088 = arith.remsi %select_n3A_1079, %select_n3A_1087 : i32
          %ne3A_1089 = arith.constant 0 : i32
          %ne3A_1090 = arith.cmpi ne, %rem3A_1088, %ne3A_1089 : i32
          %lt3A_1091 = arith.constant 0 : i32
          %lt3A_1092 = arith.cmpi slt, %rem3A_1088, %lt3A_1091 : i32
          %lt3A_1093 = arith.constant 0 : i32
          %lt3A_1094 = arith.cmpi slt, %select_n3A_1087, %lt3A_1093 : i32
          %ne3A_1095 = arith.xori %lt3A_1092, %lt3A_1094 : i1
          %and3A_1096 = arith.andi %ne3A_1095, %ne3A_1090 : i1
          %add3A_1097 = arith.addi %rem3A_1088, %select_n3A_1087 : i32
          %select_n3A_1098 = arith.select %and3A_1096, %add3A_1097, %rem3A_1088 : i32
          "tpu.region"() ({
            %run_scoped3A_1099 = tpu.sem_alloc : memref<!tpu.dma_semaphore, #tpu.memory_space<semaphore_mem>>
            %dma_start3A_1100 = arith.constant 0 : i32
            %dma_start3A_1101 = arith.constant 0 : i32
            %dma_start3A_1102 = tpu.memref_slice %arg5[%select_n3A_1098, %dma_start3A_1100, %dma_start3A_1101] : memref<2x64x56xi32, #tpu.memory_space<vmem>> -> memref<1x64x56xi32, #tpu.memory_space<vmem>>
            %dma_start3A_1103 = tpu.memref_squeeze %dma_start3A_1102 : memref<1x64x56xi32, #tpu.memory_space<vmem>> -> memref<64x56xi32, #tpu.memory_space<vmem>>
            %dma_start3A_1104 = arith.constant 0 : i32
            %dma_start3A_1105 = tpu.memref_slice %arg2[%add3A_1082, %dma_start3A_1104] : memref<16384x128xi32, #tpu.memory_space<hbm>> -> memref<64x56xi32, #tpu.memory_space<hbm>>
            %dma_start3A_1106 = arith.constant 0 : i32
            %dma_start3A_1107 = arith.constant 0 : i32
            %dma_start3A_1108 = tpu.memref_slice %arg5[%select_n3A_1098, %dma_start3A_1106, %dma_start3A_1107] : memref<2x64x56xi32, #tpu.memory_space<vmem>> -> memref<1x64x56xi32, #tpu.memory_space<vmem>>
            %dma_start3A_1109 = tpu.memref_squeeze %dma_start3A_1108 : memref<1x64x56xi32, #tpu.memory_space<vmem>> -> memref<64x56xi32, #tpu.memory_space<vmem>>
            %dma_start3A_1110 = arith.constant 0 : i32
            %dma_start3A_1111 = tpu.memref_slice %arg2[%add3A_1082, %dma_start3A_1110] : memref<16384x128xi32, #tpu.memory_space<hbm>> -> memref<64x56xi32, #tpu.memory_space<hbm>>
            tpu.enqueue_dma source(%dma_start3A_1111 : memref<64x56xi32, #tpu.memory_space<hbm>>) target(%dma_start3A_1109 : memref<64x56xi32, #tpu.memory_space<vmem>>) target_semaphore(%run_scoped3A_1099 : memref<!tpu.dma_semaphore, #tpu.memory_space<semaphore_mem>>)
            %dma_wait3A_1112 = arith.constant 0 : i32
            %dma_wait3A_1113 = arith.constant 0 : i32
            %dma_wait3A_1114 = tpu.memref_slice %arg5[%select_n3A_1098, %dma_wait3A_1112, %dma_wait3A_1113] : memref<2x64x56xi32, #tpu.memory_space<vmem>> -> memref<1x64x56xi32, #tpu.memory_space<vmem>>
            %dma_wait3A_1115 = tpu.memref_squeeze %dma_wait3A_1114 : memref<1x64x56xi32, #tpu.memory_space<vmem>> -> memref<64x56xi32, #tpu.memory_space<vmem>>
            %dma_wait3A_1116 = arith.constant 0 : i32
            %dma_wait3A_1117 = tpu.memref_slice %arg2[%add3A_1082, %dma_wait3A_1116] : memref<16384x128xi32, #tpu.memory_space<hbm>> -> memref<64x56xi32, #tpu.memory_space<hbm>>
            %dma_wait3A_1118 = arith.constant 0 : i32
            %dma_wait3A_1119 = arith.constant 0 : i32
            %dma_wait3A_1120 = tpu.memref_slice %arg5[%select_n3A_1098, %dma_wait3A_1118, %dma_wait3A_1119] : memref<2x64x56xi32, #tpu.memory_space<vmem>> -> memref<1x64x56xi32, #tpu.memory_space<vmem>>
            %dma_wait3A_1121 = tpu.memref_squeeze %dma_wait3A_1120 : memref<1x64x56xi32, #tpu.memory_space<vmem>> -> memref<64x56xi32, #tpu.memory_space<vmem>>
            %dma_wait3A_1122 = arith.constant 0 : i32
            %dma_wait3A_1123 = tpu.memref_slice %arg2[%add3A_1082, %dma_wait3A_1122] : memref<16384x128xi32, #tpu.memory_space<hbm>> -> memref<64x56xi32, #tpu.memory_space<hbm>>
            tpu.wait_dma2 semaphore(%run_scoped3A_1099 : memref<!tpu.dma_semaphore, #tpu.memory_space<semaphore_mem>>) src(%dma_wait3A_1123 : memref<64x56xi32, #tpu.memory_space<hbm>>) dst(%dma_wait3A_1121 : memref<64x56xi32, #tpu.memory_space<vmem>>)
            tpu.yield
          }) : () -> ()
        } else {
        }
        %jit3A_764 = arith.constant 16 : i32
        %div3A_765 = arith.divsi %add3A_742, %jit3A_764 : i32
        %sign3A_766 = arith.constant 0 : i32
        %sign3A_767 = arith.cmpi sgt, %add3A_742, %sign3A_766 : i32
        %sign3A_768 = arith.extui %sign3A_767 : i1 to i32
        %sign3A_769 = arith.constant 0 : i32
        %sign3A_770 = arith.cmpi slt, %add3A_742, %sign3A_769 : i32
        %sign3A_771 = arith.extui %sign3A_770 : i1 to i32
        %sign3A_772 = arith.subi %sign3A_768, %sign3A_771 : i32
        %sign3A_773 = arith.constant 0 : i32
        %sign3A_774 = arith.cmpi sgt, %jit3A_764, %sign3A_773 : i32
        %sign3A_775 = arith.extui %sign3A_774 : i1 to i32
        %sign3A_776 = arith.constant 0 : i32
        %sign3A_777 = arith.cmpi slt, %jit3A_764, %sign3A_776 : i32
        %sign3A_778 = arith.extui %sign3A_777 : i1 to i32
        %sign3A_779 = arith.subi %sign3A_775, %sign3A_778 : i32
        %ne3A_780 = arith.cmpi ne, %sign3A_772, %sign3A_779 : i32
        %rem3A_781 = arith.remsi %add3A_742, %jit3A_764 : i32
        %ne3A_782 = arith.constant 0 : i32
        %ne3A_783 = arith.cmpi ne, %rem3A_781, %ne3A_782 : i32
        %and3A_784 = arith.andi %ne3A_780, %ne3A_783 : i1
        %sub3A_785 = arith.constant 1 : i32
        %sub3A_786 = arith.subi %div3A_765, %sub3A_785 : i32
        %select_n3A_787 = arith.select %and3A_784, %sub3A_786, %div3A_765 : i32
        %jit3A_788 = arith.constant 16 : i32
        %eq3A_789 = arith.constant 0 : i32
        %eq3A_790 = arith.cmpi eq, %jit3A_788, %eq3A_789 : i32
        %jit3A_791 = arith.constant 1 : i32
        %select_n3A_792 = arith.select %eq3A_790, %jit3A_791, %jit3A_788 : i32
        %rem3A_793 = arith.remsi %add3A_742, %select_n3A_792 : i32
        %ne3A_794 = arith.constant 0 : i32
        %ne3A_795 = arith.cmpi ne, %rem3A_793, %ne3A_794 : i32
        %lt3A_796 = arith.constant 0 : i32
        %lt3A_797 = arith.cmpi slt, %rem3A_793, %lt3A_796 : i32
        %lt3A_798 = arith.constant 0 : i32
        %lt3A_799 = arith.cmpi slt, %select_n3A_792, %lt3A_798 : i32
        %ne3A_800 = arith.xori %lt3A_797, %lt3A_799 : i1
        %and3A_801 = arith.andi %ne3A_800, %ne3A_795 : i1
        %add3A_802 = arith.addi %rem3A_793, %select_n3A_792 : i32
        %select_n3A_803 = arith.select %and3A_801, %add3A_802, %rem3A_793 : i32
        %mul3A_804 = arith.constant 4 : i32
        %mul3A_805 = arith.muli %select_n3A_803, %mul3A_804 : i32
        %add3A_806 = arith.constant 0 : i32
        %add3A_807 = arith.addi %mul3A_805, %add3A_806 : i32
        %jit3A_808 = arith.constant 2 : i32
        %eq3A_809 = arith.constant 0 : i32
        %eq3A_810 = arith.cmpi eq, %jit3A_808, %eq3A_809 : i32
        %jit3A_811 = arith.constant 1 : i32
        %select_n3A_812 = arith.select %eq3A_810, %jit3A_811, %jit3A_808 : i32
        %rem3A_813 = arith.remsi %select_n3A_787, %select_n3A_812 : i32
        %ne3A_814 = arith.constant 0 : i32
        %ne3A_815 = arith.cmpi ne, %rem3A_813, %ne3A_814 : i32
        %lt3A_816 = arith.constant 0 : i32
        %lt3A_817 = arith.cmpi slt, %rem3A_813, %lt3A_816 : i32
        %lt3A_818 = arith.constant 0 : i32
        %lt3A_819 = arith.cmpi slt, %select_n3A_812, %lt3A_818 : i32
        %ne3A_820 = arith.xori %lt3A_817, %lt3A_819 : i1
        %and3A_821 = arith.andi %ne3A_820, %ne3A_815 : i1
        %add3A_822 = arith.addi %rem3A_813, %select_n3A_812 : i32
        %select_n3A_823 = arith.select %and3A_821, %add3A_822, %rem3A_813 : i32
        %dma_start3A_824 = arith.constant 0 : i32
        %dma_start3A_825 = arith.constant 0 : i32
        %dma_start3A_826 = tpu.memref_slice %arg6[%scan3A_132, %dma_start3A_824, %dma_start3A_825] : memref<2x224x128xf32, #tpu.memory_space<vmem>> -> memref<1x224x128xf32, #tpu.memory_space<vmem>>
        %dma_start3A_827 = tpu.memref_squeeze %dma_start3A_826 : memref<1x224x128xf32, #tpu.memory_space<vmem>> -> memref<224x128xf32, #tpu.memory_space<vmem>>
        %dma_start3A_828 = arith.constant 0 : i32
        %dma_start3A_829 = arith.constant 0 : i32
        %dma_start3A_830 = tpu.memref_slice %dma_start3A_827[%dma_start3A_828, %dma_start3A_829] : memref<224x128xf32, #tpu.memory_space<vmem>> -> memref<56x128xf32, #tpu.memory_space<vmem>>
        %dma_start3A_831 = arith.constant 0 : i32
        %dma_start3A_832 = tpu.memref_slice %arg5[%select_n3A_823, %add3A_807, %dma_start3A_831] : memref<2x64x56xi32, #tpu.memory_space<vmem>> -> memref<1x1x56xi32, #tpu.memory_space<vmem>>
        %dma_start3A_833 = tpu.memref_squeeze %dma_start3A_832 : memref<1x1x56xi32, #tpu.memory_space<vmem>> -> memref<56xi32, #tpu.memory_space<vmem>>
        %dma_start3A_834 = arith.constant 0 : i32
        %dma_start3A_835 = arith.constant 0 : i32
        %dma_start3A_836 = tpu.memref_slice %arg3[%dma_start3A_834, %dma_start3A_835] : memref<1000000x128xf32, #tpu.memory_space<hbm>> -> memref<1000000x128xf32, #tpu.memory_space<hbm>>
        tpu.enqueue_indirect_dma source(%dma_start3A_836 : memref<1000000x128xf32, #tpu.memory_space<hbm>>) target(%dma_start3A_830 : memref<56x128xf32, #tpu.memory_space<vmem>>) offsets(%dma_start3A_833 : memref<56xi32, #tpu.memory_space<vmem>>) semaphore(%arg8 : memref<!tpu.dma_semaphore, #tpu.memory_space<semaphore_mem>>)
        %jit3A_837 = arith.constant 16 : i32
        %div3A_838 = arith.divsi %add3A_742, %jit3A_837 : i32
        %sign3A_839 = arith.constant 0 : i32
        %sign3A_840 = arith.cmpi sgt, %add3A_742, %sign3A_839 : i32
        %sign3A_841 = arith.extui %sign3A_840 : i1 to i32
        %sign3A_842 = arith.constant 0 : i32
        %sign3A_843 = arith.cmpi slt, %add3A_742, %sign3A_842 : i32
        %sign3A_844 = arith.extui %sign3A_843 : i1 to i32
        %sign3A_845 = arith.subi %sign3A_841, %sign3A_844 : i32
        %sign3A_846 = arith.constant 0 : i32
        %sign3A_847 = arith.cmpi sgt, %jit3A_837, %sign3A_846 : i32
        %sign3A_848 = arith.extui %sign3A_847 : i1 to i32
        %sign3A_849 = arith.constant 0 : i32
        %sign3A_850 = arith.cmpi slt, %jit3A_837, %sign3A_849 : i32
        %sign3A_851 = arith.extui %sign3A_850 : i1 to i32
        %sign3A_852 = arith.subi %sign3A_848, %sign3A_851 : i32
        %ne3A_853 = arith.cmpi ne, %sign3A_845, %sign3A_852 : i32
        %rem3A_854 = arith.remsi %add3A_742, %jit3A_837 : i32
        %ne3A_855 = arith.constant 0 : i32
        %ne3A_856 = arith.cmpi ne, %rem3A_854, %ne3A_855 : i32
        %and3A_857 = arith.andi %ne3A_853, %ne3A_856 : i1
        %sub3A_858 = arith.constant 1 : i32
        %sub3A_859 = arith.subi %div3A_838, %sub3A_858 : i32
        %select_n3A_860 = arith.select %and3A_857, %sub3A_859, %div3A_838 : i32
        %jit3A_861 = arith.constant 16 : i32
        %eq3A_862 = arith.constant 0 : i32
        %eq3A_863 = arith.cmpi eq, %jit3A_861, %eq3A_862 : i32
        %jit3A_864 = arith.constant 1 : i32
        %select_n3A_865 = arith.select %eq3A_863, %jit3A_864, %jit3A_861 : i32
        %rem3A_866 = arith.remsi %add3A_742, %select_n3A_865 : i32
        %ne3A_867 = arith.constant 0 : i32
        %ne3A_868 = arith.cmpi ne, %rem3A_866, %ne3A_867 : i32
        %lt3A_869 = arith.constant 0 : i32
        %lt3A_870 = arith.cmpi slt, %rem3A_866, %lt3A_869 : i32
        %lt3A_871 = arith.constant 0 : i32
        %lt3A_872 = arith.cmpi slt, %select_n3A_865, %lt3A_871 : i32
        %ne3A_873 = arith.xori %lt3A_870, %lt3A_872 : i1
        %and3A_874 = arith.andi %ne3A_873, %ne3A_868 : i1
        %add3A_875 = arith.addi %rem3A_866, %select_n3A_865 : i32
        %select_n3A_876 = arith.select %and3A_874, %add3A_875, %rem3A_866 : i32
        %mul3A_877 = arith.constant 4 : i32
        %mul3A_878 = arith.muli %select_n3A_876, %mul3A_877 : i32
        %add3A_879 = arith.constant 1 : i32
        %add3A_880 = arith.addi %mul3A_878, %add3A_879 : i32
        %jit3A_881 = arith.constant 2 : i32
        %eq3A_882 = arith.constant 0 : i32
        %eq3A_883 = arith.cmpi eq, %jit3A_881, %eq3A_882 : i32
        %jit3A_884 = arith.constant 1 : i32
        %select_n3A_885 = arith.select %eq3A_883, %jit3A_884, %jit3A_881 : i32
        %rem3A_886 = arith.remsi %select_n3A_860, %select_n3A_885 : i32
        %ne3A_887 = arith.constant 0 : i32
        %ne3A_888 = arith.cmpi ne, %rem3A_886, %ne3A_887 : i32
        %lt3A_889 = arith.constant 0 : i32
        %lt3A_890 = arith.cmpi slt, %rem3A_886, %lt3A_889 : i32
        %lt3A_891 = arith.constant 0 : i32
        %lt3A_892 = arith.cmpi slt, %select_n3A_885, %lt3A_891 : i32
        %ne3A_893 = arith.xori %lt3A_890, %lt3A_892 : i1
        %and3A_894 = arith.andi %ne3A_893, %ne3A_888 : i1
        %add3A_895 = arith.addi %rem3A_886, %select_n3A_885 : i32
        %select_n3A_896 = arith.select %and3A_894, %add3A_895, %rem3A_886 : i32
        %dma_start3A_897 = arith.constant 0 : i32
        %dma_start3A_898 = arith.constant 0 : i32
        %dma_start3A_899 = tpu.memref_slice %arg6[%scan3A_132, %dma_start3A_897, %dma_start3A_898] : memref<2x224x128xf32, #tpu.memory_space<vmem>> -> memref<1x224x128xf32, #tpu.memory_space<vmem>>
        %dma_start3A_900 = tpu.memref_squeeze %dma_start3A_899 : memref<1x224x128xf32, #tpu.memory_space<vmem>> -> memref<224x128xf32, #tpu.memory_space<vmem>>
        %dma_start3A_901 = arith.constant 56 : i32
        %dma_start3A_902 = arith.constant 0 : i32
        %dma_start3A_903 = tpu.memref_slice %dma_start3A_900[%dma_start3A_901, %dma_start3A_902] : memref<224x128xf32, #tpu.memory_space<vmem>> -> memref<56x128xf32, #tpu.memory_space<vmem>>
        %dma_start3A_904 = arith.constant 0 : i32
        %dma_start3A_905 = tpu.memref_slice %arg5[%select_n3A_896, %add3A_880, %dma_start3A_904] : memref<2x64x56xi32, #tpu.memory_space<vmem>> -> memref<1x1x56xi32, #tpu.memory_space<vmem>>
        %dma_start3A_906 = tpu.memref_squeeze %dma_start3A_905 : memref<1x1x56xi32, #tpu.memory_space<vmem>> -> memref<56xi32, #tpu.memory_space<vmem>>
        %dma_start3A_907 = arith.constant 0 : i32
        %dma_start3A_908 = arith.constant 0 : i32
        %dma_start3A_909 = tpu.memref_slice %arg3[%dma_start3A_907, %dma_start3A_908] : memref<1000000x128xf32, #tpu.memory_space<hbm>> -> memref<1000000x128xf32, #tpu.memory_space<hbm>>
        tpu.enqueue_indirect_dma source(%dma_start3A_909 : memref<1000000x128xf32, #tpu.memory_space<hbm>>) target(%dma_start3A_903 : memref<56x128xf32, #tpu.memory_space<vmem>>) offsets(%dma_start3A_906 : memref<56xi32, #tpu.memory_space<vmem>>) semaphore(%arg8 : memref<!tpu.dma_semaphore, #tpu.memory_space<semaphore_mem>>)
        %jit3A_910 = arith.constant 16 : i32
        %div3A_911 = arith.divsi %add3A_742, %jit3A_910 : i32
        %sign3A_912 = arith.constant 0 : i32
        %sign3A_913 = arith.cmpi sgt, %add3A_742, %sign3A_912 : i32
        %sign3A_914 = arith.extui %sign3A_913 : i1 to i32
        %sign3A_915 = arith.constant 0 : i32
        %sign3A_916 = arith.cmpi slt, %add3A_742, %sign3A_915 : i32
        %sign3A_917 = arith.extui %sign3A_916 : i1 to i32
        %sign3A_918 = arith.subi %sign3A_914, %sign3A_917 : i32
        %sign3A_919 = arith.constant 0 : i32
        %sign3A_920 = arith.cmpi sgt, %jit3A_910, %sign3A_919 : i32
        %sign3A_921 = arith.extui %sign3A_920 : i1 to i32
        %sign3A_922 = arith.constant 0 : i32
        %sign3A_923 = arith.cmpi slt, %jit3A_910, %sign3A_922 : i32
        %sign3A_924 = arith.extui %sign3A_923 : i1 to i32
        %sign3A_925 = arith.subi %sign3A_921, %sign3A_924 : i32
        %ne3A_926 = arith.cmpi ne, %sign3A_918, %sign3A_925 : i32
        %rem3A_927 = arith.remsi %add3A_742, %jit3A_910 : i32
        %ne3A_928 = arith.constant 0 : i32
        %ne3A_929 = arith.cmpi ne, %rem3A_927, %ne3A_928 : i32
        %and3A_930 = arith.andi %ne3A_926, %ne3A_929 : i1
        %sub3A_931 = arith.constant 1 : i32
        %sub3A_932 = arith.subi %div3A_911, %sub3A_931 : i32
        %select_n3A_933 = arith.select %and3A_930, %sub3A_932, %div3A_911 : i32
        %jit3A_934 = arith.constant 16 : i32
        %eq3A_935 = arith.constant 0 : i32
        %eq3A_936 = arith.cmpi eq, %jit3A_934, %eq3A_935 : i32
        %jit3A_937 = arith.constant 1 : i32
        %select_n3A_938 = arith.select %eq3A_936, %jit3A_937, %jit3A_934 : i32
        %rem3A_939 = arith.remsi %add3A_742, %select_n3A_938 : i32
        %ne3A_940 = arith.constant 0 : i32
        %ne3A_941 = arith.cmpi ne, %rem3A_939, %ne3A_940 : i32
        %lt3A_942 = arith.constant 0 : i32
        %lt3A_943 = arith.cmpi slt, %rem3A_939, %lt3A_942 : i32
        %lt3A_944 = arith.constant 0 : i32
        %lt3A_945 = arith.cmpi slt, %select_n3A_938, %lt3A_944 : i32
        %ne3A_946 = arith.xori %lt3A_943, %lt3A_945 : i1
        %and3A_947 = arith.andi %ne3A_946, %ne3A_941 : i1
        %add3A_948 = arith.addi %rem3A_939, %select_n3A_938 : i32
        %select_n3A_949 = arith.select %and3A_947, %add3A_948, %rem3A_939 : i32
        %mul3A_950 = arith.constant 4 : i32
        %mul3A_951 = arith.muli %select_n3A_949, %mul3A_950 : i32
        %add3A_952 = arith.constant 2 : i32
        %add3A_953 = arith.addi %mul3A_951, %add3A_952 : i32
        %jit3A_954 = arith.constant 2 : i32
        %eq3A_955 = arith.constant 0 : i32
        %eq3A_956 = arith.cmpi eq, %jit3A_954, %eq3A_955 : i32
        %jit3A_957 = arith.constant 1 : i32
        %select_n3A_958 = arith.select %eq3A_956, %jit3A_957, %jit3A_954 : i32
        %rem3A_959 = arith.remsi %select_n3A_933, %select_n3A_958 : i32
        %ne3A_960 = arith.constant 0 : i32
        %ne3A_961 = arith.cmpi ne, %rem3A_959, %ne3A_960 : i32
        %lt3A_962 = arith.constant 0 : i32
        %lt3A_963 = arith.cmpi slt, %rem3A_959, %lt3A_962 : i32
        %lt3A_964 = arith.constant 0 : i32
        %lt3A_965 = arith.cmpi slt, %select_n3A_958, %lt3A_964 : i32
        %ne3A_966 = arith.xori %lt3A_963, %lt3A_965 : i1
        %and3A_967 = arith.andi %ne3A_966, %ne3A_961 : i1
        %add3A_968 = arith.addi %rem3A_959, %select_n3A_958 : i32
        %select_n3A_969 = arith.select %and3A_967, %add3A_968, %rem3A_959 : i32
        %dma_start3A_970 = arith.constant 0 : i32
        %dma_start3A_971 = arith.constant 0 : i32
        %dma_start3A_972 = tpu.memref_slice %arg6[%scan3A_132, %dma_start3A_970, %dma_start3A_971] : memref<2x224x128xf32, #tpu.memory_space<vmem>> -> memref<1x224x128xf32, #tpu.memory_space<vmem>>
        %dma_start3A_973 = tpu.memref_squeeze %dma_start3A_972 : memref<1x224x128xf32, #tpu.memory_space<vmem>> -> memref<224x128xf32, #tpu.memory_space<vmem>>
        %dma_start3A_974 = arith.constant 112 : i32
        %dma_start3A_975 = arith.constant 0 : i32
        %dma_start3A_976 = tpu.memref_slice %dma_start3A_973[%dma_start3A_974, %dma_start3A_975] : memref<224x128xf32, #tpu.memory_space<vmem>> -> memref<56x128xf32, #tpu.memory_space<vmem>>
        %dma_start3A_977 = arith.constant 0 : i32
        %dma_start3A_978 = tpu.memref_slice %arg5[%select_n3A_969, %add3A_953, %dma_start3A_977] : memref<2x64x56xi32, #tpu.memory_space<vmem>> -> memref<1x1x56xi32, #tpu.memory_space<vmem>>
        %dma_start3A_979 = tpu.memref_squeeze %dma_start3A_978 : memref<1x1x56xi32, #tpu.memory_space<vmem>> -> memref<56xi32, #tpu.memory_space<vmem>>
        %dma_start3A_980 = arith.constant 0 : i32
        %dma_start3A_981 = arith.constant 0 : i32
        %dma_start3A_982 = tpu.memref_slice %arg3[%dma_start3A_980, %dma_start3A_981] : memref<1000000x128xf32, #tpu.memory_space<hbm>> -> memref<1000000x128xf32, #tpu.memory_space<hbm>>
        tpu.enqueue_indirect_dma source(%dma_start3A_982 : memref<1000000x128xf32, #tpu.memory_space<hbm>>) target(%dma_start3A_976 : memref<56x128xf32, #tpu.memory_space<vmem>>) offsets(%dma_start3A_979 : memref<56xi32, #tpu.memory_space<vmem>>) semaphore(%arg8 : memref<!tpu.dma_semaphore, #tpu.memory_space<semaphore_mem>>)
        %jit3A_983 = arith.constant 16 : i32
        %div3A_984 = arith.divsi %add3A_742, %jit3A_983 : i32
        %sign3A_985 = arith.constant 0 : i32
        %sign3A_986 = arith.cmpi sgt, %add3A_742, %sign3A_985 : i32
        %sign3A_987 = arith.extui %sign3A_986 : i1 to i32
        %sign3A_988 = arith.constant 0 : i32
        %sign3A_989 = arith.cmpi slt, %add3A_742, %sign3A_988 : i32
        %sign3A_990 = arith.extui %sign3A_989 : i1 to i32
        %sign3A_991 = arith.subi %sign3A_987, %sign3A_990 : i32
        %sign3A_992 = arith.constant 0 : i32
        %sign3A_993 = arith.cmpi sgt, %jit3A_983, %sign3A_992 : i32
        %sign3A_994 = arith.extui %sign3A_993 : i1 to i32
        %sign3A_995 = arith.constant 0 : i32
        %sign3A_996 = arith.cmpi slt, %jit3A_983, %sign3A_995 : i32
        %sign3A_997 = arith.extui %sign3A_996 : i1 to i32
        %sign3A_998 = arith.subi %sign3A_994, %sign3A_997 : i32
        %ne3A_999 = arith.cmpi ne, %sign3A_991, %sign3A_998 : i32
        %rem3A_1000 = arith.remsi %add3A_742, %jit3A_983 : i32
        %ne3A_1001 = arith.constant 0 : i32
        %ne3A_1002 = arith.cmpi ne, %rem3A_1000, %ne3A_1001 : i32
        %and3A_1003 = arith.andi %ne3A_999, %ne3A_1002 : i1
        %sub3A_1004 = arith.constant 1 : i32
        %sub3A_1005 = arith.subi %div3A_984, %sub3A_1004 : i32
        %select_n3A_1006 = arith.select %and3A_1003, %sub3A_1005, %div3A_984 : i32
        %jit3A_1007 = arith.constant 16 : i32
        %eq3A_1008 = arith.constant 0 : i32
        %eq3A_1009 = arith.cmpi eq, %jit3A_1007, %eq3A_1008 : i32
        %jit3A_1010 = arith.constant 1 : i32
        %select_n3A_1011 = arith.select %eq3A_1009, %jit3A_1010, %jit3A_1007 : i32
        %rem3A_1012 = arith.remsi %add3A_742, %select_n3A_1011 : i32
        %ne3A_1013 = arith.constant 0 : i32
        %ne3A_1014 = arith.cmpi ne, %rem3A_1012, %ne3A_1013 : i32
        %lt3A_1015 = arith.constant 0 : i32
        %lt3A_1016 = arith.cmpi slt, %rem3A_1012, %lt3A_1015 : i32
        %lt3A_1017 = arith.constant 0 : i32
        %lt3A_1018 = arith.cmpi slt, %select_n3A_1011, %lt3A_1017 : i32
        %ne3A_1019 = arith.xori %lt3A_1016, %lt3A_1018 : i1
        %and3A_1020 = arith.andi %ne3A_1019, %ne3A_1014 : i1
        %add3A_1021 = arith.addi %rem3A_1012, %select_n3A_1011 : i32
        %select_n3A_1022 = arith.select %and3A_1020, %add3A_1021, %rem3A_1012 : i32
        %mul3A_1023 = arith.constant 4 : i32
        %mul3A_1024 = arith.muli %select_n3A_1022, %mul3A_1023 : i32
        %add3A_1025 = arith.constant 3 : i32
        %add3A_1026 = arith.addi %mul3A_1024, %add3A_1025 : i32
        %jit3A_1027 = arith.constant 2 : i32
        %eq3A_1028 = arith.constant 0 : i32
        %eq3A_1029 = arith.cmpi eq, %jit3A_1027, %eq3A_1028 : i32
        %jit3A_1030 = arith.constant 1 : i32
        %select_n3A_1031 = arith.select %eq3A_1029, %jit3A_1030, %jit3A_1027 : i32
        %rem3A_1032 = arith.remsi %select_n3A_1006, %select_n3A_1031 : i32
        %ne3A_1033 = arith.constant 0 : i32
        %ne3A_1034 = arith.cmpi ne, %rem3A_1032, %ne3A_1033 : i32
        %lt3A_1035 = arith.constant 0 : i32
        %lt3A_1036 = arith.cmpi slt, %rem3A_1032, %lt3A_1035 : i32
        %lt3A_1037 = arith.constant 0 : i32
        %lt3A_1038 = arith.cmpi slt, %select_n3A_1031, %lt3A_1037 : i32
        %ne3A_1039 = arith.xori %lt3A_1036, %lt3A_1038 : i1
        %and3A_1040 = arith.andi %ne3A_1039, %ne3A_1034 : i1
        %add3A_1041 = arith.addi %rem3A_1032, %select_n3A_1031 : i32
        %select_n3A_1042 = arith.select %and3A_1040, %add3A_1041, %rem3A_1032 : i32
        %dma_start3A_1043 = arith.constant 0 : i32
        %dma_start3A_1044 = arith.constant 0 : i32
        %dma_start3A_1045 = tpu.memref_slice %arg6[%scan3A_132, %dma_start3A_1043, %dma_start3A_1044] : memref<2x224x128xf32, #tpu.memory_space<vmem>> -> memref<1x224x128xf32, #tpu.memory_space<vmem>>
        %dma_start3A_1046 = tpu.memref_squeeze %dma_start3A_1045 : memref<1x224x128xf32, #tpu.memory_space<vmem>> -> memref<224x128xf32, #tpu.memory_space<vmem>>
        %dma_start3A_1047 = arith.constant 168 : i32
        %dma_start3A_1048 = arith.constant 0 : i32
        %dma_start3A_1049 = tpu.memref_slice %dma_start3A_1046[%dma_start3A_1047, %dma_start3A_1048] : memref<224x128xf32, #tpu.memory_space<vmem>> -> memref<56x128xf32, #tpu.memory_space<vmem>>
        %dma_start3A_1050 = arith.constant 0 : i32
        %dma_start3A_1051 = tpu.memref_slice %arg5[%select_n3A_1042, %add3A_1026, %dma_start3A_1050] : memref<2x64x56xi32, #tpu.memory_space<vmem>> -> memref<1x1x56xi32, #tpu.memory_space<vmem>>
        %dma_start3A_1052 = tpu.memref_squeeze %dma_start3A_1051 : memref<1x1x56xi32, #tpu.memory_space<vmem>> -> memref<56xi32, #tpu.memory_space<vmem>>
        %dma_start3A_1053 = arith.constant 0 : i32
        %dma_start3A_1054 = arith.constant 0 : i32
        %dma_start3A_1055 = tpu.memref_slice %arg3[%dma_start3A_1053, %dma_start3A_1054] : memref<1000000x128xf32, #tpu.memory_space<hbm>> -> memref<1000000x128xf32, #tpu.memory_space<hbm>>
        tpu.enqueue_indirect_dma source(%dma_start3A_1055 : memref<1000000x128xf32, #tpu.memory_space<hbm>>) target(%dma_start3A_1049 : memref<56x128xf32, #tpu.memory_space<vmem>>) offsets(%dma_start3A_1052 : memref<56xi32, #tpu.memory_space<vmem>>) semaphore(%arg8 : memref<!tpu.dma_semaphore, #tpu.memory_space<semaphore_mem>>)
      } else {
      }
      %mul3A_434 = arith.constant 2 : i32
      %mul3A_435 = arith.muli %mul3A_434, %scan3A_139 : i32
      %add3A_436 = arith.constant 1 : i32
      %add3A_437 = arith.addi %mul3A_435, %add3A_436 : i32
      %jit3A_438 = arith.constant 16 : i32
      %div3A_439 = arith.divsi %add3A_437, %jit3A_438 : i32
      %sign3A_440 = arith.constant 0 : i32
      %sign3A_441 = arith.cmpi sgt, %add3A_437, %sign3A_440 : i32
      %sign3A_442 = arith.extui %sign3A_441 : i1 to i32
      %sign3A_443 = arith.constant 0 : i32
      %sign3A_444 = arith.cmpi slt, %add3A_437, %sign3A_443 : i32
      %sign3A_445 = arith.extui %sign3A_444 : i1 to i32
      %sign3A_446 = arith.subi %sign3A_442, %sign3A_445 : i32
      %sign3A_447 = arith.constant 0 : i32
      %sign3A_448 = arith.cmpi sgt, %jit3A_438, %sign3A_447 : i32
      %sign3A_449 = arith.extui %sign3A_448 : i1 to i32
      %sign3A_450 = arith.constant 0 : i32
      %sign3A_451 = arith.cmpi slt, %jit3A_438, %sign3A_450 : i32
      %sign3A_452 = arith.extui %sign3A_451 : i1 to i32
      %sign3A_453 = arith.subi %sign3A_449, %sign3A_452 : i32
      %ne3A_454 = arith.cmpi ne, %sign3A_446, %sign3A_453 : i32
      %rem3A_455 = arith.remsi %add3A_437, %jit3A_438 : i32
      %ne3A_456 = arith.constant 0 : i32
      %ne3A_457 = arith.cmpi ne, %rem3A_455, %ne3A_456 : i32
      %and3A_458 = arith.andi %ne3A_454, %ne3A_457 : i1
      %sub3A_459 = arith.constant 1 : i32
      %sub3A_460 = arith.subi %div3A_439, %sub3A_459 : i32
      %select_n3A_461 = arith.select %and3A_458, %sub3A_460, %div3A_439 : i32
      %jit3A_462 = arith.constant 16 : i32
      %eq3A_463 = arith.constant 0 : i32
      %eq3A_464 = arith.cmpi eq, %jit3A_462, %eq3A_463 : i32
      %jit3A_465 = arith.constant 1 : i32
      %select_n3A_466 = arith.select %eq3A_464, %jit3A_465, %jit3A_462 : i32
      %rem3A_467 = arith.remsi %add3A_437, %select_n3A_466 : i32
      %ne3A_468 = arith.constant 0 : i32
      %ne3A_469 = arith.cmpi ne, %rem3A_467, %ne3A_468 : i32
      %lt3A_470 = arith.constant 0 : i32
      %lt3A_471 = arith.cmpi slt, %rem3A_467, %lt3A_470 : i32
      %lt3A_472 = arith.constant 0 : i32
      %lt3A_473 = arith.cmpi slt, %select_n3A_466, %lt3A_472 : i32
      %ne3A_474 = arith.xori %lt3A_471, %lt3A_473 : i1
      %and3A_475 = arith.andi %ne3A_474, %ne3A_469 : i1
      %add3A_476 = arith.addi %rem3A_467, %select_n3A_466 : i32
      %select_n3A_477 = arith.select %and3A_475, %add3A_476, %rem3A_467 : i32
      %mul3A_478 = arith.constant 4 : i32
      %mul3A_479 = arith.muli %select_n3A_477, %mul3A_478 : i32
      %add3A_480 = arith.constant 0 : i32
      %add3A_481 = arith.addi %mul3A_479, %add3A_480 : i32
      %jit3A_482 = arith.constant 2 : i32
      %eq3A_483 = arith.constant 0 : i32
      %eq3A_484 = arith.cmpi eq, %jit3A_482, %eq3A_483 : i32
      %jit3A_485 = arith.constant 1 : i32
      %select_n3A_486 = arith.select %eq3A_484, %jit3A_485, %jit3A_482 : i32
      %rem3A_487 = arith.remsi %select_n3A_461, %select_n3A_486 : i32
      %ne3A_488 = arith.constant 0 : i32
      %ne3A_489 = arith.cmpi ne, %rem3A_487, %ne3A_488 : i32
      %lt3A_490 = arith.constant 0 : i32
      %lt3A_491 = arith.cmpi slt, %rem3A_487, %lt3A_490 : i32
      %lt3A_492 = arith.constant 0 : i32
      %lt3A_493 = arith.cmpi slt, %select_n3A_486, %lt3A_492 : i32
      %ne3A_494 = arith.xori %lt3A_491, %lt3A_493 : i1
      %and3A_495 = arith.andi %ne3A_494, %ne3A_489 : i1
      %add3A_496 = arith.addi %rem3A_487, %select_n3A_486 : i32
      %select_n3A_497 = arith.select %and3A_495, %add3A_496, %rem3A_487 : i32
      %dma_wait3A_498 = arith.constant 0 : i32
      %dma_wait3A_499 = arith.constant 0 : i32
      %dma_wait3A_500 = tpu.memref_slice %arg6[%scan3A_133, %dma_wait3A_498, %dma_wait3A_499] : memref<2x224x128xf32, #tpu.memory_space<vmem>> -> memref<1x224x128xf32, #tpu.memory_space<vmem>>
      %dma_wait3A_501 = tpu.memref_squeeze %dma_wait3A_500 : memref<1x224x128xf32, #tpu.memory_space<vmem>> -> memref<224x128xf32, #tpu.memory_space<vmem>>
      %dma_wait3A_502 = arith.constant 0 : i32
      %dma_wait3A_503 = arith.constant 0 : i32
      %dma_wait3A_504 = tpu.memref_slice %dma_wait3A_501[%dma_wait3A_502, %dma_wait3A_503] : memref<224x128xf32, #tpu.memory_space<vmem>> -> memref<56x128xf32, #tpu.memory_space<vmem>>
      %dma_wait3A_505 = arith.constant 0 : i32
      %dma_wait3A_506 = tpu.memref_slice %arg5[%select_n3A_497, %add3A_481, %dma_wait3A_505] : memref<2x64x56xi32, #tpu.memory_space<vmem>> -> memref<1x1x56xi32, #tpu.memory_space<vmem>>
      %dma_wait3A_507 = tpu.memref_squeeze %dma_wait3A_506 : memref<1x1x56xi32, #tpu.memory_space<vmem>> -> memref<56xi32, #tpu.memory_space<vmem>>
      %dma_wait3A_508 = arith.constant 0 : i32
      %dma_wait3A_509 = arith.constant 0 : i32
      %dma_wait3A_510 = tpu.memref_slice %arg3[%dma_wait3A_508, %dma_wait3A_509] : memref<1000000x128xf32, #tpu.memory_space<hbm>> -> memref<1000000x128xf32, #tpu.memory_space<hbm>>
      tpu.wait_indirect_dma semaphore(%arg9 : memref<!tpu.dma_semaphore, #tpu.memory_space<semaphore_mem>>) src(%dma_wait3A_510 : memref<1000000x128xf32, #tpu.memory_space<hbm>>) dst(%dma_wait3A_504 : memref<56x128xf32, #tpu.memory_space<vmem>>)
      %jit3A_511 = arith.constant 16 : i32
      %div3A_512 = arith.divsi %add3A_437, %jit3A_511 : i32
      %sign3A_513 = arith.constant 0 : i32
      %sign3A_514 = arith.cmpi sgt, %add3A_437, %sign3A_513 : i32
      %sign3A_515 = arith.extui %sign3A_514 : i1 to i32
      %sign3A_516 = arith.constant 0 : i32
      %sign3A_517 = arith.cmpi slt, %add3A_437, %sign3A_516 : i32
      %sign3A_518 = arith.extui %sign3A_517 : i1 to i32
      %sign3A_519 = arith.subi %sign3A_515, %sign3A_518 : i32
      %sign3A_520 = arith.constant 0 : i32
      %sign3A_521 = arith.cmpi sgt, %jit3A_511, %sign3A_520 : i32
      %sign3A_522 = arith.extui %sign3A_521 : i1 to i32
      %sign3A_523 = arith.constant 0 : i32
      %sign3A_524 = arith.cmpi slt, %jit3A_511, %sign3A_523 : i32
      %sign3A_525 = arith.extui %sign3A_524 : i1 to i32
      %sign3A_526 = arith.subi %sign3A_522, %sign3A_525 : i32
      %ne3A_527 = arith.cmpi ne, %sign3A_519, %sign3A_526 : i32
      %rem3A_528 = arith.remsi %add3A_437, %jit3A_511 : i32
      %ne3A_529 = arith.constant 0 : i32
      %ne3A_530 = arith.cmpi ne, %rem3A_528, %ne3A_529 : i32
      %and3A_531 = arith.andi %ne3A_527, %ne3A_530 : i1
      %sub3A_532 = arith.constant 1 : i32
      %sub3A_533 = arith.subi %div3A_512, %sub3A_532 : i32
      %select_n3A_534 = arith.select %and3A_531, %sub3A_533, %div3A_512 : i32
      %jit3A_535 = arith.constant 16 : i32
      %eq3A_536 = arith.constant 0 : i32
      %eq3A_537 = arith.cmpi eq, %jit3A_535, %eq3A_536 : i32
      %jit3A_538 = arith.constant 1 : i32
      %select_n3A_539 = arith.select %eq3A_537, %jit3A_538, %jit3A_535 : i32
      %rem3A_540 = arith.remsi %add3A_437, %select_n3A_539 : i32
      %ne3A_541 = arith.constant 0 : i32
      %ne3A_542 = arith.cmpi ne, %rem3A_540, %ne3A_541 : i32
      %lt3A_543 = arith.constant 0 : i32
      %lt3A_544 = arith.cmpi slt, %rem3A_540, %lt3A_543 : i32
      %lt3A_545 = arith.constant 0 : i32
      %lt3A_546 = arith.cmpi slt, %select_n3A_539, %lt3A_545 : i32
      %ne3A_547 = arith.xori %lt3A_544, %lt3A_546 : i1
      %and3A_548 = arith.andi %ne3A_547, %ne3A_542 : i1
      %add3A_549 = arith.addi %rem3A_540, %select_n3A_539 : i32
      %select_n3A_550 = arith.select %and3A_548, %add3A_549, %rem3A_540 : i32
      %mul3A_551 = arith.constant 4 : i32
      %mul3A_552 = arith.muli %select_n3A_550, %mul3A_551 : i32
      %add3A_553 = arith.constant 1 : i32
      %add3A_554 = arith.addi %mul3A_552, %add3A_553 : i32
      %jit3A_555 = arith.constant 2 : i32
      %eq3A_556 = arith.constant 0 : i32
      %eq3A_557 = arith.cmpi eq, %jit3A_555, %eq3A_556 : i32
      %jit3A_558 = arith.constant 1 : i32
      %select_n3A_559 = arith.select %eq3A_557, %jit3A_558, %jit3A_555 : i32
      %rem3A_560 = arith.remsi %select_n3A_534, %select_n3A_559 : i32
      %ne3A_561 = arith.constant 0 : i32
      %ne3A_562 = arith.cmpi ne, %rem3A_560, %ne3A_561 : i32
      %lt3A_563 = arith.constant 0 : i32
      %lt3A_564 = arith.cmpi slt, %rem3A_560, %lt3A_563 : i32
      %lt3A_565 = arith.constant 0 : i32
      %lt3A_566 = arith.cmpi slt, %select_n3A_559, %lt3A_565 : i32
      %ne3A_567 = arith.xori %lt3A_564, %lt3A_566 : i1
      %and3A_568 = arith.andi %ne3A_567, %ne3A_562 : i1
      %add3A_569 = arith.addi %rem3A_560, %select_n3A_559 : i32
      %select_n3A_570 = arith.select %and3A_568, %add3A_569, %rem3A_560 : i32
      %dma_wait3A_571 = arith.constant 0 : i32
      %dma_wait3A_572 = arith.constant 0 : i32
      %dma_wait3A_573 = tpu.memref_slice %arg6[%scan3A_133, %dma_wait3A_571, %dma_wait3A_572] : memref<2x224x128xf32, #tpu.memory_space<vmem>> -> memref<1x224x128xf32, #tpu.memory_space<vmem>>
      %dma_wait3A_574 = tpu.memref_squeeze %dma_wait3A_573 : memref<1x224x128xf32, #tpu.memory_space<vmem>> -> memref<224x128xf32, #tpu.memory_space<vmem>>
      %dma_wait3A_575 = arith.constant 56 : i32
      %dma_wait3A_576 = arith.constant 0 : i32
      %dma_wait3A_577 = tpu.memref_slice %dma_wait3A_574[%dma_wait3A_575, %dma_wait3A_576] : memref<224x128xf32, #tpu.memory_space<vmem>> -> memref<56x128xf32, #tpu.memory_space<vmem>>
      %dma_wait3A_578 = arith.constant 0 : i32
      %dma_wait3A_579 = tpu.memref_slice %arg5[%select_n3A_570, %add3A_554, %dma_wait3A_578] : memref<2x64x56xi32, #tpu.memory_space<vmem>> -> memref<1x1x56xi32, #tpu.memory_space<vmem>>
      %dma_wait3A_580 = tpu.memref_squeeze %dma_wait3A_579 : memref<1x1x56xi32, #tpu.memory_space<vmem>> -> memref<56xi32, #tpu.memory_space<vmem>>
      %dma_wait3A_581 = arith.constant 0 : i32
      %dma_wait3A_582 = arith.constant 0 : i32
      %dma_wait3A_583 = tpu.memref_slice %arg3[%dma_wait3A_581, %dma_wait3A_582] : memref<1000000x128xf32, #tpu.memory_space<hbm>> -> memref<1000000x128xf32, #tpu.memory_space<hbm>>
      tpu.wait_indirect_dma semaphore(%arg9 : memref<!tpu.dma_semaphore, #tpu.memory_space<semaphore_mem>>) src(%dma_wait3A_583 : memref<1000000x128xf32, #tpu.memory_space<hbm>>) dst(%dma_wait3A_577 : memref<56x128xf32, #tpu.memory_space<vmem>>)
      %jit3A_584 = arith.constant 16 : i32
      %div3A_585 = arith.divsi %add3A_437, %jit3A_584 : i32
      %sign3A_586 = arith.constant 0 : i32
      %sign3A_587 = arith.cmpi sgt, %add3A_437, %sign3A_586 : i32
      %sign3A_588 = arith.extui %sign3A_587 : i1 to i32
      %sign3A_589 = arith.constant 0 : i32
      %sign3A_590 = arith.cmpi slt, %add3A_437, %sign3A_589 : i32
      %sign3A_591 = arith.extui %sign3A_590 : i1 to i32
      %sign3A_592 = arith.subi %sign3A_588, %sign3A_591 : i32
      %sign3A_593 = arith.constant 0 : i32
      %sign3A_594 = arith.cmpi sgt, %jit3A_584, %sign3A_593 : i32
      %sign3A_595 = arith.extui %sign3A_594 : i1 to i32
      %sign3A_596 = arith.constant 0 : i32
      %sign3A_597 = arith.cmpi slt, %jit3A_584, %sign3A_596 : i32
      %sign3A_598 = arith.extui %sign3A_597 : i1 to i32
      %sign3A_599 = arith.subi %sign3A_595, %sign3A_598 : i32
      %ne3A_600 = arith.cmpi ne, %sign3A_592, %sign3A_599 : i32
      %rem3A_601 = arith.remsi %add3A_437, %jit3A_584 : i32
      %ne3A_602 = arith.constant 0 : i32
      %ne3A_603 = arith.cmpi ne, %rem3A_601, %ne3A_602 : i32
      %and3A_604 = arith.andi %ne3A_600, %ne3A_603 : i1
      %sub3A_605 = arith.constant 1 : i32
      %sub3A_606 = arith.subi %div3A_585, %sub3A_605 : i32
      %select_n3A_607 = arith.select %and3A_604, %sub3A_606, %div3A_585 : i32
      %jit3A_608 = arith.constant 16 : i32
      %eq3A_609 = arith.constant 0 : i32
      %eq3A_610 = arith.cmpi eq, %jit3A_608, %eq3A_609 : i32
      %jit3A_611 = arith.constant 1 : i32
      %select_n3A_612 = arith.select %eq3A_610, %jit3A_611, %jit3A_608 : i32
      %rem3A_613 = arith.remsi %add3A_437, %select_n3A_612 : i32
      %ne3A_614 = arith.constant 0 : i32
      %ne3A_615 = arith.cmpi ne, %rem3A_613, %ne3A_614 : i32
      %lt3A_616 = arith.constant 0 : i32
      %lt3A_617 = arith.cmpi slt, %rem3A_613, %lt3A_616 : i32
      %lt3A_618 = arith.constant 0 : i32
      %lt3A_619 = arith.cmpi slt, %select_n3A_612, %lt3A_618 : i32
      %ne3A_620 = arith.xori %lt3A_617, %lt3A_619 : i1
      %and3A_621 = arith.andi %ne3A_620, %ne3A_615 : i1
      %add3A_622 = arith.addi %rem3A_613, %select_n3A_612 : i32
      %select_n3A_623 = arith.select %and3A_621, %add3A_622, %rem3A_613 : i32
      %mul3A_624 = arith.constant 4 : i32
      %mul3A_625 = arith.muli %select_n3A_623, %mul3A_624 : i32
      %add3A_626 = arith.constant 2 : i32
      %add3A_627 = arith.addi %mul3A_625, %add3A_626 : i32
      %jit3A_628 = arith.constant 2 : i32
      %eq3A_629 = arith.constant 0 : i32
      %eq3A_630 = arith.cmpi eq, %jit3A_628, %eq3A_629 : i32
      %jit3A_631 = arith.constant 1 : i32
      %select_n3A_632 = arith.select %eq3A_630, %jit3A_631, %jit3A_628 : i32
      %rem3A_633 = arith.remsi %select_n3A_607, %select_n3A_632 : i32
      %ne3A_634 = arith.constant 0 : i32
      %ne3A_635 = arith.cmpi ne, %rem3A_633, %ne3A_634 : i32
      %lt3A_636 = arith.constant 0 : i32
      %lt3A_637 = arith.cmpi slt, %rem3A_633, %lt3A_636 : i32
      %lt3A_638 = arith.constant 0 : i32
      %lt3A_639 = arith.cmpi slt, %select_n3A_632, %lt3A_638 : i32
      %ne3A_640 = arith.xori %lt3A_637, %lt3A_639 : i1
      %and3A_641 = arith.andi %ne3A_640, %ne3A_635 : i1
      %add3A_642 = arith.addi %rem3A_633, %select_n3A_632 : i32
      %select_n3A_643 = arith.select %and3A_641, %add3A_642, %rem3A_633 : i32
      %dma_wait3A_644 = arith.constant 0 : i32
      %dma_wait3A_645 = arith.constant 0 : i32
      %dma_wait3A_646 = tpu.memref_slice %arg6[%scan3A_133, %dma_wait3A_644, %dma_wait3A_645] : memref<2x224x128xf32, #tpu.memory_space<vmem>> -> memref<1x224x128xf32, #tpu.memory_space<vmem>>
      %dma_wait3A_647 = tpu.memref_squeeze %dma_wait3A_646 : memref<1x224x128xf32, #tpu.memory_space<vmem>> -> memref<224x128xf32, #tpu.memory_space<vmem>>
      %dma_wait3A_648 = arith.constant 112 : i32
      %dma_wait3A_649 = arith.constant 0 : i32
      %dma_wait3A_650 = tpu.memref_slice %dma_wait3A_647[%dma_wait3A_648, %dma_wait3A_649] : memref<224x128xf32, #tpu.memory_space<vmem>> -> memref<56x128xf32, #tpu.memory_space<vmem>>
      %dma_wait3A_651 = arith.constant 0 : i32
      %dma_wait3A_652 = tpu.memref_slice %arg5[%select_n3A_643, %add3A_627, %dma_wait3A_651] : memref<2x64x56xi32, #tpu.memory_space<vmem>> -> memref<1x1x56xi32, #tpu.memory_space<vmem>>
      %dma_wait3A_653 = tpu.memref_squeeze %dma_wait3A_652 : memref<1x1x56xi32, #tpu.memory_space<vmem>> -> memref<56xi32, #tpu.memory_space<vmem>>
      %dma_wait3A_654 = arith.constant 0 : i32
      %dma_wait3A_655 = arith.constant 0 : i32
      %dma_wait3A_656 = tpu.memref_slice %arg3[%dma_wait3A_654, %dma_wait3A_655] : memref<1000000x128xf32, #tpu.memory_space<hbm>> -> memref<1000000x128xf32, #tpu.memory_space<hbm>>
      tpu.wait_indirect_dma semaphore(%arg9 : memref<!tpu.dma_semaphore, #tpu.memory_space<semaphore_mem>>) src(%dma_wait3A_656 : memref<1000000x128xf32, #tpu.memory_space<hbm>>) dst(%dma_wait3A_650 : memref<56x128xf32, #tpu.memory_space<vmem>>)
      %jit3A_657 = arith.constant 16 : i32
      %div3A_658 = arith.divsi %add3A_437, %jit3A_657 : i32
      %sign3A_659 = arith.constant 0 : i32
      %sign3A_660 = arith.cmpi sgt, %add3A_437, %sign3A_659 : i32
      %sign3A_661 = arith.extui %sign3A_660 : i1 to i32
      %sign3A_662 = arith.constant 0 : i32
      %sign3A_663 = arith.cmpi slt, %add3A_437, %sign3A_662 : i32
      %sign3A_664 = arith.extui %sign3A_663 : i1 to i32
      %sign3A_665 = arith.subi %sign3A_661, %sign3A_664 : i32
      %sign3A_666 = arith.constant 0 : i32
      %sign3A_667 = arith.cmpi sgt, %jit3A_657, %sign3A_666 : i32
      %sign3A_668 = arith.extui %sign3A_667 : i1 to i32
      %sign3A_669 = arith.constant 0 : i32
      %sign3A_670 = arith.cmpi slt, %jit3A_657, %sign3A_669 : i32
      %sign3A_671 = arith.extui %sign3A_670 : i1 to i32
      %sign3A_672 = arith.subi %sign3A_668, %sign3A_671 : i32
      %ne3A_673 = arith.cmpi ne, %sign3A_665, %sign3A_672 : i32
      %rem3A_674 = arith.remsi %add3A_437, %jit3A_657 : i32
      %ne3A_675 = arith.constant 0 : i32
      %ne3A_676 = arith.cmpi ne, %rem3A_674, %ne3A_675 : i32
      %and3A_677 = arith.andi %ne3A_673, %ne3A_676 : i1
      %sub3A_678 = arith.constant 1 : i32
      %sub3A_679 = arith.subi %div3A_658, %sub3A_678 : i32
      %select_n3A_680 = arith.select %and3A_677, %sub3A_679, %div3A_658 : i32
      %jit3A_681 = arith.constant 16 : i32
      %eq3A_682 = arith.constant 0 : i32
      %eq3A_683 = arith.cmpi eq, %jit3A_681, %eq3A_682 : i32
      %jit3A_684 = arith.constant 1 : i32
      %select_n3A_685 = arith.select %eq3A_683, %jit3A_684, %jit3A_681 : i32
      %rem3A_686 = arith.remsi %add3A_437, %select_n3A_685 : i32
      %ne3A_687 = arith.constant 0 : i32
      %ne3A_688 = arith.cmpi ne, %rem3A_686, %ne3A_687 : i32
      %lt3A_689 = arith.constant 0 : i32
      %lt3A_690 = arith.cmpi slt, %rem3A_686, %lt3A_689 : i32
      %lt3A_691 = arith.constant 0 : i32
      %lt3A_692 = arith.cmpi slt, %select_n3A_685, %lt3A_691 : i32
      %ne3A_693 = arith.xori %lt3A_690, %lt3A_692 : i1
      %and3A_694 = arith.andi %ne3A_693, %ne3A_688 : i1
      %add3A_695 = arith.addi %rem3A_686, %select_n3A_685 : i32
      %select_n3A_696 = arith.select %and3A_694, %add3A_695, %rem3A_686 : i32
      %mul3A_697 = arith.constant 4 : i32
      %mul3A_698 = arith.muli %select_n3A_696, %mul3A_697 : i32
      %add3A_699 = arith.constant 3 : i32
      %add3A_700 = arith.addi %mul3A_698, %add3A_699 : i32
      %jit3A_701 = arith.constant 2 : i32
      %eq3A_702 = arith.constant 0 : i32
      %eq3A_703 = arith.cmpi eq, %jit3A_701, %eq3A_702 : i32
      %jit3A_704 = arith.constant 1 : i32
      %select_n3A_705 = arith.select %eq3A_703, %jit3A_704, %jit3A_701 : i32
      %rem3A_706 = arith.remsi %select_n3A_680, %select_n3A_705 : i32
      %ne3A_707 = arith.constant 0 : i32
      %ne3A_708 = arith.cmpi ne, %rem3A_706, %ne3A_707 : i32
      %lt3A_709 = arith.constant 0 : i32
      %lt3A_710 = arith.cmpi slt, %rem3A_706, %lt3A_709 : i32
      %lt3A_711 = arith.constant 0 : i32
      %lt3A_712 = arith.cmpi slt, %select_n3A_705, %lt3A_711 : i32
      %ne3A_713 = arith.xori %lt3A_710, %lt3A_712 : i1
      %and3A_714 = arith.andi %ne3A_713, %ne3A_708 : i1
      %add3A_715 = arith.addi %rem3A_706, %select_n3A_705 : i32
      %select_n3A_716 = arith.select %and3A_714, %add3A_715, %rem3A_706 : i32
      %dma_wait3A_717 = arith.constant 0 : i32
      %dma_wait3A_718 = arith.constant 0 : i32
      %dma_wait3A_719 = tpu.memref_slice %arg6[%scan3A_133, %dma_wait3A_717, %dma_wait3A_718] : memref<2x224x128xf32, #tpu.memory_space<vmem>> -> memref<1x224x128xf32, #tpu.memory_space<vmem>>
      %dma_wait3A_720 = tpu.memref_squeeze %dma_wait3A_719 : memref<1x224x128xf32, #tpu.memory_space<vmem>> -> memref<224x128xf32, #tpu.memory_space<vmem>>
      %dma_wait3A_721 = arith.constant 168 : i32
      %dma_wait3A_722 = arith.constant 0 : i32
      %dma_wait3A_723 = tpu.memref_slice %dma_wait3A_720[%dma_wait3A_721, %dma_wait3A_722] : memref<224x128xf32, #tpu.memory_space<vmem>> -> memref<56x128xf32, #tpu.memory_space<vmem>>
      %dma_wait3A_724 = arith.constant 0 : i32
      %dma_wait3A_725 = tpu.memref_slice %arg5[%select_n3A_716, %add3A_700, %dma_wait3A_724] : memref<2x64x56xi32, #tpu.memory_space<vmem>> -> memref<1x1x56xi32, #tpu.memory_space<vmem>>
      %dma_wait3A_726 = tpu.memref_squeeze %dma_wait3A_725 : memref<1x1x56xi32, #tpu.memory_space<vmem>> -> memref<56xi32, #tpu.memory_space<vmem>>
      %dma_wait3A_727 = arith.constant 0 : i32
      %dma_wait3A_728 = arith.constant 0 : i32
      %dma_wait3A_729 = tpu.memref_slice %arg3[%dma_wait3A_727, %dma_wait3A_728] : memref<1000000x128xf32, #tpu.memory_space<hbm>> -> memref<1000000x128xf32, #tpu.memory_space<hbm>>
      tpu.wait_indirect_dma semaphore(%arg9 : memref<!tpu.dma_semaphore, #tpu.memory_space<semaphore_mem>>) src(%dma_wait3A_729 : memref<1000000x128xf32, #tpu.memory_space<hbm>>) dst(%dma_wait3A_723 : memref<56x128xf32, #tpu.memory_space<vmem>>)
      %scan3A_730 = arith.constant 0 : i32
      %scan3A_731 = arith.constant 0 : i32
      %scan3A_732 = arith.constant 4 : i32
      %scan3A_733 = arith.addi %scan3A_731, %scan3A_732 : i32
      %scan3A_734 = arith.constant 1 : i32
      scf.for %scan3A_741 = %scan3A_731 to %scan3A_733 step %scan3A_734  : i32 {
        %mul3A_742 = arith.constant 56 : i32
        %mul3A_743 = arith.muli %scan3A_741, %mul3A_742 : i32
        %broadcast_in_dim3A = arith.constant 0.000000e+00 : f32
        %broadcast_in_dim3A_744 = vector.broadcast %broadcast_in_dim3A : f32 to vector<16xf32>
        %scan3A_745 = arith.constant 0 : i32
        %scan3A_746 = arith.constant 5 : i32
        %scan3A_747 = arith.addi %scan3A_745, %scan3A_746 : i32
        %scan3A_748 = arith.constant 1 : i32
        %scan3A_749:4 = scf.for %scan3A_773 = %scan3A_745 to %scan3A_747 step %scan3A_748 iter_args(%scan3A_774 = %broadcast_in_dim3A_744, %scan3A_775 = %broadcast_in_dim3A_744, %scan3A_776 = %broadcast_in_dim3A_744, %scan3A_777 = %broadcast_in_dim3A_744) -> (vector<16xf32>, vector<16xf32>, vector<16xf32>, vector<16xf32>)  : i32 {
          %mul3A_778 = arith.constant 10 : i32
          %mul3A_779 = arith.muli %scan3A_773, %mul3A_778 : i32
          %add3A_780 = arith.addi %mul3A_743, %mul3A_779 : i32
          %add3A_781 = arith.constant 0 : i32
          %add3A_782 = arith.addi %add3A_780, %add3A_781 : i32
          %get3A = arith.constant 0 : i32
          %get3A_783 = arith.constant 0 : i32
          %get3A_784 = tpu.memref_slice %arg6[%scan3A_133, %get3A, %get3A_783] : memref<2x224x128xf32, #tpu.memory_space<vmem>> -> memref<1x224x128xf32, #tpu.memory_space<vmem>>
          %get3A_785 = tpu.memref_squeeze %get3A_784 : memref<1x224x128xf32, #tpu.memory_space<vmem>> -> memref<224x128xf32, #tpu.memory_space<vmem>>
          %get3A_786 = arith.index_cast %add3A_782 : i32 to index
          %get3A_787 = arith.constant 0 : index
          %get3A_788 = tpu.vector_load %get3A_785[%get3A_786, %get3A_787] {strides = array<i32>} : memref<224x128xf32, #tpu.memory_space<vmem>>, vector<1x16xf32>,
          %get3A_789 = vector.shape_cast %get3A_788 : vector<1x16xf32> to vector<16xf32>
          %add3A_790 = arith.addf %scan3A_774, %get3A_789 : vector<16xf32>
          %get3A_791 = arith.constant 0 : i32
          %get3A_792 = arith.constant 0 : i32
          %get3A_793 = tpu.memref_slice %arg6[%scan3A_133, %get3A_791, %get3A_792] : memref<2x224x128xf32, #tpu.memory_space<vmem>> -> memref<1x224x128xf32, #tpu.memory_space<vmem>>
          %get3A_794 = tpu.memref_squeeze %get3A_793 : memref<1x224x128xf32, #tpu.memory_space<vmem>> -> memref<224x128xf32, #tpu.memory_space<vmem>>
          %get3A_795 = arith.index_cast %add3A_782 : i32 to index
          %get3A_796 = arith.constant 16 : index
          %get3A_797 = tpu.vector_load %get3A_794[%get3A_795, %get3A_796] {strides = array<i32>} : memref<224x128xf32, #tpu.memory_space<vmem>>, vector<1x16xf32>,
          %get3A_798 = vector.shape_cast %get3A_797 : vector<1x16xf32> to vector<16xf32>
          %add3A_799 = arith.addf %scan3A_775, %get3A_798 : vector<16xf32>
          %get3A_800 = arith.constant 0 : i32
          %get3A_801 = arith.constant 0 : i32
          %get3A_802 = tpu.memref_slice %arg6[%scan3A_133, %get3A_800, %get3A_801] : memref<2x224x128xf32, #tpu.memory_space<vmem>> -> memref<1x224x128xf32, #tpu.memory_space<vmem>>
          %get3A_803 = tpu.memref_squeeze %get3A_802 : memref<1x224x128xf32, #tpu.memory_space<vmem>> -> memref<224x128xf32, #tpu.memory_space<vmem>>
          %get3A_804 = arith.index_cast %add3A_782 : i32 to index
          %get3A_805 = arith.constant 32 : index
          %get3A_806 = tpu.vector_load %get3A_803[%get3A_804, %get3A_805] {strides = array<i32>} : memref<224x128xf32, #tpu.memory_space<vmem>>, vector<1x16xf32>,
          %get3A_807 = vector.shape_cast %get3A_806 : vector<1x16xf32> to vector<16xf32>
          %add3A_808 = arith.addf %scan3A_776, %get3A_807 : vector<16xf32>
          %get3A_809 = arith.constant 0 : i32
          %get3A_810 = arith.constant 0 : i32
          %get3A_811 = tpu.memref_slice %arg6[%scan3A_133, %get3A_809, %get3A_810] : memref<2x224x128xf32, #tpu.memory_space<vmem>> -> memref<1x224x128xf32, #tpu.memory_space<vmem>>
          %get3A_812 = tpu.memref_squeeze %get3A_811 : memref<1x224x128xf32, #tpu.memory_space<vmem>> -> memref<224x128xf32, #tpu.memory_space<vmem>>
          %get3A_813 = arith.index_cast %add3A_782 : i32 to index
          %get3A_814 = arith.constant 48 : index
          %get3A_815 = tpu.vector_load %get3A_812[%get3A_813, %get3A_814] {strides = array<i32>} : memref<224x128xf32, #tpu.memory_space<vmem>>, vector<1x16xf32>,
          %get3A_816 = vector.shape_cast %get3A_815 : vector<1x16xf32> to vector<16xf32>
          %add3A_817 = arith.addf %scan3A_777, %get3A_816 : vector<16xf32>
          %mul3A_818 = arith.constant 10 : i32
          %mul3A_819 = arith.muli %scan3A_773, %mul3A_818 : i32
          %add3A_820 = arith.addi %mul3A_743, %mul3A_819 : i32
          %add3A_821 = arith.constant 1 : i32
          %add3A_822 = arith.addi %add3A_820, %add3A_821 : i32
          %get3A_823 = arith.constant 0 : i32
          %get3A_824 = arith.constant 0 : i32
          %get3A_825 = tpu.memref_slice %arg6[%scan3A_133, %get3A_823, %get3A_824] : memref<2x224x128xf32, #tpu.memory_space<vmem>> -> memref<1x224x128xf32, #tpu.memory_space<vmem>>
          %get3A_826 = tpu.memref_squeeze %get3A_825 : memref<1x224x128xf32, #tpu.memory_space<vmem>> -> memref<224x128xf32, #tpu.memory_space<vmem>>
          %get3A_827 = arith.index_cast %add3A_822 : i32 to index
          %get3A_828 = arith.constant 0 : index
          %get3A_829 = tpu.vector_load %get3A_826[%get3A_827, %get3A_828] {strides = array<i32>} : memref<224x128xf32, #tpu.memory_space<vmem>>, vector<1x16xf32>,
          %get3A_830 = vector.shape_cast %get3A_829 : vector<1x16xf32> to vector<16xf32>
          %add3A_831 = arith.addf %add3A_790, %get3A_830 : vector<16xf32>
          %get3A_832 = arith.constant 0 : i32
          %get3A_833 = arith.constant 0 : i32
          %get3A_834 = tpu.memref_slice %arg6[%scan3A_133, %get3A_832, %get3A_833] : memref<2x224x128xf32, #tpu.memory_space<vmem>> -> memref<1x224x128xf32, #tpu.memory_space<vmem>>
          %get3A_835 = tpu.memref_squeeze %get3A_834 : memref<1x224x128xf32, #tpu.memory_space<vmem>> -> memref<224x128xf32, #tpu.memory_space<vmem>>
          %get3A_836 = arith.index_cast %add3A_822 : i32 to index
          %get3A_837 = arith.constant 16 : index
          %get3A_838 = tpu.vector_load %get3A_835[%get3A_836, %get3A_837] {strides = array<i32>} : memref<224x128xf32, #tpu.memory_space<vmem>>, vector<1x16xf32>,
          %get3A_839 = vector.shape_cast %get3A_838 : vector<1x16xf32> to vector<16xf32>
          %add3A_840 = arith.addf %add3A_799, %get3A_839 : vector<16xf32>
          %get3A_841 = arith.constant 0 : i32
          %get3A_842 = arith.constant 0 : i32
          %get3A_843 = tpu.memref_slice %arg6[%scan3A_133, %get3A_841, %get3A_842] : memref<2x224x128xf32, #tpu.memory_space<vmem>> -> memref<1x224x128xf32, #tpu.memory_space<vmem>>
          %get3A_844 = tpu.memref_squeeze %get3A_843 : memref<1x224x128xf32, #tpu.memory_space<vmem>> -> memref<224x128xf32, #tpu.memory_space<vmem>>
          %get3A_845 = arith.index_cast %add3A_822 : i32 to index
          %get3A_846 = arith.constant 32 : index
          %get3A_847 = tpu.vector_load %get3A_844[%get3A_845, %get3A_846] {strides = array<i32>} : memref<224x128xf32, #tpu.memory_space<vmem>>, vector<1x16xf32>,
          %get3A_848 = vector.shape_cast %get3A_847 : vector<1x16xf32> to vector<16xf32>
          %add3A_849 = arith.addf %add3A_808, %get3A_848 : vector<16xf32>
          %get3A_850 = arith.constant 0 : i32
          %get3A_851 = arith.constant 0 : i32
          %get3A_852 = tpu.memref_slice %arg6[%scan3A_133, %get3A_850, %get3A_851] : memref<2x224x128xf32, #tpu.memory_space<vmem>> -> memref<1x224x128xf32, #tpu.memory_space<vmem>>
          %get3A_853 = tpu.memref_squeeze %get3A_852 : memref<1x224x128xf32, #tpu.memory_space<vmem>> -> memref<224x128xf32, #tpu.memory_space<vmem>>
          %get3A_854 = arith.index_cast %add3A_822 : i32 to index
          %get3A_855 = arith.constant 48 : index
          %get3A_856 = tpu.vector_load %get3A_853[%get3A_854, %get3A_855] {strides = array<i32>} : memref<224x128xf32, #tpu.memory_space<vmem>>, vector<1x16xf32>,
          %get3A_857 = vector.shape_cast %get3A_856 : vector<1x16xf32> to vector<16xf32>
          %add3A_858 = arith.addf %add3A_817, %get3A_857 : vector<16xf32>
          %mul3A_859 = arith.constant 10 : i32
          %mul3A_860 = arith.muli %scan3A_773, %mul3A_859 : i32
          %add3A_861 = arith.addi %mul3A_743, %mul3A_860 : i32
          %add3A_862 = arith.constant 2 : i32
          %add3A_863 = arith.addi %add3A_861, %add3A_862 : i32
          %get3A_864 = arith.constant 0 : i32
          %get3A_865 = arith.constant 0 : i32
          %get3A_866 = tpu.memref_slice %arg6[%scan3A_133, %get3A_864, %get3A_865] : memref<2x224x128xf32, #tpu.memory_space<vmem>> -> memref<1x224x128xf32, #tpu.memory_space<vmem>>
          %get3A_867 = tpu.memref_squeeze %get3A_866 : memref<1x224x128xf32, #tpu.memory_space<vmem>> -> memref<224x128xf32, #tpu.memory_space<vmem>>
          %get3A_868 = arith.index_cast %add3A_863 : i32 to index
          %get3A_869 = arith.constant 0 : index
          %get3A_870 = tpu.vector_load %get3A_867[%get3A_868, %get3A_869] {strides = array<i32>} : memref<224x128xf32, #tpu.memory_space<vmem>>, vector<1x16xf32>,
          %get3A_871 = vector.shape_cast %get3A_870 : vector<1x16xf32> to vector<16xf32>
          %add3A_872 = arith.addf %add3A_831, %get3A_871 : vector<16xf32>
          %get3A_873 = arith.constant 0 : i32
          %get3A_874 = arith.constant 0 : i32
          %get3A_875 = tpu.memref_slice %arg6[%scan3A_133, %get3A_873, %get3A_874] : memref<2x224x128xf32, #tpu.memory_space<vmem>> -> memref<1x224x128xf32, #tpu.memory_space<vmem>>
          %get3A_876 = tpu.memref_squeeze %get3A_875 : memref<1x224x128xf32, #tpu.memory_space<vmem>> -> memref<224x128xf32, #tpu.memory_space<vmem>>
          %get3A_877 = arith.index_cast %add3A_863 : i32 to index
          %get3A_878 = arith.constant 16 : index
          %get3A_879 = tpu.vector_load %get3A_876[%get3A_877, %get3A_878] {strides = array<i32>} : memref<224x128xf32, #tpu.memory_space<vmem>>, vector<1x16xf32>,
          %get3A_880 = vector.shape_cast %get3A_879 : vector<1x16xf32> to vector<16xf32>
          %add3A_881 = arith.addf %add3A_840, %get3A_880 : vector<16xf32>
          %get3A_882 = arith.constant 0 : i32
          %get3A_883 = arith.constant 0 : i32
          %get3A_884 = tpu.memref_slice %arg6[%scan3A_133, %get3A_882, %get3A_883] : memref<2x224x128xf32, #tpu.memory_space<vmem>> -> memref<1x224x128xf32, #tpu.memory_space<vmem>>
          %get3A_885 = tpu.memref_squeeze %get3A_884 : memref<1x224x128xf32, #tpu.memory_space<vmem>> -> memref<224x128xf32, #tpu.memory_space<vmem>>
          %get3A_886 = arith.index_cast %add3A_863 : i32 to index
          %get3A_887 = arith.constant 32 : index
          %get3A_888 = tpu.vector_load %get3A_885[%get3A_886, %get3A_887] {strides = array<i32>} : memref<224x128xf32, #tpu.memory_space<vmem>>, vector<1x16xf32>,
          %get3A_889 = vector.shape_cast %get3A_888 : vector<1x16xf32> to vector<16xf32>
          %add3A_890 = arith.addf %add3A_849, %get3A_889 : vector<16xf32>
          %get3A_891 = arith.constant 0 : i32
          %get3A_892 = arith.constant 0 : i32
          %get3A_893 = tpu.memref_slice %arg6[%scan3A_133, %get3A_891, %get3A_892] : memref<2x224x128xf32, #tpu.memory_space<vmem>> -> memref<1x224x128xf32, #tpu.memory_space<vmem>>
          %get3A_894 = tpu.memref_squeeze %get3A_893 : memref<1x224x128xf32, #tpu.memory_space<vmem>> -> memref<224x128xf32, #tpu.memory_space<vmem>>
          %get3A_895 = arith.index_cast %add3A_863 : i32 to index
          %get3A_896 = arith.constant 48 : index
          %get3A_897 = tpu.vector_load %get3A_894[%get3A_895, %get3A_896] {strides = array<i32>} : memref<224x128xf32, #tpu.memory_space<vmem>>, vector<1x16xf32>,
          %get3A_898 = vector.shape_cast %get3A_897 : vector<1x16xf32> to vector<16xf32>
          %add3A_899 = arith.addf %add3A_858, %get3A_898 : vector<16xf32>
          %mul3A_900 = arith.constant 10 : i32
          %mul3A_901 = arith.muli %scan3A_773, %mul3A_900 : i32
          %add3A_902 = arith.addi %mul3A_743, %mul3A_901 : i32
          %add3A_903 = arith.constant 3 : i32
          %add3A_904 = arith.addi %add3A_902, %add3A_903 : i32
          %get3A_905 = arith.constant 0 : i32
          %get3A_906 = arith.constant 0 : i32
          %get3A_907 = tpu.memref_slice %arg6[%scan3A_133, %get3A_905, %get3A_906] : memref<2x224x128xf32, #tpu.memory_space<vmem>> -> memref<1x224x128xf32, #tpu.memory_space<vmem>>
          %get3A_908 = tpu.memref_squeeze %get3A_907 : memref<1x224x128xf32, #tpu.memory_space<vmem>> -> memref<224x128xf32, #tpu.memory_space<vmem>>
          %get3A_909 = arith.index_cast %add3A_904 : i32 to index
          %get3A_910 = arith.constant 0 : index
          %get3A_911 = tpu.vector_load %get3A_908[%get3A_909, %get3A_910] {strides = array<i32>} : memref<224x128xf32, #tpu.memory_space<vmem>>, vector<1x16xf32>,
          %get3A_912 = vector.shape_cast %get3A_911 : vector<1x16xf32> to vector<16xf32>
          %add3A_913 = arith.addf %add3A_872, %get3A_912 : vector<16xf32>
          %get3A_914 = arith.constant 0 : i32
          %get3A_915 = arith.constant 0 : i32
          %get3A_916 = tpu.memref_slice %arg6[%scan3A_133, %get3A_914, %get3A_915] : memref<2x224x128xf32, #tpu.memory_space<vmem>> -> memref<1x224x128xf32, #tpu.memory_space<vmem>>
          %get3A_917 = tpu.memref_squeeze %get3A_916 : memref<1x224x128xf32, #tpu.memory_space<vmem>> -> memref<224x128xf32, #tpu.memory_space<vmem>>
          %get3A_918 = arith.index_cast %add3A_904 : i32 to index
          %get3A_919 = arith.constant 16 : index
          %get3A_920 = tpu.vector_load %get3A_917[%get3A_918, %get3A_919] {strides = array<i32>} : memref<224x128xf32, #tpu.memory_space<vmem>>, vector<1x16xf32>,
          %get3A_921 = vector.shape_cast %get3A_920 : vector<1x16xf32> to vector<16xf32>
          %add3A_922 = arith.addf %add3A_881, %get3A_921 : vector<16xf32>
          %get3A_923 = arith.constant 0 : i32
          %get3A_924 = arith.constant 0 : i32
          %get3A_925 = tpu.memref_slice %arg6[%scan3A_133, %get3A_923, %get3A_924] : memref<2x224x128xf32, #tpu.memory_space<vmem>> -> memref<1x224x128xf32, #tpu.memory_space<vmem>>
          %get3A_926 = tpu.memref_squeeze %get3A_925 : memref<1x224x128xf32, #tpu.memory_space<vmem>> -> memref<224x128xf32, #tpu.memory_space<vmem>>
          %get3A_927 = arith.index_cast %add3A_904 : i32 to index
          %get3A_928 = arith.constant 32 : index
          %get3A_929 = tpu.vector_load %get3A_926[%get3A_927, %get3A_928] {strides = array<i32>} : memref<224x128xf32, #tpu.memory_space<vmem>>, vector<1x16xf32>,
          %get3A_930 = vector.shape_cast %get3A_929 : vector<1x16xf32> to vector<16xf32>
          %add3A_931 = arith.addf %add3A_890, %get3A_930 : vector<16xf32>
          %get3A_932 = arith.constant 0 : i32
          %get3A_933 = arith.constant 0 : i32
          %get3A_934 = tpu.memref_slice %arg6[%scan3A_133, %get3A_932, %get3A_933] : memref<2x224x128xf32, #tpu.memory_space<vmem>> -> memref<1x224x128xf32, #tpu.memory_space<vmem>>
          %get3A_935 = tpu.memref_squeeze %get3A_934 : memref<1x224x128xf32, #tpu.memory_space<vmem>> -> memref<224x128xf32, #tpu.memory_space<vmem>>
          %get3A_936 = arith.index_cast %add3A_904 : i32 to index
          %get3A_937 = arith.constant 48 : index
          %get3A_938 = tpu.vector_load %get3A_935[%get3A_936, %get3A_937] {strides = array<i32>} : memref<224x128xf32, #tpu.memory_space<vmem>>, vector<1x16xf32>,
          %get3A_939 = vector.shape_cast %get3A_938 : vector<1x16xf32> to vector<16xf32>
          %add3A_940 = arith.addf %add3A_899, %get3A_939 : vector<16xf32>
          %mul3A_941 = arith.constant 10 : i32
          %mul3A_942 = arith.muli %scan3A_773, %mul3A_941 : i32
          %add3A_943 = arith.addi %mul3A_743, %mul3A_942 : i32
          %add3A_944 = arith.constant 4 : i32
          %add3A_945 = arith.addi %add3A_943, %add3A_944 : i32
          %get3A_946 = arith.constant 0 : i32
          %get3A_947 = arith.constant 0 : i32
          %get3A_948 = tpu.memref_slice %arg6[%scan3A_133, %get3A_946, %get3A_947] : memref<2x224x128xf32, #tpu.memory_space<vmem>> -> memref<1x224x128xf32, #tpu.memory_space<vmem>>
          %get3A_949 = tpu.memref_squeeze %get3A_948 : memref<1x224x128xf32, #tpu.memory_space<vmem>> -> memref<224x128xf32, #tpu.memory_space<vmem>>
          %get3A_950 = arith.index_cast %add3A_945 : i32 to index
          %get3A_951 = arith.constant 0 : index
          %get3A_952 = tpu.vector_load %get3A_949[%get3A_950, %get3A_951] {strides = array<i32>} : memref<224x128xf32, #tpu.memory_space<vmem>>, vector<1x16xf32>,
          %get3A_953 = vector.shape_cast %get3A_952 : vector<1x16xf32> to vector<16xf32>
          %add3A_954 = arith.addf %add3A_913, %get3A_953 : vector<16xf32>
          %get3A_955 = arith.constant 0 : i32
          %get3A_956 = arith.constant 0 : i32
          %get3A_957 = tpu.memref_slice %arg6[%scan3A_133, %get3A_955, %get3A_956] : memref<2x224x128xf32, #tpu.memory_space<vmem>> -> memref<1x224x128xf32, #tpu.memory_space<vmem>>
          %get3A_958 = tpu.memref_squeeze %get3A_957 : memref<1x224x128xf32, #tpu.memory_space<vmem>> -> memref<224x128xf32, #tpu.memory_space<vmem>>
          %get3A_959 = arith.index_cast %add3A_945 : i32 to index
          %get3A_960 = arith.constant 16 : index
          %get3A_961 = tpu.vector_load %get3A_958[%get3A_959, %get3A_960] {strides = array<i32>} : memref<224x128xf32, #tpu.memory_space<vmem>>, vector<1x16xf32>,
          %get3A_962 = vector.shape_cast %get3A_961 : vector<1x16xf32> to vector<16xf32>
          %add3A_963 = arith.addf %add3A_922, %get3A_962 : vector<16xf32>
          %get3A_964 = arith.constant 0 : i32
          %get3A_965 = arith.constant 0 : i32
          %get3A_966 = tpu.memref_slice %arg6[%scan3A_133, %get3A_964, %get3A_965] : memref<2x224x128xf32, #tpu.memory_space<vmem>> -> memref<1x224x128xf32, #tpu.memory_space<vmem>>
          %get3A_967 = tpu.memref_squeeze %get3A_966 : memref<1x224x128xf32, #tpu.memory_space<vmem>> -> memref<224x128xf32, #tpu.memory_space<vmem>>
          %get3A_968 = arith.index_cast %add3A_945 : i32 to index
          %get3A_969 = arith.constant 32 : index
          %get3A_970 = tpu.vector_load %get3A_967[%get3A_968, %get3A_969] {strides = array<i32>} : memref<224x128xf32, #tpu.memory_space<vmem>>, vector<1x16xf32>,
          %get3A_971 = vector.shape_cast %get3A_970 : vector<1x16xf32> to vector<16xf32>
          %add3A_972 = arith.addf %add3A_931, %get3A_971 : vector<16xf32>
          %get3A_973 = arith.constant 0 : i32
          %get3A_974 = arith.constant 0 : i32
          %get3A_975 = tpu.memref_slice %arg6[%scan3A_133, %get3A_973, %get3A_974] : memref<2x224x128xf32, #tpu.memory_space<vmem>> -> memref<1x224x128xf32, #tpu.memory_space<vmem>>
          %get3A_976 = tpu.memref_squeeze %get3A_975 : memref<1x224x128xf32, #tpu.memory_space<vmem>> -> memref<224x128xf32, #tpu.memory_space<vmem>>
          %get3A_977 = arith.index_cast %add3A_945 : i32 to index
          %get3A_978 = arith.constant 48 : index
          %get3A_979 = tpu.vector_load %get3A_976[%get3A_977, %get3A_978] {strides = array<i32>} : memref<224x128xf32, #tpu.memory_space<vmem>>, vector<1x16xf32>,
          %get3A_980 = vector.shape_cast %get3A_979 : vector<1x16xf32> to vector<16xf32>
          %add3A_981 = arith.addf %add3A_940, %get3A_980 : vector<16xf32>
          %mul3A_982 = arith.constant 10 : i32
          %mul3A_983 = arith.muli %scan3A_773, %mul3A_982 : i32
          %add3A_984 = arith.addi %mul3A_743, %mul3A_983 : i32
          %add3A_985 = arith.constant 5 : i32
          %add3A_986 = arith.addi %add3A_984, %add3A_985 : i32
          %get3A_987 = arith.constant 0 : i32
          %get3A_988 = arith.constant 0 : i32
          %get3A_989 = tpu.memref_slice %arg6[%scan3A_133, %get3A_987, %get3A_988] : memref<2x224x128xf32, #tpu.memory_space<vmem>> -> memref<1x224x128xf32, #tpu.memory_space<vmem>>
          %get3A_990 = tpu.memref_squeeze %get3A_989 : memref<1x224x128xf32, #tpu.memory_space<vmem>> -> memref<224x128xf32, #tpu.memory_space<vmem>>
          %get3A_991 = arith.index_cast %add3A_986 : i32 to index
          %get3A_992 = arith.constant 0 : index
          %get3A_993 = tpu.vector_load %get3A_990[%get3A_991, %get3A_992] {strides = array<i32>} : memref<224x128xf32, #tpu.memory_space<vmem>>, vector<1x16xf32>,
          %get3A_994 = vector.shape_cast %get3A_993 : vector<1x16xf32> to vector<16xf32>
          %add3A_995 = arith.addf %add3A_954, %get3A_994 : vector<16xf32>
          %get3A_996 = arith.constant 0 : i32
          %get3A_997 = arith.constant 0 : i32
          %get3A_998 = tpu.memref_slice %arg6[%scan3A_133, %get3A_996, %get3A_997] : memref<2x224x128xf32, #tpu.memory_space<vmem>> -> memref<1x224x128xf32, #tpu.memory_space<vmem>>
          %get3A_999 = tpu.memref_squeeze %get3A_998 : memref<1x224x128xf32, #tpu.memory_space<vmem>> -> memref<224x128xf32, #tpu.memory_space<vmem>>
          %get3A_1000 = arith.index_cast %add3A_986 : i32 to index
          %get3A_1001 = arith.constant 16 : index
          %get3A_1002 = tpu.vector_load %get3A_999[%get3A_1000, %get3A_1001] {strides = array<i32>} : memref<224x128xf32, #tpu.memory_space<vmem>>, vector<1x16xf32>,
          %get3A_1003 = vector.shape_cast %get3A_1002 : vector<1x16xf32> to vector<16xf32>
          %add3A_1004 = arith.addf %add3A_963, %get3A_1003 : vector<16xf32>
          %get3A_1005 = arith.constant 0 : i32
          %get3A_1006 = arith.constant 0 : i32
          %get3A_1007 = tpu.memref_slice %arg6[%scan3A_133, %get3A_1005, %get3A_1006] : memref<2x224x128xf32, #tpu.memory_space<vmem>> -> memref<1x224x128xf32, #tpu.memory_space<vmem>>
          %get3A_1008 = tpu.memref_squeeze %get3A_1007 : memref<1x224x128xf32, #tpu.memory_space<vmem>> -> memref<224x128xf32, #tpu.memory_space<vmem>>
          %get3A_1009 = arith.index_cast %add3A_986 : i32 to index
          %get3A_1010 = arith.constant 32 : index
          %get3A_1011 = tpu.vector_load %get3A_1008[%get3A_1009, %get3A_1010] {strides = array<i32>} : memref<224x128xf32, #tpu.memory_space<vmem>>, vector<1x16xf32>,
          %get3A_1012 = vector.shape_cast %get3A_1011 : vector<1x16xf32> to vector<16xf32>
          %add3A_1013 = arith.addf %add3A_972, %get3A_1012 : vector<16xf32>
          %get3A_1014 = arith.constant 0 : i32
          %get3A_1015 = arith.constant 0 : i32
          %get3A_1016 = tpu.memref_slice %arg6[%scan3A_133, %get3A_1014, %get3A_1015] : memref<2x224x128xf32, #tpu.memory_space<vmem>> -> memref<1x224x128xf32, #tpu.memory_space<vmem>>
          %get3A_1017 = tpu.memref_squeeze %get3A_1016 : memref<1x224x128xf32, #tpu.memory_space<vmem>> -> memref<224x128xf32, #tpu.memory_space<vmem>>
          %get3A_1018 = arith.index_cast %add3A_986 : i32 to index
          %get3A_1019 = arith.constant 48 : index
          %get3A_1020 = tpu.vector_load %get3A_1017[%get3A_1018, %get3A_1019] {strides = array<i32>} : memref<224x128xf32, #tpu.memory_space<vmem>>, vector<1x16xf32>,
          %get3A_1021 = vector.shape_cast %get3A_1020 : vector<1x16xf32> to vector<16xf32>
          %add3A_1022 = arith.addf %add3A_981, %get3A_1021 : vector<16xf32>
          %mul3A_1023 = arith.constant 10 : i32
          %mul3A_1024 = arith.muli %scan3A_773, %mul3A_1023 : i32
          %add3A_1025 = arith.addi %mul3A_743, %mul3A_1024 : i32
          %add3A_1026 = arith.constant 6 : i32
          %add3A_1027 = arith.addi %add3A_1025, %add3A_1026 : i32
          %get3A_1028 = arith.constant 0 : i32
          %get3A_1029 = arith.constant 0 : i32
          %get3A_1030 = tpu.memref_slice %arg6[%scan3A_133, %get3A_1028, %get3A_1029] : memref<2x224x128xf32, #tpu.memory_space<vmem>> -> memref<1x224x128xf32, #tpu.memory_space<vmem>>
          %get3A_1031 = tpu.memref_squeeze %get3A_1030 : memref<1x224x128xf32, #tpu.memory_space<vmem>> -> memref<224x128xf32, #tpu.memory_space<vmem>>
          %get3A_1032 = arith.index_cast %add3A_1027 : i32 to index
          %get3A_1033 = arith.constant 0 : index
          %get3A_1034 = tpu.vector_load %get3A_1031[%get3A_1032, %get3A_1033] {strides = array<i32>} : memref<224x128xf32, #tpu.memory_space<vmem>>, vector<1x16xf32>,
          %get3A_1035 = vector.shape_cast %get3A_1034 : vector<1x16xf32> to vector<16xf32>
          %add3A_1036 = arith.addf %add3A_995, %get3A_1035 : vector<16xf32>
          %get3A_1037 = arith.constant 0 : i32
          %get3A_1038 = arith.constant 0 : i32
          %get3A_1039 = tpu.memref_slice %arg6[%scan3A_133, %get3A_1037, %get3A_1038] : memref<2x224x128xf32, #tpu.memory_space<vmem>> -> memref<1x224x128xf32, #tpu.memory_space<vmem>>
          %get3A_1040 = tpu.memref_squeeze %get3A_1039 : memref<1x224x128xf32, #tpu.memory_space<vmem>> -> memref<224x128xf32, #tpu.memory_space<vmem>>
          %get3A_1041 = arith.index_cast %add3A_1027 : i32 to index
          %get3A_1042 = arith.constant 16 : index
          %get3A_1043 = tpu.vector_load %get3A_1040[%get3A_1041, %get3A_1042] {strides = array<i32>} : memref<224x128xf32, #tpu.memory_space<vmem>>, vector<1x16xf32>,
          %get3A_1044 = vector.shape_cast %get3A_1043 : vector<1x16xf32> to vector<16xf32>
          %add3A_1045 = arith.addf %add3A_1004, %get3A_1044 : vector<16xf32>
          %get3A_1046 = arith.constant 0 : i32
          %get3A_1047 = arith.constant 0 : i32
          %get3A_1048 = tpu.memref_slice %arg6[%scan3A_133, %get3A_1046, %get3A_1047] : memref<2x224x128xf32, #tpu.memory_space<vmem>> -> memref<1x224x128xf32, #tpu.memory_space<vmem>>
          %get3A_1049 = tpu.memref_squeeze %get3A_1048 : memref<1x224x128xf32, #tpu.memory_space<vmem>> -> memref<224x128xf32, #tpu.memory_space<vmem>>
          %get3A_1050 = arith.index_cast %add3A_1027 : i32 to index
          %get3A_1051 = arith.constant 32 : index
          %get3A_1052 = tpu.vector_load %get3A_1049[%get3A_1050, %get3A_1051] {strides = array<i32>} : memref<224x128xf32, #tpu.memory_space<vmem>>, vector<1x16xf32>,
          %get3A_1053 = vector.shape_cast %get3A_1052 : vector<1x16xf32> to vector<16xf32>
          %add3A_1054 = arith.addf %add3A_1013, %get3A_1053 : vector<16xf32>
          %get3A_1055 = arith.constant 0 : i32
          %get3A_1056 = arith.constant 0 : i32
          %get3A_1057 = tpu.memref_slice %arg6[%scan3A_133, %get3A_1055, %get3A_1056] : memref<2x224x128xf32, #tpu.memory_space<vmem>> -> memref<1x224x128xf32, #tpu.memory_space<vmem>>
          %get3A_1058 = tpu.memref_squeeze %get3A_1057 : memref<1x224x128xf32, #tpu.memory_space<vmem>> -> memref<224x128xf32, #tpu.memory_space<vmem>>
          %get3A_1059 = arith.index_cast %add3A_1027 : i32 to index
          %get3A_1060 = arith.constant 48 : index
          %get3A_1061 = tpu.vector_load %get3A_1058[%get3A_1059, %get3A_1060] {strides = array<i32>} : memref<224x128xf32, #tpu.memory_space<vmem>>, vector<1x16xf32>,
          %get3A_1062 = vector.shape_cast %get3A_1061 : vector<1x16xf32> to vector<16xf32>
          %add3A_1063 = arith.addf %add3A_1022, %get3A_1062 : vector<16xf32>
          %mul3A_1064 = arith.constant 10 : i32
          %mul3A_1065 = arith.muli %scan3A_773, %mul3A_1064 : i32
          %add3A_1066 = arith.addi %mul3A_743, %mul3A_1065 : i32
          %add3A_1067 = arith.constant 7 : i32
          %add3A_1068 = arith.addi %add3A_1066, %add3A_1067 : i32
          %get3A_1069 = arith.constant 0 : i32
          %get3A_1070 = arith.constant 0 : i32
          %get3A_1071 = tpu.memref_slice %arg6[%scan3A_133, %get3A_1069, %get3A_1070] : memref<2x224x128xf32, #tpu.memory_space<vmem>> -> memref<1x224x128xf32, #tpu.memory_space<vmem>>
          %get3A_1072 = tpu.memref_squeeze %get3A_1071 : memref<1x224x128xf32, #tpu.memory_space<vmem>> -> memref<224x128xf32, #tpu.memory_space<vmem>>
          %get3A_1073 = arith.index_cast %add3A_1068 : i32 to index
          %get3A_1074 = arith.constant 0 : index
          %get3A_1075 = tpu.vector_load %get3A_1072[%get3A_1073, %get3A_1074] {strides = array<i32>} : memref<224x128xf32, #tpu.memory_space<vmem>>, vector<1x16xf32>,
          %get3A_1076 = vector.shape_cast %get3A_1075 : vector<1x16xf32> to vector<16xf32>
          %add3A_1077 = arith.addf %add3A_1036, %get3A_1076 : vector<16xf32>
          %get3A_1078 = arith.constant 0 : i32
          %get3A_1079 = arith.constant 0 : i32
          %get3A_1080 = tpu.memref_slice %arg6[%scan3A_133, %get3A_1078, %get3A_1079] : memref<2x224x128xf32, #tpu.memory_space<vmem>> -> memref<1x224x128xf32, #tpu.memory_space<vmem>>
          %get3A_1081 = tpu.memref_squeeze %get3A_1080 : memref<1x224x128xf32, #tpu.memory_space<vmem>> -> memref<224x128xf32, #tpu.memory_space<vmem>>
          %get3A_1082 = arith.index_cast %add3A_1068 : i32 to index
          %get3A_1083 = arith.constant 16 : index
          %get3A_1084 = tpu.vector_load %get3A_1081[%get3A_1082, %get3A_1083] {strides = array<i32>} : memref<224x128xf32, #tpu.memory_space<vmem>>, vector<1x16xf32>,
          %get3A_1085 = vector.shape_cast %get3A_1084 : vector<1x16xf32> to vector<16xf32>
          %add3A_1086 = arith.addf %add3A_1045, %get3A_1085 : vector<16xf32>
          %get3A_1087 = arith.constant 0 : i32
          %get3A_1088 = arith.constant 0 : i32
          %get3A_1089 = tpu.memref_slice %arg6[%scan3A_133, %get3A_1087, %get3A_1088] : memref<2x224x128xf32, #tpu.memory_space<vmem>> -> memref<1x224x128xf32, #tpu.memory_space<vmem>>
          %get3A_1090 = tpu.memref_squeeze %get3A_1089 : memref<1x224x128xf32, #tpu.memory_space<vmem>> -> memref<224x128xf32, #tpu.memory_space<vmem>>
          %get3A_1091 = arith.index_cast %add3A_1068 : i32 to index
          %get3A_1092 = arith.constant 32 : index
          %get3A_1093 = tpu.vector_load %get3A_1090[%get3A_1091, %get3A_1092] {strides = array<i32>} : memref<224x128xf32, #tpu.memory_space<vmem>>, vector<1x16xf32>,
          %get3A_1094 = vector.shape_cast %get3A_1093 : vector<1x16xf32> to vector<16xf32>
          %add3A_1095 = arith.addf %add3A_1054, %get3A_1094 : vector<16xf32>
          %get3A_1096 = arith.constant 0 : i32
          %get3A_1097 = arith.constant 0 : i32
          %get3A_1098 = tpu.memref_slice %arg6[%scan3A_133, %get3A_1096, %get3A_1097] : memref<2x224x128xf32, #tpu.memory_space<vmem>> -> memref<1x224x128xf32, #tpu.memory_space<vmem>>
          %get3A_1099 = tpu.memref_squeeze %get3A_1098 : memref<1x224x128xf32, #tpu.memory_space<vmem>> -> memref<224x128xf32, #tpu.memory_space<vmem>>
          %get3A_1100 = arith.index_cast %add3A_1068 : i32 to index
          %get3A_1101 = arith.constant 48 : index
          %get3A_1102 = tpu.vector_load %get3A_1099[%get3A_1100, %get3A_1101] {strides = array<i32>} : memref<224x128xf32, #tpu.memory_space<vmem>>, vector<1x16xf32>,
          %get3A_1103 = vector.shape_cast %get3A_1102 : vector<1x16xf32> to vector<16xf32>
          %add3A_1104 = arith.addf %add3A_1063, %get3A_1103 : vector<16xf32>
          %mul3A_1105 = arith.constant 10 : i32
          %mul3A_1106 = arith.muli %scan3A_773, %mul3A_1105 : i32
          %add3A_1107 = arith.addi %mul3A_743, %mul3A_1106 : i32
          %add3A_1108 = arith.constant 8 : i32
          %add3A_1109 = arith.addi %add3A_1107, %add3A_1108 : i32
          %get3A_1110 = arith.constant 0 : i32
          %get3A_1111 = arith.constant 0 : i32
          %get3A_1112 = tpu.memref_slice %arg6[%scan3A_133, %get3A_1110, %get3A_1111] : memref<2x224x128xf32, #tpu.memory_space<vmem>> -> memref<1x224x128xf32, #tpu.memory_space<vmem>>
          %get3A_1113 = tpu.memref_squeeze %get3A_1112 : memref<1x224x128xf32, #tpu.memory_space<vmem>> -> memref<224x128xf32, #tpu.memory_space<vmem>>
          %get3A_1114 = arith.index_cast %add3A_1109 : i32 to index
          %get3A_1115 = arith.constant 0 : index
          %get3A_1116 = tpu.vector_load %get3A_1113[%get3A_1114, %get3A_1115] {strides = array<i32>} : memref<224x128xf32, #tpu.memory_space<vmem>>, vector<1x16xf32>,
          %get3A_1117 = vector.shape_cast %get3A_1116 : vector<1x16xf32> to vector<16xf32>
          %add3A_1118 = arith.addf %add3A_1077, %get3A_1117 : vector<16xf32>
          %get3A_1119 = arith.constant 0 : i32
          %get3A_1120 = arith.constant 0 : i32
          %get3A_1121 = tpu.memref_slice %arg6[%scan3A_133, %get3A_1119, %get3A_1120] : memref<2x224x128xf32, #tpu.memory_space<vmem>> -> memref<1x224x128xf32, #tpu.memory_space<vmem>>
          %get3A_1122 = tpu.memref_squeeze %get3A_1121 : memref<1x224x128xf32, #tpu.memory_space<vmem>> -> memref<224x128xf32, #tpu.memory_space<vmem>>
          %get3A_1123 = arith.index_cast %add3A_1109 : i32 to index
          %get3A_1124 = arith.constant 16 : index
          %get3A_1125 = tpu.vector_load %get3A_1122[%get3A_1123, %get3A_1124] {strides = array<i32>} : memref<224x128xf32, #tpu.memory_space<vmem>>, vector<1x16xf32>,
          %get3A_1126 = vector.shape_cast %get3A_1125 : vector<1x16xf32> to vector<16xf32>
          %add3A_1127 = arith.addf %add3A_1086, %get3A_1126 : vector<16xf32>
          %get3A_1128 = arith.constant 0 : i32
          %get3A_1129 = arith.constant 0 : i32
          %get3A_1130 = tpu.memref_slice %arg6[%scan3A_133, %get3A_1128, %get3A_1129] : memref<2x224x128xf32, #tpu.memory_space<vmem>> -> memref<1x224x128xf32, #tpu.memory_space<vmem>>
          %get3A_1131 = tpu.memref_squeeze %get3A_1130 : memref<1x224x128xf32, #tpu.memory_space<vmem>> -> memref<224x128xf32, #tpu.memory_space<vmem>>
          %get3A_1132 = arith.index_cast %add3A_1109 : i32 to index
          %get3A_1133 = arith.constant 32 : index
          %get3A_1134 = tpu.vector_load %get3A_1131[%get3A_1132, %get3A_1133] {strides = array<i32>} : memref<224x128xf32, #tpu.memory_space<vmem>>, vector<1x16xf32>,
          %get3A_1135 = vector.shape_cast %get3A_1134 : vector<1x16xf32> to vector<16xf32>
          %add3A_1136 = arith.addf %add3A_1095, %get3A_1135 : vector<16xf32>
          %get3A_1137 = arith.constant 0 : i32
          %get3A_1138 = arith.constant 0 : i32
          %get3A_1139 = tpu.memref_slice %arg6[%scan3A_133, %get3A_1137, %get3A_1138] : memref<2x224x128xf32, #tpu.memory_space<vmem>> -> memref<1x224x128xf32, #tpu.memory_space<vmem>>
          %get3A_1140 = tpu.memref_squeeze %get3A_1139 : memref<1x224x128xf32, #tpu.memory_space<vmem>> -> memref<224x128xf32, #tpu.memory_space<vmem>>
          %get3A_1141 = arith.index_cast %add3A_1109 : i32 to index
          %get3A_1142 = arith.constant 48 : index
          %get3A_1143 = tpu.vector_load %get3A_1140[%get3A_1141, %get3A_1142] {strides = array<i32>} : memref<224x128xf32, #tpu.memory_space<vmem>>, vector<1x16xf32>,
          %get3A_1144 = vector.shape_cast %get3A_1143 : vector<1x16xf32> to vector<16xf32>
          %add3A_1145 = arith.addf %add3A_1104, %get3A_1144 : vector<16xf32>
          %mul3A_1146 = arith.constant 10 : i32
          %mul3A_1147 = arith.muli %scan3A_773, %mul3A_1146 : i32
          %add3A_1148 = arith.addi %mul3A_743, %mul3A_1147 : i32
          %add3A_1149 = arith.constant 9 : i32
          %add3A_1150 = arith.addi %add3A_1148, %add3A_1149 : i32
          %get3A_1151 = arith.constant 0 : i32
          %get3A_1152 = arith.constant 0 : i32
          %get3A_1153 = tpu.memref_slice %arg6[%scan3A_133, %get3A_1151, %get3A_1152] : memref<2x224x128xf32, #tpu.memory_space<vmem>> -> memref<1x224x128xf32, #tpu.memory_space<vmem>>
          %get3A_1154 = tpu.memref_squeeze %get3A_1153 : memref<1x224x128xf32, #tpu.memory_space<vmem>> -> memref<224x128xf32, #tpu.memory_space<vmem>>
          %get3A_1155 = arith.index_cast %add3A_1150 : i32 to index
          %get3A_1156 = arith.constant 0 : index
          %get3A_1157 = tpu.vector_load %get3A_1154[%get3A_1155, %get3A_1156] {strides = array<i32>} : memref<224x128xf32, #tpu.memory_space<vmem>>, vector<1x16xf32>,
          %get3A_1158 = vector.shape_cast %get3A_1157 : vector<1x16xf32> to vector<16xf32>
          %add3A_1159 = arith.addf %add3A_1118, %get3A_1158 : vector<16xf32>
          %get3A_1160 = arith.constant 0 : i32
          %get3A_1161 = arith.constant 0 : i32
          %get3A_1162 = tpu.memref_slice %arg6[%scan3A_133, %get3A_1160, %get3A_1161] : memref<2x224x128xf32, #tpu.memory_space<vmem>> -> memref<1x224x128xf32, #tpu.memory_space<vmem>>
          %get3A_1163 = tpu.memref_squeeze %get3A_1162 : memref<1x224x128xf32, #tpu.memory_space<vmem>> -> memref<224x128xf32, #tpu.memory_space<vmem>>
          %get3A_1164 = arith.index_cast %add3A_1150 : i32 to index
          %get3A_1165 = arith.constant 16 : index
          %get3A_1166 = tpu.vector_load %get3A_1163[%get3A_1164, %get3A_1165] {strides = array<i32>} : memref<224x128xf32, #tpu.memory_space<vmem>>, vector<1x16xf32>,
          %get3A_1167 = vector.shape_cast %get3A_1166 : vector<1x16xf32> to vector<16xf32>
          %add3A_1168 = arith.addf %add3A_1127, %get3A_1167 : vector<16xf32>
          %get3A_1169 = arith.constant 0 : i32
          %get3A_1170 = arith.constant 0 : i32
          %get3A_1171 = tpu.memref_slice %arg6[%scan3A_133, %get3A_1169, %get3A_1170] : memref<2x224x128xf32, #tpu.memory_space<vmem>> -> memref<1x224x128xf32, #tpu.memory_space<vmem>>
          %get3A_1172 = tpu.memref_squeeze %get3A_1171 : memref<1x224x128xf32, #tpu.memory_space<vmem>> -> memref<224x128xf32, #tpu.memory_space<vmem>>
          %get3A_1173 = arith.index_cast %add3A_1150 : i32 to index
          %get3A_1174 = arith.constant 32 : index
          %get3A_1175 = tpu.vector_load %get3A_1172[%get3A_1173, %get3A_1174] {strides = array<i32>} : memref<224x128xf32, #tpu.memory_space<vmem>>, vector<1x16xf32>,
          %get3A_1176 = vector.shape_cast %get3A_1175 : vector<1x16xf32> to vector<16xf32>
          %add3A_1177 = arith.addf %add3A_1136, %get3A_1176 : vector<16xf32>
          %get3A_1178 = arith.constant 0 : i32
          %get3A_1179 = arith.constant 0 : i32
          %get3A_1180 = tpu.memref_slice %arg6[%scan3A_133, %get3A_1178, %get3A_1179] : memref<2x224x128xf32, #tpu.memory_space<vmem>> -> memref<1x224x128xf32, #tpu.memory_space<vmem>>
          %get3A_1181 = tpu.memref_squeeze %get3A_1180 : memref<1x224x128xf32, #tpu.memory_space<vmem>> -> memref<224x128xf32, #tpu.memory_space<vmem>>
          %get3A_1182 = arith.index_cast %add3A_1150 : i32 to index
          %get3A_1183 = arith.constant 48 : index
          %get3A_1184 = tpu.vector_load %get3A_1181[%get3A_1182, %get3A_1183] {strides = array<i32>} : memref<224x128xf32, #tpu.memory_space<vmem>>, vector<1x16xf32>,
          %get3A_1185 = vector.shape_cast %get3A_1184 : vector<1x16xf32> to vector<16xf32>
          %add3A_1186 = arith.addf %add3A_1145, %get3A_1185 : vector<16xf32>
          scf.yield %add3A_1159, %add3A_1168, %add3A_1177, %add3A_1186 : vector<16xf32>, vector<16xf32>, vector<16xf32>, vector<16xf32>
        }
        %scan3A_750 = arith.constant 5 : i32
        %mul3A_751 = arith.constant 4 : i32
        %mul3A_752 = arith.muli %add3A_437, %mul3A_751 : i32
        %add3A_753 = arith.addi %mul3A_752, %scan3A_741 : i32
        %swap3A = arith.index_cast %add3A_753 : i32 to index
        %swap3A_754 = arith.constant 0 : index
        %swap3A_755 = tpu.vector_load %arg7[%swap3A, %swap3A_754] {strides = array<i32>} : memref<512x64xf32, #tpu.memory_space<vmem>>, vector<1x16xf32>,
        %swap3A_756 = vector.shape_cast %swap3A_755 : vector<1x16xf32> to vector<16xf32>
        %swap3A_757 = vector.shape_cast %scan3A_749#0 : vector<16xf32> to vector<1x16xf32>
        tpu.vector_store %arg7[%swap3A, %swap3A_754], %swap3A_757 {strides = array<i32>} : memref<512x64xf32, #tpu.memory_space<vmem>>, vector<1x16xf32>,
        %swap3A_758 = arith.index_cast %add3A_753 : i32 to index
        %swap3A_759 = arith.constant 16 : index
        %swap3A_760 = tpu.vector_load %arg7[%swap3A_758, %swap3A_759] {strides = array<i32>} : memref<512x64xf32, #tpu.memory_space<vmem>>, vector<1x16xf32>,
        %swap3A_761 = vector.shape_cast %swap3A_760 : vector<1x16xf32> to vector<16xf32>
        %swap3A_762 = vector.shape_cast %scan3A_749#1 : vector<16xf32> to vector<1x16xf32>
        tpu.vector_store %arg7[%swap3A_758, %swap3A_759], %swap3A_762 {strides = array<i32>} : memref<512x64xf32, #tpu.memory_space<vmem>>, vector<1x16xf32>,
        %swap3A_763 = arith.index_cast %add3A_753 : i32 to index
        %swap3A_764 = arith.constant 32 : index
        %swap3A_765 = tpu.vector_load %arg7[%swap3A_763, %swap3A_764] {strides = array<i32>} : memref<512x64xf32, #tpu.memory_space<vmem>>, vector<1x16xf32>,
        %swap3A_766 = vector.shape_cast %swap3A_765 : vector<1x16xf32> to vector<16xf32>
        %swap3A_767 = vector.shape_cast %scan3A_749#2 : vector<16xf32> to vector<1x16xf32>
        tpu.vector_store %arg7[%swap3A_763, %swap3A_764], %swap3A_767 {strides = array<i32>} : memref<512x64xf32, #tpu.memory_space<vmem>>, vector<1x16xf32>,
        %swap3A_768 = arith.index_cast %add3A_753 : i32 to index
        %swap3A_769 = arith.constant 48 : index
        %swap3A_770 = tpu.vector_load %arg7[%swap3A_768, %swap3A_769] {strides = array<i32>} : memref<512x64xf32, #tpu.memory_space<vmem>>, vector<1x16xf32>,
        %swap3A_771 = vector.shape_cast %swap3A_770 : vector<1x16xf32> to vector<16xf32>
        %swap3A_772 = vector.shape_cast %scan3A_749#3 : vector<16xf32> to vector<1x16xf32>
        tpu.vector_store %arg7[%swap3A_768, %swap3A_769], %swap3A_772 {strides = array<i32>} : memref<512x64xf32, #tpu.memory_space<vmem>>, vector<1x16xf32>,
      }
      %scan3A_735 = arith.constant 4 : i32
      %lt3A_736 = arith.constant 126 : i32
      %lt3A_737 = arith.cmpi slt, %add3A_437, %lt3A_736 : i32
      %convert_element_type3A_738 = arith.extui %lt3A_737 : i1 to i32
      %cond3A_739 = arith.constant 0 : i32
      %cond3A_740 = arith.cmpi ne, %convert_element_type3A_738, %cond3A_739 : i32
      scf.if %cond3A_740 {
        %add3A_741 = arith.constant 2 : i32
        %add3A_742 = arith.addi %add3A_437, %add3A_741 : i32
        %jit3A_743 = arith.constant 16 : i32
        %eq3A_744 = arith.constant 0 : i32
        %eq3A_745 = arith.cmpi eq, %jit3A_743, %eq3A_744 : i32
        %jit3A_746 = arith.constant 1 : i32
        %select_n3A_747 = arith.select %eq3A_745, %jit3A_746, %jit3A_743 : i32
        %rem3A_748 = arith.remsi %add3A_742, %select_n3A_747 : i32
        %ne3A_749 = arith.constant 0 : i32
        %ne3A_750 = arith.cmpi ne, %rem3A_748, %ne3A_749 : i32
        %lt3A_751 = arith.constant 0 : i32
        %lt3A_752 = arith.cmpi slt, %rem3A_748, %lt3A_751 : i32
        %lt3A_753 = arith.constant 0 : i32
        %lt3A_754 = arith.cmpi slt, %select_n3A_747, %lt3A_753 : i32
        %ne3A_755 = arith.xori %lt3A_752, %lt3A_754 : i1
        %and3A_756 = arith.andi %ne3A_755, %ne3A_750 : i1
        %add3A_757 = arith.addi %rem3A_748, %select_n3A_747 : i32
        %select_n3A_758 = arith.select %and3A_756, %add3A_757, %rem3A_748 : i32
        %eq3A_759 = arith.constant 0 : i32
        %eq3A_760 = arith.cmpi eq, %select_n3A_758, %eq3A_759 : i32
        %convert_element_type3A_761 = arith.extui %eq3A_760 : i1 to i32
        %cond3A_762 = arith.constant 0 : i32
        %cond3A_763 = arith.cmpi ne, %convert_element_type3A_761, %cond3A_762 : i32
        scf.if %cond3A_763 {
          %jit3A_1056 = arith.constant 16 : i32
          %div3A_1057 = arith.divsi %add3A_742, %jit3A_1056 : i32
          %sign3A_1058 = arith.constant 0 : i32
          %sign3A_1059 = arith.cmpi sgt, %add3A_742, %sign3A_1058 : i32
          %sign3A_1060 = arith.extui %sign3A_1059 : i1 to i32
          %sign3A_1061 = arith.constant 0 : i32
          %sign3A_1062 = arith.cmpi slt, %add3A_742, %sign3A_1061 : i32
          %sign3A_1063 = arith.extui %sign3A_1062 : i1 to i32
          %sign3A_1064 = arith.subi %sign3A_1060, %sign3A_1063 : i32
          %sign3A_1065 = arith.constant 0 : i32
          %sign3A_1066 = arith.cmpi sgt, %jit3A_1056, %sign3A_1065 : i32
          %sign3A_1067 = arith.extui %sign3A_1066 : i1 to i32
          %sign3A_1068 = arith.constant 0 : i32
          %sign3A_1069 = arith.cmpi slt, %jit3A_1056, %sign3A_1068 : i32
          %sign3A_1070 = arith.extui %sign3A_1069 : i1 to i32
          %sign3A_1071 = arith.subi %sign3A_1067, %sign3A_1070 : i32
          %ne3A_1072 = arith.cmpi ne, %sign3A_1064, %sign3A_1071 : i32
          %rem3A_1073 = arith.remsi %add3A_742, %jit3A_1056 : i32
          %ne3A_1074 = arith.constant 0 : i32
          %ne3A_1075 = arith.cmpi ne, %rem3A_1073, %ne3A_1074 : i32
          %and3A_1076 = arith.andi %ne3A_1072, %ne3A_1075 : i1
          %sub3A_1077 = arith.constant 1 : i32
          %sub3A_1078 = arith.subi %div3A_1057, %sub3A_1077 : i32
          %select_n3A_1079 = arith.select %and3A_1076, %sub3A_1078, %div3A_1057 : i32
          %mul3A_1080 = arith.constant 64 : i32
          %mul3A_1081 = arith.muli %select_n3A_1079, %mul3A_1080 : i32
          %add3A_1082 = arith.addi %mul3A_2, %mul3A_1081 : i32
          %jit3A_1083 = arith.constant 2 : i32
          %eq3A_1084 = arith.constant 0 : i32
          %eq3A_1085 = arith.cmpi eq, %jit3A_1083, %eq3A_1084 : i32
          %jit3A_1086 = arith.constant 1 : i32
          %select_n3A_1087 = arith.select %eq3A_1085, %jit3A_1086, %jit3A_1083 : i32
          %rem3A_1088 = arith.remsi %select_n3A_1079, %select_n3A_1087 : i32
          %ne3A_1089 = arith.constant 0 : i32
          %ne3A_1090 = arith.cmpi ne, %rem3A_1088, %ne3A_1089 : i32
          %lt3A_1091 = arith.constant 0 : i32
          %lt3A_1092 = arith.cmpi slt, %rem3A_1088, %lt3A_1091 : i32
          %lt3A_1093 = arith.constant 0 : i32
          %lt3A_1094 = arith.cmpi slt, %select_n3A_1087, %lt3A_1093 : i32
          %ne3A_1095 = arith.xori %lt3A_1092, %lt3A_1094 : i1
          %and3A_1096 = arith.andi %ne3A_1095, %ne3A_1090 : i1
          %add3A_1097 = arith.addi %rem3A_1088, %select_n3A_1087 : i32
          %select_n3A_1098 = arith.select %and3A_1096, %add3A_1097, %rem3A_1088 : i32
          "tpu.region"() ({
            %run_scoped3A_1099 = tpu.sem_alloc : memref<!tpu.dma_semaphore, #tpu.memory_space<semaphore_mem>>
            %dma_start3A_1100 = arith.constant 0 : i32
            %dma_start3A_1101 = arith.constant 0 : i32
            %dma_start3A_1102 = tpu.memref_slice %arg5[%select_n3A_1098, %dma_start3A_1100, %dma_start3A_1101] : memref<2x64x56xi32, #tpu.memory_space<vmem>> -> memref<1x64x56xi32, #tpu.memory_space<vmem>>
            %dma_start3A_1103 = tpu.memref_squeeze %dma_start3A_1102 : memref<1x64x56xi32, #tpu.memory_space<vmem>> -> memref<64x56xi32, #tpu.memory_space<vmem>>
            %dma_start3A_1104 = arith.constant 0 : i32
            %dma_start3A_1105 = tpu.memref_slice %arg2[%add3A_1082, %dma_start3A_1104] : memref<16384x128xi32, #tpu.memory_space<hbm>> -> memref<64x56xi32, #tpu.memory_space<hbm>>
            %dma_start3A_1106 = arith.constant 0 : i32
            %dma_start3A_1107 = arith.constant 0 : i32
            %dma_start3A_1108 = tpu.memref_slice %arg5[%select_n3A_1098, %dma_start3A_1106, %dma_start3A_1107] : memref<2x64x56xi32, #tpu.memory_space<vmem>> -> memref<1x64x56xi32, #tpu.memory_space<vmem>>
            %dma_start3A_1109 = tpu.memref_squeeze %dma_start3A_1108 : memref<1x64x56xi32, #tpu.memory_space<vmem>> -> memref<64x56xi32, #tpu.memory_space<vmem>>
            %dma_start3A_1110 = arith.constant 0 : i32
            %dma_start3A_1111 = tpu.memref_slice %arg2[%add3A_1082, %dma_start3A_1110] : memref<16384x128xi32, #tpu.memory_space<hbm>> -> memref<64x56xi32, #tpu.memory_space<hbm>>
            tpu.enqueue_dma source(%dma_start3A_1111 : memref<64x56xi32, #tpu.memory_space<hbm>>) target(%dma_start3A_1109 : memref<64x56xi32, #tpu.memory_space<vmem>>) target_semaphore(%run_scoped3A_1099 : memref<!tpu.dma_semaphore, #tpu.memory_space<semaphore_mem>>)
            %dma_wait3A_1112 = arith.constant 0 : i32
            %dma_wait3A_1113 = arith.constant 0 : i32
            %dma_wait3A_1114 = tpu.memref_slice %arg5[%select_n3A_1098, %dma_wait3A_1112, %dma_wait3A_1113] : memref<2x64x56xi32, #tpu.memory_space<vmem>> -> memref<1x64x56xi32, #tpu.memory_space<vmem>>
            %dma_wait3A_1115 = tpu.memref_squeeze %dma_wait3A_1114 : memref<1x64x56xi32, #tpu.memory_space<vmem>> -> memref<64x56xi32, #tpu.memory_space<vmem>>
            %dma_wait3A_1116 = arith.constant 0 : i32
            %dma_wait3A_1117 = tpu.memref_slice %arg2[%add3A_1082, %dma_wait3A_1116] : memref<16384x128xi32, #tpu.memory_space<hbm>> -> memref<64x56xi32, #tpu.memory_space<hbm>>
            %dma_wait3A_1118 = arith.constant 0 : i32
            %dma_wait3A_1119 = arith.constant 0 : i32
            %dma_wait3A_1120 = tpu.memref_slice %arg5[%select_n3A_1098, %dma_wait3A_1118, %dma_wait3A_1119] : memref<2x64x56xi32, #tpu.memory_space<vmem>> -> memref<1x64x56xi32, #tpu.memory_space<vmem>>
            %dma_wait3A_1121 = tpu.memref_squeeze %dma_wait3A_1120 : memref<1x64x56xi32, #tpu.memory_space<vmem>> -> memref<64x56xi32, #tpu.memory_space<vmem>>
            %dma_wait3A_1122 = arith.constant 0 : i32
            %dma_wait3A_1123 = tpu.memref_slice %arg2[%add3A_1082, %dma_wait3A_1122] : memref<16384x128xi32, #tpu.memory_space<hbm>> -> memref<64x56xi32, #tpu.memory_space<hbm>>
            tpu.wait_dma2 semaphore(%run_scoped3A_1099 : memref<!tpu.dma_semaphore, #tpu.memory_space<semaphore_mem>>) src(%dma_wait3A_1123 : memref<64x56xi32, #tpu.memory_space<hbm>>) dst(%dma_wait3A_1121 : memref<64x56xi32, #tpu.memory_space<vmem>>)
            tpu.yield
          }) : () -> ()
        } else {
        }
        %jit3A_764 = arith.constant 16 : i32
        %div3A_765 = arith.divsi %add3A_742, %jit3A_764 : i32
        %sign3A_766 = arith.constant 0 : i32
        %sign3A_767 = arith.cmpi sgt, %add3A_742, %sign3A_766 : i32
        %sign3A_768 = arith.extui %sign3A_767 : i1 to i32
        %sign3A_769 = arith.constant 0 : i32
        %sign3A_770 = arith.cmpi slt, %add3A_742, %sign3A_769 : i32
        %sign3A_771 = arith.extui %sign3A_770 : i1 to i32
        %sign3A_772 = arith.subi %sign3A_768, %sign3A_771 : i32
        %sign3A_773 = arith.constant 0 : i32
        %sign3A_774 = arith.cmpi sgt, %jit3A_764, %sign3A_773 : i32
        %sign3A_775 = arith.extui %sign3A_774 : i1 to i32
        %sign3A_776 = arith.constant 0 : i32
        %sign3A_777 = arith.cmpi slt, %jit3A_764, %sign3A_776 : i32
        %sign3A_778 = arith.extui %sign3A_777 : i1 to i32
        %sign3A_779 = arith.subi %sign3A_775, %sign3A_778 : i32
        %ne3A_780 = arith.cmpi ne, %sign3A_772, %sign3A_779 : i32
        %rem3A_781 = arith.remsi %add3A_742, %jit3A_764 : i32
        %ne3A_782 = arith.constant 0 : i32
        %ne3A_783 = arith.cmpi ne, %rem3A_781, %ne3A_782 : i32
        %and3A_784 = arith.andi %ne3A_780, %ne3A_783 : i1
        %sub3A_785 = arith.constant 1 : i32
        %sub3A_786 = arith.subi %div3A_765, %sub3A_785 : i32
        %select_n3A_787 = arith.select %and3A_784, %sub3A_786, %div3A_765 : i32
        %jit3A_788 = arith.constant 16 : i32
        %eq3A_789 = arith.constant 0 : i32
        %eq3A_790 = arith.cmpi eq, %jit3A_788, %eq3A_789 : i32
        %jit3A_791 = arith.constant 1 : i32
        %select_n3A_792 = arith.select %eq3A_790, %jit3A_791, %jit3A_788 : i32
        %rem3A_793 = arith.remsi %add3A_742, %select_n3A_792 : i32
        %ne3A_794 = arith.constant 0 : i32
        %ne3A_795 = arith.cmpi ne, %rem3A_793, %ne3A_794 : i32
        %lt3A_796 = arith.constant 0 : i32
        %lt3A_797 = arith.cmpi slt, %rem3A_793, %lt3A_796 : i32
        %lt3A_798 = arith.constant 0 : i32
        %lt3A_799 = arith.cmpi slt, %select_n3A_792, %lt3A_798 : i32
        %ne3A_800 = arith.xori %lt3A_797, %lt3A_799 : i1
        %and3A_801 = arith.andi %ne3A_800, %ne3A_795 : i1
        %add3A_802 = arith.addi %rem3A_793, %select_n3A_792 : i32
        %select_n3A_803 = arith.select %and3A_801, %add3A_802, %rem3A_793 : i32
        %mul3A_804 = arith.constant 4 : i32
        %mul3A_805 = arith.muli %select_n3A_803, %mul3A_804 : i32
        %add3A_806 = arith.constant 0 : i32
        %add3A_807 = arith.addi %mul3A_805, %add3A_806 : i32
        %jit3A_808 = arith.constant 2 : i32
        %eq3A_809 = arith.constant 0 : i32
        %eq3A_810 = arith.cmpi eq, %jit3A_808, %eq3A_809 : i32
        %jit3A_811 = arith.constant 1 : i32
        %select_n3A_812 = arith.select %eq3A_810, %jit3A_811, %jit3A_808 : i32
        %rem3A_813 = arith.remsi %select_n3A_787, %select_n3A_812 : i32
        %ne3A_814 = arith.constant 0 : i32
        %ne3A_815 = arith.cmpi ne, %rem3A_813, %ne3A_814 : i32
        %lt3A_816 = arith.constant 0 : i32
        %lt3A_817 = arith.cmpi slt, %rem3A_813, %lt3A_816 : i32
        %lt3A_818 = arith.constant 0 : i32
        %lt3A_819 = arith.cmpi slt, %select_n3A_812, %lt3A_818 : i32
        %ne3A_820 = arith.xori %lt3A_817, %lt3A_819 : i1
        %and3A_821 = arith.andi %ne3A_820, %ne3A_815 : i1
        %add3A_822 = arith.addi %rem3A_813, %select_n3A_812 : i32
        %select_n3A_823 = arith.select %and3A_821, %add3A_822, %rem3A_813 : i32
        %dma_start3A_824 = arith.constant 0 : i32
        %dma_start3A_825 = arith.constant 0 : i32
        %dma_start3A_826 = tpu.memref_slice %arg6[%scan3A_133, %dma_start3A_824, %dma_start3A_825] : memref<2x224x128xf32, #tpu.memory_space<vmem>> -> memref<1x224x128xf32, #tpu.memory_space<vmem>>
        %dma_start3A_827 = tpu.memref_squeeze %dma_start3A_826 : memref<1x224x128xf32, #tpu.memory_space<vmem>> -> memref<224x128xf32, #tpu.memory_space<vmem>>
        %dma_start3A_828 = arith.constant 0 : i32
        %dma_start3A_829 = arith.constant 0 : i32
        %dma_start3A_830 = tpu.memref_slice %dma_start3A_827[%dma_start3A_828, %dma_start3A_829] : memref<224x128xf32, #tpu.memory_space<vmem>> -> memref<56x128xf32, #tpu.memory_space<vmem>>
        %dma_start3A_831 = arith.constant 0 : i32
        %dma_start3A_832 = tpu.memref_slice %arg5[%select_n3A_823, %add3A_807, %dma_start3A_831] : memref<2x64x56xi32, #tpu.memory_space<vmem>> -> memref<1x1x56xi32, #tpu.memory_space<vmem>>
        %dma_start3A_833 = tpu.memref_squeeze %dma_start3A_832 : memref<1x1x56xi32, #tpu.memory_space<vmem>> -> memref<56xi32, #tpu.memory_space<vmem>>
        %dma_start3A_834 = arith.constant 0 : i32
        %dma_start3A_835 = arith.constant 0 : i32
        %dma_start3A_836 = tpu.memref_slice %arg3[%dma_start3A_834, %dma_start3A_835] : memref<1000000x128xf32, #tpu.memory_space<hbm>> -> memref<1000000x128xf32, #tpu.memory_space<hbm>>
        tpu.enqueue_indirect_dma source(%dma_start3A_836 : memref<1000000x128xf32, #tpu.memory_space<hbm>>) target(%dma_start3A_830 : memref<56x128xf32, #tpu.memory_space<vmem>>) offsets(%dma_start3A_833 : memref<56xi32, #tpu.memory_space<vmem>>) semaphore(%arg9 : memref<!tpu.dma_semaphore, #tpu.memory_space<semaphore_mem>>)
        %jit3A_837 = arith.constant 16 : i32
        %div3A_838 = arith.divsi %add3A_742, %jit3A_837 : i32
        %sign3A_839 = arith.constant 0 : i32
        %sign3A_840 = arith.cmpi sgt, %add3A_742, %sign3A_839 : i32
        %sign3A_841 = arith.extui %sign3A_840 : i1 to i32
        %sign3A_842 = arith.constant 0 : i32
        %sign3A_843 = arith.cmpi slt, %add3A_742, %sign3A_842 : i32
        %sign3A_844 = arith.extui %sign3A_843 : i1 to i32
        %sign3A_845 = arith.subi %sign3A_841, %sign3A_844 : i32
        %sign3A_846 = arith.constant 0 : i32
        %sign3A_847 = arith.cmpi sgt, %jit3A_837, %sign3A_846 : i32
        %sign3A_848 = arith.extui %sign3A_847 : i1 to i32
        %sign3A_849 = arith.constant 0 : i32
        %sign3A_850 = arith.cmpi slt, %jit3A_837, %sign3A_849 : i32
        %sign3A_851 = arith.extui %sign3A_850 : i1 to i32
        %sign3A_852 = arith.subi %sign3A_848, %sign3A_851 : i32
        %ne3A_853 = arith.cmpi ne, %sign3A_845, %sign3A_852 : i32
        %rem3A_854 = arith.remsi %add3A_742, %jit3A_837 : i32
        %ne3A_855 = arith.constant 0 : i32
        %ne3A_856 = arith.cmpi ne, %rem3A_854, %ne3A_855 : i32
        %and3A_857 = arith.andi %ne3A_853, %ne3A_856 : i1
        %sub3A_858 = arith.constant 1 : i32
        %sub3A_859 = arith.subi %div3A_838, %sub3A_858 : i32
        %select_n3A_860 = arith.select %and3A_857, %sub3A_859, %div3A_838 : i32
        %jit3A_861 = arith.constant 16 : i32
        %eq3A_862 = arith.constant 0 : i32
        %eq3A_863 = arith.cmpi eq, %jit3A_861, %eq3A_862 : i32
        %jit3A_864 = arith.constant 1 : i32
        %select_n3A_865 = arith.select %eq3A_863, %jit3A_864, %jit3A_861 : i32
        %rem3A_866 = arith.remsi %add3A_742, %select_n3A_865 : i32
        %ne3A_867 = arith.constant 0 : i32
        %ne3A_868 = arith.cmpi ne, %rem3A_866, %ne3A_867 : i32
        %lt3A_869 = arith.constant 0 : i32
        %lt3A_870 = arith.cmpi slt, %rem3A_866, %lt3A_869 : i32
        %lt3A_871 = arith.constant 0 : i32
        %lt3A_872 = arith.cmpi slt, %select_n3A_865, %lt3A_871 : i32
        %ne3A_873 = arith.xori %lt3A_870, %lt3A_872 : i1
        %and3A_874 = arith.andi %ne3A_873, %ne3A_868 : i1
        %add3A_875 = arith.addi %rem3A_866, %select_n3A_865 : i32
        %select_n3A_876 = arith.select %and3A_874, %add3A_875, %rem3A_866 : i32
        %mul3A_877 = arith.constant 4 : i32
        %mul3A_878 = arith.muli %select_n3A_876, %mul3A_877 : i32
        %add3A_879 = arith.constant 1 : i32
        %add3A_880 = arith.addi %mul3A_878, %add3A_879 : i32
        %jit3A_881 = arith.constant 2 : i32
        %eq3A_882 = arith.constant 0 : i32
        %eq3A_883 = arith.cmpi eq, %jit3A_881, %eq3A_882 : i32
        %jit3A_884 = arith.constant 1 : i32
        %select_n3A_885 = arith.select %eq3A_883, %jit3A_884, %jit3A_881 : i32
        %rem3A_886 = arith.remsi %select_n3A_860, %select_n3A_885 : i32
        %ne3A_887 = arith.constant 0 : i32
        %ne3A_888 = arith.cmpi ne, %rem3A_886, %ne3A_887 : i32
        %lt3A_889 = arith.constant 0 : i32
        %lt3A_890 = arith.cmpi slt, %rem3A_886, %lt3A_889 : i32
        %lt3A_891 = arith.constant 0 : i32
        %lt3A_892 = arith.cmpi slt, %select_n3A_885, %lt3A_891 : i32
        %ne3A_893 = arith.xori %lt3A_890, %lt3A_892 : i1
        %and3A_894 = arith.andi %ne3A_893, %ne3A_888 : i1
        %add3A_895 = arith.addi %rem3A_886, %select_n3A_885 : i32
        %select_n3A_896 = arith.select %and3A_894, %add3A_895, %rem3A_886 : i32
        %dma_start3A_897 = arith.constant 0 : i32
        %dma_start3A_898 = arith.constant 0 : i32
        %dma_start3A_899 = tpu.memref_slice %arg6[%scan3A_133, %dma_start3A_897, %dma_start3A_898] : memref<2x224x128xf32, #tpu.memory_space<vmem>> -> memref<1x224x128xf32, #tpu.memory_space<vmem>>
        %dma_start3A_900 = tpu.memref_squeeze %dma_start3A_899 : memref<1x224x128xf32, #tpu.memory_space<vmem>> -> memref<224x128xf32, #tpu.memory_space<vmem>>
        %dma_start3A_901 = arith.constant 56 : i32
        %dma_start3A_902 = arith.constant 0 : i32
        %dma_start3A_903 = tpu.memref_slice %dma_start3A_900[%dma_start3A_901, %dma_start3A_902] : memref<224x128xf32, #tpu.memory_space<vmem>> -> memref<56x128xf32, #tpu.memory_space<vmem>>
        %dma_start3A_904 = arith.constant 0 : i32
        %dma_start3A_905 = tpu.memref_slice %arg5[%select_n3A_896, %add3A_880, %dma_start3A_904] : memref<2x64x56xi32, #tpu.memory_space<vmem>> -> memref<1x1x56xi32, #tpu.memory_space<vmem>>
        %dma_start3A_906 = tpu.memref_squeeze %dma_start3A_905 : memref<1x1x56xi32, #tpu.memory_space<vmem>> -> memref<56xi32, #tpu.memory_space<vmem>>
        %dma_start3A_907 = arith.constant 0 : i32
        %dma_start3A_908 = arith.constant 0 : i32
        %dma_start3A_909 = tpu.memref_slice %arg3[%dma_start3A_907, %dma_start3A_908] : memref<1000000x128xf32, #tpu.memory_space<hbm>> -> memref<1000000x128xf32, #tpu.memory_space<hbm>>
        tpu.enqueue_indirect_dma source(%dma_start3A_909 : memref<1000000x128xf32, #tpu.memory_space<hbm>>) target(%dma_start3A_903 : memref<56x128xf32, #tpu.memory_space<vmem>>) offsets(%dma_start3A_906 : memref<56xi32, #tpu.memory_space<vmem>>) semaphore(%arg9 : memref<!tpu.dma_semaphore, #tpu.memory_space<semaphore_mem>>)
        %jit3A_910 = arith.constant 16 : i32
        %div3A_911 = arith.divsi %add3A_742, %jit3A_910 : i32
        %sign3A_912 = arith.constant 0 : i32
        %sign3A_913 = arith.cmpi sgt, %add3A_742, %sign3A_912 : i32
        %sign3A_914 = arith.extui %sign3A_913 : i1 to i32
        %sign3A_915 = arith.constant 0 : i32
        %sign3A_916 = arith.cmpi slt, %add3A_742, %sign3A_915 : i32
        %sign3A_917 = arith.extui %sign3A_916 : i1 to i32
        %sign3A_918 = arith.subi %sign3A_914, %sign3A_917 : i32
        %sign3A_919 = arith.constant 0 : i32
        %sign3A_920 = arith.cmpi sgt, %jit3A_910, %sign3A_919 : i32
        %sign3A_921 = arith.extui %sign3A_920 : i1 to i32
        %sign3A_922 = arith.constant 0 : i32
        %sign3A_923 = arith.cmpi slt, %jit3A_910, %sign3A_922 : i32
        %sign3A_924 = arith.extui %sign3A_923 : i1 to i32
        %sign3A_925 = arith.subi %sign3A_921, %sign3A_924 : i32
        %ne3A_926 = arith.cmpi ne, %sign3A_918, %sign3A_925 : i32
        %rem3A_927 = arith.remsi %add3A_742, %jit3A_910 : i32
        %ne3A_928 = arith.constant 0 : i32
        %ne3A_929 = arith.cmpi ne, %rem3A_927, %ne3A_928 : i32
        %and3A_930 = arith.andi %ne3A_926, %ne3A_929 : i1
        %sub3A_931 = arith.constant 1 : i32
        %sub3A_932 = arith.subi %div3A_911, %sub3A_931 : i32
        %select_n3A_933 = arith.select %and3A_930, %sub3A_932, %div3A_911 : i32
        %jit3A_934 = arith.constant 16 : i32
        %eq3A_935 = arith.constant 0 : i32
        %eq3A_936 = arith.cmpi eq, %jit3A_934, %eq3A_935 : i32
        %jit3A_937 = arith.constant 1 : i32
        %select_n3A_938 = arith.select %eq3A_936, %jit3A_937, %jit3A_934 : i32
        %rem3A_939 = arith.remsi %add3A_742, %select_n3A_938 : i32
        %ne3A_940 = arith.constant 0 : i32
        %ne3A_941 = arith.cmpi ne, %rem3A_939, %ne3A_940 : i32
        %lt3A_942 = arith.constant 0 : i32
        %lt3A_943 = arith.cmpi slt, %rem3A_939, %lt3A_942 : i32
        %lt3A_944 = arith.constant 0 : i32
        %lt3A_945 = arith.cmpi slt, %select_n3A_938, %lt3A_944 : i32
        %ne3A_946 = arith.xori %lt3A_943, %lt3A_945 : i1
        %and3A_947 = arith.andi %ne3A_946, %ne3A_941 : i1
        %add3A_948 = arith.addi %rem3A_939, %select_n3A_938 : i32
        %select_n3A_949 = arith.select %and3A_947, %add3A_948, %rem3A_939 : i32
        %mul3A_950 = arith.constant 4 : i32
        %mul3A_951 = arith.muli %select_n3A_949, %mul3A_950 : i32
        %add3A_952 = arith.constant 2 : i32
        %add3A_953 = arith.addi %mul3A_951, %add3A_952 : i32
        %jit3A_954 = arith.constant 2 : i32
        %eq3A_955 = arith.constant 0 : i32
        %eq3A_956 = arith.cmpi eq, %jit3A_954, %eq3A_955 : i32
        %jit3A_957 = arith.constant 1 : i32
        %select_n3A_958 = arith.select %eq3A_956, %jit3A_957, %jit3A_954 : i32
        %rem3A_959 = arith.remsi %select_n3A_933, %select_n3A_958 : i32
        %ne3A_960 = arith.constant 0 : i32
        %ne3A_961 = arith.cmpi ne, %rem3A_959, %ne3A_960 : i32
        %lt3A_962 = arith.constant 0 : i32
        %lt3A_963 = arith.cmpi slt, %rem3A_959, %lt3A_962 : i32
        %lt3A_964 = arith.constant 0 : i32
        %lt3A_965 = arith.cmpi slt, %select_n3A_958, %lt3A_964 : i32
        %ne3A_966 = arith.xori %lt3A_963, %lt3A_965 : i1
        %and3A_967 = arith.andi %ne3A_966, %ne3A_961 : i1
        %add3A_968 = arith.addi %rem3A_959, %select_n3A_958 : i32
        %select_n3A_969 = arith.select %and3A_967, %add3A_968, %rem3A_959 : i32
        %dma_start3A_970 = arith.constant 0 : i32
        %dma_start3A_971 = arith.constant 0 : i32
        %dma_start3A_972 = tpu.memref_slice %arg6[%scan3A_133, %dma_start3A_970, %dma_start3A_971] : memref<2x224x128xf32, #tpu.memory_space<vmem>> -> memref<1x224x128xf32, #tpu.memory_space<vmem>>
        %dma_start3A_973 = tpu.memref_squeeze %dma_start3A_972 : memref<1x224x128xf32, #tpu.memory_space<vmem>> -> memref<224x128xf32, #tpu.memory_space<vmem>>
        %dma_start3A_974 = arith.constant 112 : i32
        %dma_start3A_975 = arith.constant 0 : i32
        %dma_start3A_976 = tpu.memref_slice %dma_start3A_973[%dma_start3A_974, %dma_start3A_975] : memref<224x128xf32, #tpu.memory_space<vmem>> -> memref<56x128xf32, #tpu.memory_space<vmem>>
        %dma_start3A_977 = arith.constant 0 : i32
        %dma_start3A_978 = tpu.memref_slice %arg5[%select_n3A_969, %add3A_953, %dma_start3A_977] : memref<2x64x56xi32, #tpu.memory_space<vmem>> -> memref<1x1x56xi32, #tpu.memory_space<vmem>>
        %dma_start3A_979 = tpu.memref_squeeze %dma_start3A_978 : memref<1x1x56xi32, #tpu.memory_space<vmem>> -> memref<56xi32, #tpu.memory_space<vmem>>
        %dma_start3A_980 = arith.constant 0 : i32
        %dma_start3A_981 = arith.constant 0 : i32
        %dma_start3A_982 = tpu.memref_slice %arg3[%dma_start3A_980, %dma_start3A_981] : memref<1000000x128xf32, #tpu.memory_space<hbm>> -> memref<1000000x128xf32, #tpu.memory_space<hbm>>
        tpu.enqueue_indirect_dma source(%dma_start3A_982 : memref<1000000x128xf32, #tpu.memory_space<hbm>>) target(%dma_start3A_976 : memref<56x128xf32, #tpu.memory_space<vmem>>) offsets(%dma_start3A_979 : memref<56xi32, #tpu.memory_space<vmem>>) semaphore(%arg9 : memref<!tpu.dma_semaphore, #tpu.memory_space<semaphore_mem>>)
        %jit3A_983 = arith.constant 16 : i32
        %div3A_984 = arith.divsi %add3A_742, %jit3A_983 : i32
        %sign3A_985 = arith.constant 0 : i32
        %sign3A_986 = arith.cmpi sgt, %add3A_742, %sign3A_985 : i32
        %sign3A_987 = arith.extui %sign3A_986 : i1 to i32
        %sign3A_988 = arith.constant 0 : i32
        %sign3A_989 = arith.cmpi slt, %add3A_742, %sign3A_988 : i32
        %sign3A_990 = arith.extui %sign3A_989 : i1 to i32
        %sign3A_991 = arith.subi %sign3A_987, %sign3A_990 : i32
        %sign3A_992 = arith.constant 0 : i32
        %sign3A_993 = arith.cmpi sgt, %jit3A_983, %sign3A_992 : i32
        %sign3A_994 = arith.extui %sign3A_993 : i1 to i32
        %sign3A_995 = arith.constant 0 : i32
        %sign3A_996 = arith.cmpi slt, %jit3A_983, %sign3A_995 : i32
        %sign3A_997 = arith.extui %sign3A_996 : i1 to i32
        %sign3A_998 = arith.subi %sign3A_994, %sign3A_997 : i32
        %ne3A_999 = arith.cmpi ne, %sign3A_991, %sign3A_998 : i32
        %rem3A_1000 = arith.remsi %add3A_742, %jit3A_983 : i32
        %ne3A_1001 = arith.constant 0 : i32
        %ne3A_1002 = arith.cmpi ne, %rem3A_1000, %ne3A_1001 : i32
        %and3A_1003 = arith.andi %ne3A_999, %ne3A_1002 : i1
        %sub3A_1004 = arith.constant 1 : i32
        %sub3A_1005 = arith.subi %div3A_984, %sub3A_1004 : i32
        %select_n3A_1006 = arith.select %and3A_1003, %sub3A_1005, %div3A_984 : i32
        %jit3A_1007 = arith.constant 16 : i32
        %eq3A_1008 = arith.constant 0 : i32
        %eq3A_1009 = arith.cmpi eq, %jit3A_1007, %eq3A_1008 : i32
        %jit3A_1010 = arith.constant 1 : i32
        %select_n3A_1011 = arith.select %eq3A_1009, %jit3A_1010, %jit3A_1007 : i32
        %rem3A_1012 = arith.remsi %add3A_742, %select_n3A_1011 : i32
        %ne3A_1013 = arith.constant 0 : i32
        %ne3A_1014 = arith.cmpi ne, %rem3A_1012, %ne3A_1013 : i32
        %lt3A_1015 = arith.constant 0 : i32
        %lt3A_1016 = arith.cmpi slt, %rem3A_1012, %lt3A_1015 : i32
        %lt3A_1017 = arith.constant 0 : i32
        %lt3A_1018 = arith.cmpi slt, %select_n3A_1011, %lt3A_1017 : i32
        %ne3A_1019 = arith.xori %lt3A_1016, %lt3A_1018 : i1
        %and3A_1020 = arith.andi %ne3A_1019, %ne3A_1014 : i1
        %add3A_1021 = arith.addi %rem3A_1012, %select_n3A_1011 : i32
        %select_n3A_1022 = arith.select %and3A_1020, %add3A_1021, %rem3A_1012 : i32
        %mul3A_1023 = arith.constant 4 : i32
        %mul3A_1024 = arith.muli %select_n3A_1022, %mul3A_1023 : i32
        %add3A_1025 = arith.constant 3 : i32
        %add3A_1026 = arith.addi %mul3A_1024, %add3A_1025 : i32
        %jit3A_1027 = arith.constant 2 : i32
        %eq3A_1028 = arith.constant 0 : i32
        %eq3A_1029 = arith.cmpi eq, %jit3A_1027, %eq3A_1028 : i32
        %jit3A_1030 = arith.constant 1 : i32
        %select_n3A_1031 = arith.select %eq3A_1029, %jit3A_1030, %jit3A_1027 : i32
        %rem3A_1032 = arith.remsi %select_n3A_1006, %select_n3A_1031 : i32
        %ne3A_1033 = arith.constant 0 : i32
        %ne3A_1034 = arith.cmpi ne, %rem3A_1032, %ne3A_1033 : i32
        %lt3A_1035 = arith.constant 0 : i32
        %lt3A_1036 = arith.cmpi slt, %rem3A_1032, %lt3A_1035 : i32
        %lt3A_1037 = arith.constant 0 : i32
        %lt3A_1038 = arith.cmpi slt, %select_n3A_1031, %lt3A_1037 : i32
        %ne3A_1039 = arith.xori %lt3A_1036, %lt3A_1038 : i1
        %and3A_1040 = arith.andi %ne3A_1039, %ne3A_1034 : i1
        %add3A_1041 = arith.addi %rem3A_1032, %select_n3A_1031 : i32
        %select_n3A_1042 = arith.select %and3A_1040, %add3A_1041, %rem3A_1032 : i32
        %dma_start3A_1043 = arith.constant 0 : i32
        %dma_start3A_1044 = arith.constant 0 : i32
        %dma_start3A_1045 = tpu.memref_slice %arg6[%scan3A_133, %dma_start3A_1043, %dma_start3A_1044] : memref<2x224x128xf32, #tpu.memory_space<vmem>> -> memref<1x224x128xf32, #tpu.memory_space<vmem>>
        %dma_start3A_1046 = tpu.memref_squeeze %dma_start3A_1045 : memref<1x224x128xf32, #tpu.memory_space<vmem>> -> memref<224x128xf32, #tpu.memory_space<vmem>>
        %dma_start3A_1047 = arith.constant 168 : i32
        %dma_start3A_1048 = arith.constant 0 : i32
        %dma_start3A_1049 = tpu.memref_slice %dma_start3A_1046[%dma_start3A_1047, %dma_start3A_1048] : memref<224x128xf32, #tpu.memory_space<vmem>> -> memref<56x128xf32, #tpu.memory_space<vmem>>
        %dma_start3A_1050 = arith.constant 0 : i32
        %dma_start3A_1051 = tpu.memref_slice %arg5[%select_n3A_1042, %add3A_1026, %dma_start3A_1050] : memref<2x64x56xi32, #tpu.memory_space<vmem>> -> memref<1x1x56xi32, #tpu.memory_space<vmem>>
        %dma_start3A_1052 = tpu.memref_squeeze %dma_start3A_1051 : memref<1x1x56xi32, #tpu.memory_space<vmem>> -> memref<56xi32, #tpu.memory_space<vmem>>
        %dma_start3A_1053 = arith.constant 0 : i32
        %dma_start3A_1054 = arith.constant 0 : i32
        %dma_start3A_1055 = tpu.memref_slice %arg3[%dma_start3A_1053, %dma_start3A_1054] : memref<1000000x128xf32, #tpu.memory_space<hbm>> -> memref<1000000x128xf32, #tpu.memory_space<hbm>>
        tpu.enqueue_indirect_dma source(%dma_start3A_1055 : memref<1000000x128xf32, #tpu.memory_space<hbm>>) target(%dma_start3A_1049 : memref<56x128xf32, #tpu.memory_space<vmem>>) offsets(%dma_start3A_1052 : memref<56xi32, #tpu.memory_space<vmem>>) semaphore(%arg9 : memref<!tpu.dma_semaphore, #tpu.memory_space<semaphore_mem>>)
      } else {
      }
    }
    %scan3A_138 = arith.constant 64 : i32
    "tpu.region"() ({
      %run_scoped3A_139 = tpu.sem_alloc : memref<!tpu.dma_semaphore, #tpu.memory_space<semaphore_mem>>
      %dma_start3A_140 = arith.constant 0 : i32
      %dma_start3A_141 = tpu.memref_slice %arg4[%mul3A_2, %dma_start3A_140] : memref<16384x64xf32, #tpu.memory_space<hbm>> -> memref<512x64xf32, #tpu.memory_space<hbm>>
      %dma_start3A_142 = arith.constant 0 : i32
      %dma_start3A_143 = tpu.memref_slice %arg4[%mul3A_2, %dma_start3A_142] : memref<16384x64xf32, #tpu.memory_space<hbm>> -> memref<512x64xf32, #tpu.memory_space<hbm>>
      tpu.enqueue_dma source(%arg7 : memref<512x64xf32, #tpu.memory_space<vmem>>) target(%dma_start3A_143 : memref<512x64xf32, #tpu.memory_space<hbm>>) target_semaphore(%run_scoped3A_139 : memref<!tpu.dma_semaphore, #tpu.memory_space<semaphore_mem>>)
      %dma_wait3A = arith.constant 0 : i32
      %dma_wait3A_144 = tpu.memref_slice %arg4[%mul3A_2, %dma_wait3A] : memref<16384x64xf32, #tpu.memory_space<hbm>> -> memref<512x64xf32, #tpu.memory_space<hbm>>
      %dma_wait3A_145 = arith.constant 0 : i32
      %dma_wait3A_146 = tpu.memref_slice %arg4[%mul3A_2, %dma_wait3A_145] : memref<16384x64xf32, #tpu.memory_space<hbm>> -> memref<512x64xf32, #tpu.memory_space<hbm>>
      tpu.wait_dma2 semaphore(%run_scoped3A_139 : memref<!tpu.dma_semaphore, #tpu.memory_space<semaphore_mem>>) src(%arg7 : memref<512x64xf32, #tpu.memory_space<vmem>>) dst(%dma_wait3A_146 : memref<512x64xf32, #tpu.memory_space<hbm>>)
      tpu.yield
    }) : () -> ()
    return
  }
}

module attributes {stable_mosaic.version = 14 : i64} {
  func.func @_tr_body(%arg0: i32, %arg1: memref<64x16384xf32, #tpu.memory_space<vmem>>, %arg2: memref<16384x128xf32, #tpu.memory_space<vmem>>) attributes {dimension_semantics = [#tpu.dimension_semantics<arbitrary>], iteration_bounds = array<i64: 62>, scalar_prefetch = 0 : i64, scratch_operands = 0 : i64, tpu.core_type = #tpu.core_type<tc>, window_params = [{transform_indices = @transform_0, window_bounds = array<i64: 64, 16384>}, {transform_indices = @transform_1, window_bounds = array<i64: 16384, 128>}]} {
    %iota3A = tpu.iota {dimensions = array<i32: 0>} : vector<64x64xi32>
    %iota3A_0 = tpu.iota {dimensions = array<i32: 1>} : vector<64x64xi32>
    %add3A = arith.constant 0 : i32
    %add3A_1 = vector.broadcast %add3A : i32 to vector<64x64xi32>
    %add3A_2 = arith.addi %iota3A, %add3A_1 : vector<64x64xi32>
    %eq3A = arith.cmpi eq, %add3A_2, %iota3A_0 : vector<64x64xi32>
    %convert_element_type3A = arith.extui %eq3A : vector<64x64xi1> to vector<64x64xi32>
    %convert_element_type3A_3 = arith.sitofp %convert_element_type3A : vector<64x64xi32> to vector<64x64xf32>
    %get3A = arith.constant 0 : index
    %get3A_4 = arith.constant 0 : index
    %get3A_5 = vector.load %arg1[%get3A, %get3A_4] : memref<64x16384xf32, #tpu.memory_space<vmem>>, vector<64x16384xf32>
    %dot_general3A = arith.constant dense<0.000000e+00> : vector<16384x64xf32>
    %dot_general3A_6 = tpu.matmul %get3A_5, %convert_element_type3A_3, %dot_general3A {dimension_numbers = #tpu.dot_dimension_numbers<[0], [0], [1], [1], [0, 1, 1, 1], [], []>, transpose_lhs_hint = false} : vector<64x16384xf32>, vector<64x64xf32>, vector<16384x64xf32> -> vector<16384x64xf32>
    %swap3A = arith.constant 0 : index
    %swap3A_7 = arith.constant 0 : index
    %swap3A_8 = vector.load %arg2[%swap3A, %swap3A_7] : memref<16384x128xf32, #tpu.memory_space<vmem>>, vector<16384x64xf32>
    tpu.vector_store %arg2[%swap3A, %swap3A_7], %dot_general3A_6 {strides = array<i32>} : memref<16384x128xf32, #tpu.memory_space<vmem>>, vector<16384x64xf32>,
    return
  }
  func.func @transform_0(%arg0: i32) -> (i32, i32) {
    %c0_i32 = arith.constant 0 : i32
    %c0_i32_0 = arith.constant 0 : i32
    return %c0_i32, %arg0 : i32, i32
  }
  func.func @transform_1(%arg0: i32) -> (i32, i32) {
    %c0_i32 = arith.constant 0 : i32
    %c0_i32_0 = arith.constant 0 : i32
    return %arg0, %c0_i32 : i32, i32
  }
}

module attributes {stable_mosaic.version = 14 : i64} {
  func.func @_tc_body(%arg0: i32, %arg1: memref<1024x64xf32, #tpu.memory_space<vmem>>, %arg2: memref<64x64xf32, #tpu.memory_space<vmem>>, %arg3: memref<1x64xf32, #tpu.memory_space<vmem>>, %arg4: memref<1024x64xf32, #tpu.memory_space<vmem>>) attributes {dimension_semantics = [#tpu.dimension_semantics<arbitrary>], iteration_bounds = array<i64: 16>, scalar_prefetch = 0 : i64, scratch_operands = 0 : i64, tpu.core_type = #tpu.core_type<tc>, window_params = [{transform_indices = @transform_0, window_bounds = array<i64: 1024, 64>}, {pipeline_mode = #tpu.pipeline_mode<synchronous>, transform_indices = @transform_1, window_bounds = array<i64: 64, 64>}, {pipeline_mode = #tpu.pipeline_mode<synchronous>, transform_indices = @transform_2, window_bounds = array<i64: 1, 64>}, {transform_indices = @transform_3, window_bounds = array<i64: 1024, 64>}]} {
    %get3A = arith.constant 0 : index
    %get3A_0 = arith.constant 0 : index
    %get3A_1 = vector.load %arg1[%get3A, %get3A_0] : memref<1024x64xf32, #tpu.memory_space<vmem>>, vector<1024x64xf32>
    %mul3A = arith.constant 2.000000e-02 : f32
    %mul3A_2 = vector.broadcast %mul3A : f32 to vector<1024x64xf32>
    %mul3A_3 = arith.mulf %get3A_1, %mul3A_2 : vector<1024x64xf32>
    %get3A_4 = arith.constant 0 : index
    %get3A_5 = arith.constant 0 : index
    %get3A_6 = vector.load %arg2[%get3A_4, %get3A_5] : memref<64x64xf32, #tpu.memory_space<vmem>>, vector<64x64xf32>
    %dot_general3A = arith.constant dense<0.000000e+00> : vector<1024x64xf32>
    %dot_general3A_7 = tpu.matmul %mul3A_3, %get3A_6, %dot_general3A {dimension_numbers = #tpu.dot_dimension_numbers<[1], [1], [0], [0], [0, 0, 1, 0], [], []>, transpose_lhs_hint = false} : vector<1024x64xf32>, vector<64x64xf32>, vector<1024x64xf32> -> vector<1024x64xf32>
    %get3A_8 = arith.constant 0 : index
    %get3A_9 = arith.constant 0 : index
    %get3A_10 = vector.load %arg3[%get3A_8, %get3A_9] : memref<1x64xf32, #tpu.memory_space<vmem>>, vector<1x64xf32>
    %add3A = vector.broadcast %get3A_10 : vector<1x64xf32> to vector<1024x64xf32>
    %add3A_11 = arith.addf %dot_general3A_7, %add3A : vector<1024x64xf32>
    %reduce_max3A = arith.constant dense<0xFF800000> : vector<1024xf32>
    %reduce_max3A_12 = vector.multi_reduction <maximumf>, %add3A_11, %reduce_max3A [1] : vector<1024x64xf32> to vector<1024xf32>
    %broadcast_in_dim3A = vector.shape_cast %reduce_max3A_12 : vector<1024xf32> to vector<1024x1xf32>
    %sub3A = vector.broadcast %broadcast_in_dim3A : vector<1024x1xf32> to vector<1024x64xf32>
    %sub3A_13 = arith.subf %add3A_11, %sub3A : vector<1024x64xf32>
    %exp3A = math.exp %sub3A_13 : vector<1024x64xf32>
    %reduce_sum3A = arith.constant dense<0.000000e+00> : vector<1024xf32>
    %reduce_sum3A_14 = vector.multi_reduction <add>, %exp3A, %reduce_sum3A [1] : vector<1024x64xf32> to vector<1024xf32>
    %broadcast_in_dim3A_15 = vector.shape_cast %reduce_sum3A_14 : vector<1024xf32> to vector<1024x1xf32>
    %div3A = vector.broadcast %broadcast_in_dim3A_15 : vector<1024x1xf32> to vector<1024x64xf32>
    %div3A_16 = arith.divf %exp3A, %div3A : vector<1024x64xf32>
    %swap3A = arith.constant 0 : index
    %swap3A_17 = arith.constant 0 : index
    %swap3A_18 = vector.load %arg4[%swap3A, %swap3A_17] : memref<1024x64xf32, #tpu.memory_space<vmem>>, vector<1024x64xf32>
    tpu.vector_store %arg4[%swap3A, %swap3A_17], %div3A_16 {strides = array<i32>} : memref<1024x64xf32, #tpu.memory_space<vmem>>, vector<1024x64xf32>,
    return
  }
  func.func @transform_0(%arg0: i32) -> (i32, i32) {
    %c0_i32 = arith.constant 0 : i32
    %c0_i32_0 = arith.constant 0 : i32
    return %arg0, %c0_i32 : i32, i32
  }
  func.func @transform_1(%arg0: i32) -> (i32, i32) {
    %c0_i32 = arith.constant 0 : i32
    %c0_i32_0 = arith.constant 0 : i32
    %c0_i32_1 = arith.constant 0 : i32
    return %c0_i32, %c0_i32_0 : i32, i32
  }
  func.func @transform_2(%arg0: i32) -> (i32, i32) {
    %c0_i32 = arith.constant 0 : i32
    %c0_i32_0 = arith.constant 0 : i32
    %c0_i32_1 = arith.constant 0 : i32
    return %c0_i32, %c0_i32_0 : i32, i32
  }
  func.func @transform_3(%arg0: i32) -> (i32, i32) {
    %c0_i32 = arith.constant 0 : i32
    %c0_i32_0 = arith.constant 0 : i32
    return %arg0, %c0_i32 : i32, i32
  }
}

</mosaic_0001>

<sc_bundles>
// kernel: kernel.5.cloned.1.call-start
scs
__scs_entry_jumppad:
0x0: {  	(pc) =	sbr.rel $0x88, $3  }
0x1: {  	(tag) =	ssettag $0x0;
	lr =	simm.s32 $0x1  }
0x2: {  	[smem:$0x3F9D] =	sst lr;
	_ =	strace $0xD0000000  }
0x3: {  	_ = 	snop  }
0x4: {  	_ = 	snop  }
0x5: {  	_ = 	snop  }
0x6: {  	_ = 	snop  }
0x7: {  	_ = 	snop  }
__scs_overlays_trampoline_lowered:
0x8: {  	[smem:$0x3FAC] =	sst s0  }
0x9: {  	[smem:$0x3FAD] =	sst s1  }
0xa: {  	[smem:$0x3FAE] =	sst s2  }
0xb: {  	[smem:$0x3FAF] =	sst s3  }
0xc: {  	[smem:$0x3FB0] =	sst s4  }
0xd: {  	[smem:$0x3FB1] =	sst s5  }
0xe: {  	[smem:$0x3FB2] =	sst s6  }
0xf: {  	[smem:$0x3FB3] =	sst s7  }
0x10: {  	[smem:$0x3FB4] =	sst s8  }
0x11: {  	[smem:$0x3FB5] =	sst s9;
	s0 =	simm.s32 @!p0 $0x0  }
0x12: {  	s1 =	sld [smem:$0x3F9B];
	s0 =	simm.s32 @p0 $0x1  }
0x13: {  	[smem:$0x3FB6] =	sst s0;
	s0 =	simm.s32 @!p1 $0x0  }
0x14: {  	s2 =	sld [smem:$0x3F9A];
	s0 =	simm.s32 @p1 $0x1  }
0x15: {  	[smem:$0x3FB7] =	sst s0;
	s0 =	simm.s32 @!p2 $0x0  }
0x16: {  	s3 =	sld [smem:$0x3FDB];
	s0 =	simm.s32 @p2 $0x1  }
0x17: {  	s4 =	simm.s32 $0x1BF5;
	[smem:$0x3FB9] =	sst s0  }
0x18: {  	s0 =	sld [smem:$0x3F9C];
	_ =	swait.ge [sflag:s4], $0x0  }
0x19: {  	s7 =	sld [smem:$0x3F9D]  }
0x1a: {  	s8 =	sadd.s32 $0xFFFFE003, lr  }
0x1b: {  	s9 =	sadd.s32 $0xFFFFFEF7, lr;
	s5 =	simm.s32 $0xFFFFFFFF;
	p2 =	slt.u32 s8, $0xFFFFF086  }
0x1c: {  	p1 =	slt.u32 s9, $0xF7A;
	s5 =	simm.s32 @!p2 $0x0  }
0x1d: {  	s5 =	simm.s32 @p1 $0x1;
	p0 =	seq.s32 s7, s2  }
0x1e: {  	s7 =	smul.u32 @!p0 $0xF7A, s2;
	p2 =	seq.s32 @!p0 s5, $0x0  }
0x1f: {  	s9 =	smul.u32 $0xF7A, s1;
	s8 =	simm.s32 @!p0 $0x1BF5;
	p2 =	por !p2, p0  }
0x20: {  	[sflag:s8] =	ssyncset.s32 @!p0 $0xFFFFF086;
	s6 =	sadd.s32 @!p0 s3, s7;
	s7 =	simm.s32 @!p0 $0x108  }
0x21: {  	s3 =	sadd.s32 s3, s9;
	s6 =	sadd.s32 @!p0 $0x88, s6;
	s7 =	simm.s32 @p2 $0x1082  }
0x22: {  	[simem:s7], [sflag:s8] =	dma.local @!p0 [hbm:s6], $0xF7A  }
0x23: {  	s9 =	sor.u32 $0xD0000000, s2;
	s6 =	simm.s32 $0x108;
	_ =	swait.ge @!p0 [sflag:s8], $0x0  }
0x24: {  	s3 =	sadd.s32 $0x88, s3;
	s6 =	simm.s32 @!p1 $0x1082;
	[sflag:s4] =	ssyncset.s32 $0xFFFFF086  }
0x25: {  	[simem:s6], [sflag:s4] =	dma.local [hbm:s3], $0xF7A  }
0x26: {  	[smem:$0x3F9D] =	sst s1;
	(tag) =	ssettag s2;
	_ =	strace s9  }
0x27: {  	s1 =	sld [smem:$0x3FAD]  }
0x28: {  	s2 =	sld [smem:$0x3FAE]  }
0x29: {  	s4 =	sld [smem:$0x3FB0]  }
0x2a: {  	p0 =	seq.s32 s5, $0x0;
	s5 =	sld [smem:$0x3FB1]  }
0x2b: {  	s6 =	sld [smem:$0x3FB2]  }
0x2c: {  	s7 =	sld [smem:$0x3FB3]  }
0x2d: {  	s3 =	simm.s32 $0x108;
	s8 =	sld [smem:$0x3FB4]  }
0x2e: {  	s3 =	simm.s32 @!p0 $0x1082;
	s9 =	sld [smem:$0x3FB5]  }
0x2f: {  	lr =	sadd.s32 s0, s3;
	s0 =	sld [smem:$0x3FAC]  }
0x30: {  	s3 =	sld [smem:$0x3FAF]  }
0x31: {  	[smem:$0x3FB8] =	sst s10  }
0x32: {  	s10 =	sld [smem:$0x3FB6];
	_ =	sdelay $0x3  }
0x33: {  	p0 =	seq.s32 s10, $0x1;
	s10 =	sld [smem:$0x3FB8];
	_ =	sdelay $0x3  }
0x34: {  	[smem:$0x3FB8] =	sst s10  }
0x35: {  	s10 =	sld [smem:$0x3FB7];
	_ =	sdelay $0x3  }
0x36: {  	p1 =	seq.s32 s10, $0x1;
	s10 =	sld [smem:$0x3FB8];
	_ =	sdelay $0x3  }
0x37: {  	[smem:$0x3FB8] =	sst s10  }
0x38: {  	s10 =	sld [smem:$0x3FB9]  }
0x39: {  	_ = 	snop;
	(pc) =	sbr.ind lr, $3  }
0x3a: {  	_ = 	snop  }
0x3b: {  	_ = 	snop  }
0x3c: {  	p2 =	seq.s32 s10, $0x1;
	s10 =	sld [smem:$0x3FB8]  }
0x3d: {  	_ =	shalt  }
0x3e: {  	_ =	shalt  }
0x3f: {  	_ =	shalt  }
0x40: {  	_ =	shalt  }
0x41: {  	_ =	shalt  }
0x42: {  	_ =	shalt  }
0x43: {  	_ =	shalt  }
0x44: {  	_ =	shalt  }
0x45: {  	_ =	shalt  }
0x46: {  	_ =	shalt  }
0x47: {  	_ =	shalt  }
0x48: {  	_ =	shalt  }
0x49: {  	_ =	shalt  }
0x4a: {  	_ =	shalt  }
0x4b: {  	_ =	shalt  }
0x4c: {  	_ =	shalt  }
0x4d: {  	_ =	shalt  }
0x4e: {  	_ =	shalt  }
0x4f: {  	_ =	shalt  }
0x50: {  	_ =	shalt  }
0x51: {  	_ =	shalt  }
0x52: {  	_ =	shalt  }
0x53: {  	_ =	shalt  }
0x54: {  	_ =	shalt  }
0x55: {  	_ =	shalt  }
0x56: {  	_ =	shalt  }
0x57: {  	_ =	shalt  }
0x58: {  	_ =	shalt  }
0x59: {  	_ =	shalt  }
0x5a: {  	_ =	shalt  }
0x5b: {  	_ =	shalt  }
0x5c: {  	_ =	shalt  }
0x5d: {  	_ =	shalt  }
0x5e: {  	_ =	shalt  }
0x5f: {  	_ =	shalt  }
0x60: {  	_ =	shalt  }
0x61: {  	_ =	shalt  }
0x62: {  	_ =	shalt  }
0x63: {  	_ =	shalt  }
0x64: {  	_ =	shalt  }
0x65: {  	_ =	shalt  }
0x66: {  	_ =	shalt  }
0x67: {  	_ =	shalt  }
0x68: {  	_ =	shalt  }
0x69: {  	_ =	shalt  }
0x6a: {  	_ =	shalt  }
0x6b: {  	_ =	shalt  }
0x6c: {  	_ =	shalt  }
0x6d: {  	_ =	shalt  }
0x6e: {  	_ =	shalt  }
0x6f: {  	_ =	shalt  }
0x70: {  	_ =	shalt  }
0x71: {  	_ =	shalt  }
0x72: {  	_ =	shalt  }
0x73: {  	_ =	shalt  }
0x74: {  	_ =	shalt  }
0x75: {  	_ =	shalt  }
0x76: {  	_ =	shalt  }
0x77: {  	_ =	shalt  }
0x78: {  	_ =	shalt  }
0x79: {  	_ =	shalt  }
0x7a: {  	_ =	shalt  }
0x7b: {  	_ =	shalt  }
0x7c: {  	_ =	shalt  }
0x7d: {  	_ =	shalt  }
0x7e: {  	_ =	shalt  }
0x7f: {  	_ =	shalt  }
0x80: {  	_ =	shalt  }
0x81: {  	_ =	shalt  }
0x82: {  	_ =	shalt  }
0x83: {  	_ =	shalt  }
0x84: {  	_ =	shalt  }
0x85: {  	_ =	shalt  }
0x86: {  	_ =	shalt  }
0x87: {  	_ =	shalt  }
.Lfunc_end0:
.L_simem_size_0:
called_computation_lowered:
.L_overlay_start_0:
0x88: {  	s2 =	sld [smem:$0x3FD9]  }
0x89: {  	s3 =	sld [smem:$0x3FFE];
	_ =	sdelay $0x1  }
0x8a: {  	s1 =	srdreg.scid  }
0x8b: {  	s0 =	sand.u32 $0x1, s1  }
0x8c: {  	s17 =	sshll.u32 s0, $0xA;
	s2 =	sadd.s32 s3, s2  }
0x8d: {  	s2 =	sadd.s32 s2, s17  }
0x8e: {  	[smem:$0x3FC4] =	sst s2  }
0x8f: {  	_ = 	snop  }
0x90: {  	s2 =	sld [smem:$0x3FD0];
	(tm) =	ssettm $0x1  }
0x91: {  	s18 =	sld [smem:$0x3FFB];
	_ =	sdelay $0x3  }
0x92: {  	_ =	strace s18  }
0x93: {  	s3 =	sld [smem:$0x3FFC];
	_ =	sdelay $0x3  }
0x94: {  	_ =	strace s3  }
0x95: {  	s3 =	sld [smem:$0x3FFD];
	_ =	sdelay $0x3  }
0x96: {  	_ =	strace s3  }
0x97: {  	_ =	strace $0x8FFFFFFF  }
0x98: {  	s19 =	sld [smem:$0x3FDB];
	_ =	sdelay $0x1  }
0x99: {  	s4 =	simm.s32 $_scs_section_size  }
0x9a: {  	s5 =	simm.s32 $_size__tile_overlayer_lowered;
	s6 =	simm.s32 $_tile_overlayer_lowered  }
0x9b: {  	s22 =	simm.s32 $0x1BFF;
	s21 =	sshll.u32 s6, $0x1;
	s3 =	sadd.s32 s4, s19  }
0x9c: {  	s7 =	simm.s32 $0x0;
	s20 =	sshll.u32 s5, $0x1;
	s5 =	sadd.s32 s21, s3  }
0x9d: {  	[timem:s7], [sflag:s22] =	dma.local [hbm:s5], s20  }
0x9e: {  	_ =	swait.ge [sflag:s22], s20  }
0x9f: {  	s4 =	ssub.s32 $0x0, s20;
	[sflag:s22] =	ssyncset.done $0x0  }
0xa0: {  	[sflag:s22] =	ssyncadd.s32 s4;
	_ =	sdelay $0x1  }
0xa1: {  	s23 =	simm.s32 $0x1B8B  }
0xa2: {  	_ =	swait.ge [sflag:s23], $0x1  }
0xa3: {  	[sflag:s23] =	ssyncset.done $0x0  }
0xa4: {  	s25 =	simm.s32 $0x1B8E;
	s24 =	sld [smem:$0x3FFE];
	[sflag:s23] =	ssyncadd.s32 $0xFFFFFFFF  }
0xa5: {  	s26 =	simm.s32 $execute0_lowered;
	[smem:$0x3FD2] =	sst s25  }
0xa6: {  	s5 =	sshll.u32 s26, $0x1;
	_ =	strace $0x80000046;
	[dreg:$0x1] =	wrdreg $0xFFFFFFFF  }
0xa7: {  	s28 =	simm.s32 $_size_execute0_lowered;
	s3 =	sadd.s32 s3, s5;
	[dreg:$0x0] =	wrdreg $0x0  }
0xa8: {  	s5 =	sshll.u32 s28, $0x1;
	[dreg:$0x2] =	wrdreg s3  }
0xa9: {  	[dreg:$0x3] =	wrdreg s5  }
0xaa: {  	[dreg:$0x4] =	wrdreg $0xC0  }
0xab: {  	_ =	task [dreg:s7], $0x5FFFF  }
0xac: {  	[dreg:$0x1] =	wrdreg $0xFFFFFFFF  }
0xad: {  	[dreg:$0x0] =	wrdreg $0x60  }
0xae: {  	[dreg:$0x2] =	wrdreg s24  }
0xaf: {  	[dreg:$0x3] =	wrdreg s2  }
0xb0: {  	[dreg:$0x4] =	wrdreg $0x9  }
0xb1: {  	_ =	task.clear_ibuf [dreg:s7], $0x5FFFF;
	_ =	strace $0x90000046  }
0xb2: {  	s29 =	simm.s32 $0x9;
	_ =	strace $0x80000048  }
0xb3: {  	_ =	swait.ge [sflag:s29], $0x1  }
0xb4: {  	[sflag:s29] =	ssyncadd.s32 $0xFFFFFFFF  }
0xb5: {  	_ =	strace $0x90000048  }
0xb6: {  	_ =	sfence  }
0xb7: {  	s30 =	sld [smem:$0x0];
	_ =	sdelay $0x2  }
0xb8: {  	s31 =	sshll.u32 s1, $0xD;
	s1 =	sshrl.u32 s1, $0x2  }
0xb9: {  	s3 =	sand.u32 $0x4000, s31;
	s1 =	sadd.s32 s1, s30  }
0xba: {  	s0 =	sor.u32 s3, s0;
	s1 =	sshll.u32 s1, $0x11  }
0xbb: {  	s0 =	sor.u32 s1, s0  }
0xbc: {  	s0 =	sadd.s32 $0x8F2B, s0  }
0xbd: {  	[sflag:s0] =	ssyncadd.remote.s32 $0x1  }
0xbe: {  	_ =	sfence.sel $0xFFFF  }
0xbf: {  	[dreg:$0x0] =	wrdreg $0xFFFFFFFF;
	(pc) =	sbr.abs _section_cstart, $3  }
0xc0: {  	[dreg:$0x1] =	wrdreg $0xFFFFFFFF  }
0xc1: {  	_ =	task.clear_ibuf [dreg:s7], $0x2FFFF;
	_ =	strace $0x9FFFFFFF  }
0xc2: {  	(tm) =	ssettm $0x7FFFFFFF  }
0xc3: {  	_ =	shalt  }
tec
execute0_lowered:
.L_overlay_start_1:
0x0: {  	(tag) =	ssettag $0x1  }
0x1: {  	s0 =	srdreg.scid;
	s1 =	rddreg [dreg:$0x0]  }
0x2: {  	s2 =	stileid.u32;
	s5 =	rddreg [dreg:$0x1]  }
0x3: {  	s9 =	simm.s32 $0x3;
	s12 =	simm.s32 $0x70;
	s13 =	simm.s32 $0x5400  }
0x4: {  	s14 =	simm.s32 $0xA8;
	s15 =	simm.s32 $0x7000;
	s16 =	simm.s32 $0xE0  }
0x5: {  	s17 =	simm.s32 $0x8C00;
	s18 =	simm.s32 $0x118;
	s19 =	simm.s32 $0xA800  }
0x6: {  	s20 =	simm.s32 $0x150;
	s21 =	simm.s32 $0xC400;
	s22 =	simm.s32 $0x188  }
0x7: {  	s23 =	simm.s32 $0xE000;
	s24 =	simm.s32 $0x1;
	s25 =	simm.s32 $0x2  }
0x8: {  	s26 =	simm.s32 $0xFC00;
	s28 =	simm.s32 $0x0;
	s0 =	sand.u32 $0x1, s0  }
0x9: {  	s3 =	sshll.u32 s2, $0xA;
	s2 =	simm.s32 $0x0;
	s4 =	sshll.u32 s0, $0x9  }
.Ltmp0:
0xa: {  	[smem:$0x7FF] =	sst s2;
	s0 =	ssub.s32 $0x2, s0;
	(pc) =	sbr.rel .LBB2_1-.Ltmp0, $4  }
0xb: {  	s4 =	sor.u32 s4, s3;
	_ =	strace $0x80000047;
	s7 =	sshrl.u32 s0, $0x1  }
0xc: {  	s3 =	sshll.u32 s4, $0x4;
	s0 =	ssub.s32 s0, s7;
	s31 =	sshll.u32 s4, $0x3  }
0xd: {  	s7 =	simm.s32 $0x38;
	s6 =	sadd.s32 s3, s1;
	s3 =	sadd.s32 $0x40800, s1  }
0xe: {  	s5 =	sadd.s32 s5, s31;
	s4 =	sadd.s32 $0xF82C00, s6;
	s6 =	smax.u32 s0, $0x1  }
.LBB2_12:
0xf: {  	s28 =	sadd.s32 $0x1, s28  }
0x10: {  	p0 =	sne.s32 s28, s6  }
.Ltmp1:
0x11: {  	_ = 	snop;
	(pc) =	sbr.rel @!p0 .LBB2_13-.Ltmp1, $4  }
0x12: {  	[hbm4b:s5+s2] =	stream.linear.scatter [tilespmem:s26], [sflag:$0x3], $0x8000, $0x38;
	[tilespmem:$0x17C00] =	vst v63  }
0x13: {  	_ =	swait.ge [sflag:s9], $0x8000  }
0x14: {  	[sflag:s9] =	ssyncset.done $0x0  }
0x15: {  	[sflag:s9] =	ssyncadd.s32 $0xFFFF8000  }
.LBB2_1:
0x16: {  	s0 =	simm.s32 $0x80  }
0x17: {  	[tilespmem:s2], [sflag:$0x3] =	stream.strided.gather [hbm4b:s4+s7], $0xE00, s0, s7, $0x38;
	[tilespmem:$0x17C00] =	vst v63  }
0x18: {  	_ =	swait.ge [sflag:s9], $0xE00  }
0x19: {  	[sflag:s9] =	ssyncset.done $0x0  }
0x1a: {  	s30 =	simm.s32 $0x1C00;
	[sflag:s9] =	ssyncadd.s32 $0xFFFFF200  }
0x1b: {  	[tilespmem:s30], [sflag:$0x1] =	stream.indirect.gather [hbm4b:s3+s7], $0x80, s2, s7, $0xb8;
	[tilespmem:$0x17C00] =	vst v63  }
0x1c: {  	s31 =	simm.s32 $0x3800  }
0x1d: {  	[tilespmem:s31], [sflag:$0x1] =	stream.indirect.gather [hbm4b:s3+s7], $0x80, s7, s7, $0xb8;
	[tilespmem:$0x17C00] =	vst v63  }
0x1e: {  	_ = 	snop  }
0x1f: {  	[tilespmem:s13], [sflag:$0x1] =	stream.indirect.gather [hbm4b:s3+s7], $0x80, s12, s7, $0xb8;
	[tilespmem:$0x17C00] =	vst v63  }
0x20: {  	_ = 	snop  }
0x21: {  	[tilespmem:s15], [sflag:$0x1] =	stream.indirect.gather [hbm4b:s3+s7], $0x80, s14, s7, $0xb8;
	[tilespmem:$0x17C00] =	vst v63  }
0x22: {  	_ = 	snop  }
0x23: {  	[tilespmem:s17], [sflag:$0x2] =	stream.indirect.gather [hbm4b:s3+s7], $0x80, s16, s7, $0xb8;
	[tilespmem:$0x17C00] =	vst v63  }
0x24: {  	_ = 	snop  }
0x25: {  	[tilespmem:s19], [sflag:$0x2] =	stream.indirect.gather [hbm4b:s3+s7], $0x80, s18, s7, $0xb8;
	[tilespmem:$0x17C00] =	vst v63  }
0x26: {  	_ = 	snop  }
0x27: {  	[tilespmem:s21], [sflag:$0x2] =	stream.indirect.gather [hbm4b:s3+s7], $0x80, s20, s7, $0xb8;
	[tilespmem:$0x17C00] =	vst v63  }
0x28: {  	s29 =	simm.s32 $0x0  }
0x29: {  	[tilespmem:s23], [sflag:$0x2] =	stream.indirect.gather [hbm4b:s3+s7], $0x80, s22, s7, $0xb8;
	[tilespmem:$0x17C00] =	vst v63  }
.LBB2_2:
0x2a: {  	_ =	swait.ge [sflag:s24], $0x1C00  }
0x2b: {  	[sflag:s24] =	ssyncset.done $0x0  }
0x2c: {  	[sflag:s24] =	ssyncadd.s32 $0xFFFFE400  }
0x2d: {  	_ =	swait.ge [sflag:s24], $0x1C00  }
0x2e: {  	[sflag:s24] =	ssyncset.done $0x0  }
0x2f: {  	[sflag:s24] =	ssyncadd.s32 $0xFFFFE400  }
0x30: {  	_ =	swait.ge [sflag:s24], $0x1C00  }
0x31: {  	[sflag:s24] =	ssyncset.done $0x0  }
0x32: {  	s0 =	sshll.u32 s29, $0x9;
	[sflag:s24] =	ssyncadd.s32 $0xFFFFE400  }
0x33: {  	s0 =	sand.u32 $0x3FFFFE00, s0;
	_ =	swait.ge [sflag:s24], $0x1C00  }
0x34: {  	s0 =	sadd.s32 $0xFC00, s0;
	[sflag:s24] =	ssyncset.done $0x0  }
0x35: {  	s30 =	simm.s32 $0x0;
	s31 =	simm.s32 $0x1E80;
	v0 =	vmov s0;
	[sflag:s24] =	ssyncadd.s32 $0xFFFFE400  }
.LBB2_3:
0x36: {  	v1 =	vmov s31;
	_ =	sdelay $0x3  }
0x37: {  	s1 =	simm.s32 $0x0  }
0x38: {  	v4 =	vld.idx.msk [tilespmem:v1+s1+$0x200 ss:$0x1], $0xffff  }
0x39: {  	v5 =	vld.idx.msk [tilespmem:v1+s1+$0x210 ss:$0x1], $0xffff  }
0x3a: {  	v2 =	vld.idx.msk [tilespmem:v1+s1+$0x180 ss:$0x1], $0xffff  }
0x3b: {  	v3 =	vld.idx.msk [tilespmem:v1+s1+$0x190 ss:$0x1], $0xffff  }
0x3c: {  	v6 =	vld.idx.msk [tilespmem:v1+s1+$0x100 ss:$0x1], $0xffff  }
0x3d: {  	v7 =	vld.idx.msk [tilespmem:v1+s1+$0x110 ss:$0x1], $0xffff  }
0x3e: {  	v8 =	vld.idx.msk [tilespmem:v1+s1+$0x80 ss:$0x1], $0xffff  }
0x3f: {  	v9 =	vld.idx.msk [tilespmem:v1+s1+$0x90 ss:$0x1], $0xffff  }
0x40: {  	v11 =	vld.idx.msk [tilespmem:v1+s1+$0x0 ss:$0x1], $0xffff  }
0x41: {  	v10 =	vld.idx.msk [tilespmem:v1+s1+$0x10 ss:$0x1], $0xffff  }
0x42: {  	v13 =	vld.idx.msk [tilespmem:v1+s1+$0xFFFFFF80 ss:$0x1], $0xffff  }
0x43: {  	v12 =	vld.idx.msk [tilespmem:v1+s1+$0xFFFFFF90 ss:$0x1], $0xffff  }
0x44: {  	v15 =	vld.idx.msk [tilespmem:v1+s1+$0xFFFFFF00 ss:$0x1], $0xffff  }
0x45: {  	v14 =	vld.idx.msk [tilespmem:v1+s1+$0xFFFFFF10 ss:$0x1], $0xffff  }
0x46: {  	v17 =	vld.idx.msk [tilespmem:v1+s1+$0xFFFFFE80 ss:$0x1], $0xffff  }
0x47: {  	v16 =	vld.idx.msk [tilespmem:v1+s1+$0xFFFFFE90 ss:$0x1], $0xffff  }
0x48: {  	v23 =	vld.idx.msk [tilespmem:v1+s1+$0xFFFFFE00 ss:$0x1], $0xffff  }
0x49: {  	v22 =	vld.idx.msk [tilespmem:v1+s1+$0xFFFFFE10 ss:$0x1], $0xffff  }
0x4a: {  	v25 =	vld.idx.msk [tilespmem:v1+s1+$0xFFFFFD80 ss:$0x1], $0xffff  }
0x4b: {  	v19 =	vimm.f32 $0.0e+00;
	v26 =	vld.idx.msk [tilespmem:v1+s1+$0xFFFFFD90 ss:$0x1], $0xffff  }
0x4c: {  	s0 =	simm.s32 $0x1400;
	v21 =	vimm.f32 $0.0e+00;
	v20 =	vimm.f32 $0.0e+00;
	v18 =	vimm.f32 $0.0e+00;
	v24 =	vld.idx.msk [tilespmem:v1+s1+$0xFFFFFDA0 ss:$0x1], $0xffff  }
.LBB2_4:
0x4d: {  	p0 =	sne.s32 s0, $0x5000;
	v27 =	vld.idx.msk [tilespmem:v1+s1+$0xFFFFFDB0 ss:$0x1], $0xffff  }
0x4e: {  	v28 =	vld.idx.msk [tilespmem:v1+s1+$0xFFFFFE20 ss:$0x1], $0xffff  }
0x4f: {  	v29 =	vld.idx.msk [tilespmem:v1+s1+$0xFFFFFE30 ss:$0x1], $0xffff  }
0x50: {  	v30 =	vld.idx.msk [tilespmem:v1+s1+$0xFFFFFEA0 ss:$0x1], $0xffff  }
0x51: {  	v31 =	vld.idx.msk [tilespmem:v1+s1+$0xFFFFFEB0 ss:$0x1], $0xffff  }
0x52: {  	v19 =	vadd.f32 v25, v19;
	v21 =	vadd.f32 v26, v21;
	v25 =	vld.idx.msk [tilespmem:v1+s1+$0xFFFFFF20 ss:$0x1], $0xffff  }
0x53: {  	v20 =	vadd.f32 v24, v20;
	v18 =	vadd.f32 v27, v18;
	v24 =	vld.idx.msk [tilespmem:v1+s1+$0xFFFFFF30 ss:$0x1], $0xffff  }
0x54: {  	v19 =	vadd.f32 v23, v19;
	v21 =	vadd.f32 v22, v21;
	v22 =	vld.idx.msk [tilespmem:v1+s1+$0xFFFFFFA0 ss:$0x1], $0xffff  }
0x55: {  	v20 =	vadd.f32 v28, v20;
	v18 =	vadd.f32 v29, v18;
	v23 =	vld.idx.msk [tilespmem:v1+s1+$0xFFFFFFB0 ss:$0x1], $0xffff  }
0x56: {  	v17 =	vadd.f32 v17, v19;
	v16 =	vadd.f32 v16, v21;
	v19 =	vld.idx.msk [tilespmem:v1+s1+$0x20 ss:$0x1], $0xffff  }
0x57: {  	v20 =	vadd.f32 v30, v20;
	v18 =	vadd.f32 v31, v18;
	v21 =	vld.idx.msk [tilespmem:v1+s1+$0x30 ss:$0x1], $0xffff  }
0x58: {  	v15 =	vadd.f32 v15, v17;
	v14 =	vadd.f32 v14, v16;
	v16 =	vld.idx.msk [tilespmem:v1+s1+$0xA0 ss:$0x1], $0xffff  }
0x59: {  	v17 =	vadd.f32 v25, v20;
	v18 =	vadd.f32 v24, v18;
	v20 =	vld.idx.msk [tilespmem:v1+s1+$0xB0 ss:$0x1], $0xffff  }
0x5a: {  	v13 =	vadd.f32 v13, v15;
	v12 =	vadd.f32 v12, v14;
	v14 =	vld.idx.msk [tilespmem:v1+s1+$0x120 ss:$0x1], $0xffff  }
0x5b: {  	v15 =	vadd.f32 v22, v17;
	v17 =	vadd.f32 v23, v18;
	v18 =	vld.idx.msk [tilespmem:v1+s1+$0x130 ss:$0x1], $0xffff  }
0x5c: {  	v11 =	vadd.f32 v11, v13;
	v10 =	vadd.f32 v10, v12;
	v12 =	vld.idx.msk [tilespmem:v1+s1+$0x1A0 ss:$0x1], $0xffff  }
0x5d: {  	v13 =	vadd.f32 v19, v15;
	v15 =	vadd.f32 v21, v17;
	v17 =	vld.idx.msk [tilespmem:v1+s1+$0x1B0 ss:$0x1], $0xffff  }
0x5e: {  	v8 =	vadd.f32 v8, v11;
	v9 =	vadd.f32 v9, v10;
	v10 =	vld.idx.msk [tilespmem:v1+s1+$0x220 ss:$0x1], $0xffff  }
0x5f: {  	v11 =	vadd.f32 v16, v13;
	v13 =	vadd.f32 v20, v15;
	v15 =	vld.idx.msk [tilespmem:v1+s1+$0x230 ss:$0x1], $0xffff;
	s1 =	sshra.s32 s0, $0x2  }
0x60: {  	v6 =	vadd.f32 v6, v8;
	v7 =	vadd.f32 v7, v9;
	v16 =	vld.idx.msk [tilespmem:v1+s1+$0x200 ss:$0x1], $0xffff  }
0x61: {  	v8 =	vadd.f32 v14, v11;
	v9 =	vadd.f32 v18, v13;
	v22 =	vld.idx.msk [tilespmem:v1+s1+$0x210 ss:$0x1], $0xffff  }
0x62: {  	v11 =	vadd.f32 v2, v6;
	v7 =	vadd.f32 v3, v7;
	v2 =	vld.idx.msk [tilespmem:v1+s1+$0x180 ss:$0x1], $0xffff  }
0x63: {  	v8 =	vadd.f32 v12, v8;
	v9 =	vadd.f32 v17, v9;
	v3 =	vld.idx.msk [tilespmem:v1+s1+$0x190 ss:$0x1], $0xffff  }
0x64: {  	v19 =	vadd.f32 v4, v11;
	v21 =	vadd.f32 v5, v7;
	v6 =	vld.idx.msk [tilespmem:v1+s1+$0x100 ss:$0x1], $0xffff  }
0x65: {  	v20 =	vadd.f32 v10, v8;
	v18 =	vadd.f32 v15, v9;
	v7 =	vld.idx.msk [tilespmem:v1+s1+$0x110 ss:$0x1], $0xffff  }
0x66: {  	v4 =	vmov v16;
	v8 =	vld.idx.msk [tilespmem:v1+s1+$0x80 ss:$0x1], $0xffff  }
0x67: {  	v5 =	vmov v22;
	v9 =	vld.idx.msk [tilespmem:v1+s1+$0x90 ss:$0x1], $0xffff  }
0x68: {  	v11 =	vld.idx.msk [tilespmem:v1+s1+$0x0 ss:$0x1], $0xffff  }
0x69: {  	v10 =	vld.idx.msk [tilespmem:v1+s1+$0x10 ss:$0x1], $0xffff  }
0x6a: {  	v13 =	vld.idx.msk [tilespmem:v1+s1+$0xFFFFFF80 ss:$0x1], $0xffff  }
0x6b: {  	v12 =	vld.idx.msk [tilespmem:v1+s1+$0xFFFFFF90 ss:$0x1], $0xffff  }
0x6c: {  	v15 =	vld.idx.msk [tilespmem:v1+s1+$0xFFFFFF00 ss:$0x1], $0xffff  }
0x6d: {  	v14 =	vld.idx.msk [tilespmem:v1+s1+$0xFFFFFF10 ss:$0x1], $0xffff  }
0x6e: {  	v17 =	vld.idx.msk [tilespmem:v1+s1+$0xFFFFFE80 ss:$0x1], $0xffff  }
0x6f: {  	v16 =	vld.idx.msk [tilespmem:v1+s1+$0xFFFFFE90 ss:$0x1], $0xffff  }
.Ltmp2:
0x70: {  	v23 =	vld.idx.msk [tilespmem:v1+s1+$0xFFFFFE00 ss:$0x1], $0xffff;
	(pc) =	sbr.rel @p0 .LBB2_4-.Ltmp2, $4  }
0x71: {  	v22 =	vld.idx.msk [tilespmem:v1+s1+$0xFFFFFE10 ss:$0x1], $0xffff  }
0x72: {  	v25 =	vld.idx.msk [tilespmem:v1+s1+$0xFFFFFD80 ss:$0x1], $0xffff  }
0x73: {  	v26 =	vld.idx.msk [tilespmem:v1+s1+$0xFFFFFD90 ss:$0x1], $0xffff  }
0x74: {  	s0 =	sadd.s32 $0x1400, s0;
	v24 =	vld.idx.msk [tilespmem:v1+s1+$0xFFFFFDA0 ss:$0x1], $0xffff  }
0x75: {  	_ =	sdelay $0x3  }
0x76: {  	v27 =	vld.idx.msk [tilespmem:v1+s1+$0xFFFFFDB0 ss:$0x1], $0xffff  }
0x77: {  	v28 =	vld.idx.msk [tilespmem:v1+s1+$0xFFFFFE20 ss:$0x1], $0xffff  }
0x78: {  	v29 =	vld.idx.msk [tilespmem:v1+s1+$0xFFFFFE30 ss:$0x1], $0xffff;
	v19 =	vadd.f32 v25, v19  }
0x79: {  	v44 =	vld.idx.msk [tilespmem:v1+s1+$0xFFFFFEA0 ss:$0x1], $0xffff;
	v21 =	vadd.f32 v26, v21  }
0x7a: {  	v45 =	vld.idx.msk [tilespmem:v1+s1+$0xFFFFFEB0 ss:$0x1], $0xffff;
	v20 =	vadd.f32 v24, v20;
	v19 =	vadd.f32 v23, v19  }
0x7b: {  	v46 =	vld.idx.msk [tilespmem:v1+s1+$0xFFFFFF20 ss:$0x1], $0xffff;
	v18 =	vadd.f32 v27, v18;
	v21 =	vadd.f32 v22, v21  }
0x7c: {  	v47 =	vld.idx.msk [tilespmem:v1+s1+$0xFFFFFF30 ss:$0x1], $0xffff;
	v20 =	vadd.f32 v28, v20;
	v17 =	vadd.f32 v17, v19  }
0x7d: {  	v48 =	vld.idx.msk [tilespmem:v1+s1+$0xFFFFFFA0 ss:$0x1], $0xffff;
	v18 =	vadd.f32 v29, v18;
	v16 =	vadd.f32 v16, v21  }
0x7e: {  	v49 =	vld.idx.msk [tilespmem:v1+s1+$0xFFFFFFB0 ss:$0x1], $0xffff;
	v20 =	vadd.f32 v44, v20;
	v15 =	vadd.f32 v15, v17  }
0x7f: {  	v50 =	vld.idx.msk [tilespmem:v1+s1+$0x20 ss:$0x1], $0xffff;
	v18 =	vadd.f32 v45, v18;
	v14 =	vadd.f32 v14, v16  }
0x80: {  	v51 =	vld.idx.msk [tilespmem:v1+s1+$0x30 ss:$0x1], $0xffff;
	v20 =	vadd.f32 v46, v20;
	v13 =	vadd.f32 v13, v15  }
0x81: {  	v52 =	vld.idx.msk [tilespmem:v1+s1+$0xA0 ss:$0x1], $0xffff;
	v18 =	vadd.f32 v47, v18;
	v12 =	vadd.f32 v12, v14  }
0x82: {  	v53 =	vld.idx.msk [tilespmem:v1+s1+$0xB0 ss:$0x1], $0xffff;
	v19 =	vadd.f32 v48, v20;
	v11 =	vadd.f32 v11, v13  }
0x83: {  	v54 =	vld.idx.msk [tilespmem:v1+s1+$0x120 ss:$0x1], $0xffff;
	v18 =	vadd.f32 v49, v18;
	v10 =	vadd.f32 v10, v12  }
0x84: {  	v55 =	vld.idx.msk [tilespmem:v1+s1+$0x130 ss:$0x1], $0xffff;
	v17 =	vadd.f32 v50, v19;
	v8 =	vadd.f32 v8, v11  }
0x85: {  	v56 =	vld.idx.msk [tilespmem:v1+s1+$0x1A0 ss:$0x1], $0xffff;
	v16 =	vadd.f32 v51, v18;
	v9 =	vadd.f32 v9, v10  }
0x86: {  	v57 =	vld.idx.msk [tilespmem:v1+s1+$0x1B0 ss:$0x1], $0xffff;
	v15 =	vadd.f32 v52, v17;
	v6 =	vadd.f32 v6, v8  }
0x87: {  	v58 =	vld.idx.msk [tilespmem:v1+s1+$0x220 ss:$0x1], $0xffff;
	v14 =	vadd.f32 v53, v16;
	v7 =	vadd.f32 v7, v9  }
0x88: {  	v1 =	vld.idx.msk [tilespmem:v1+s1+$0x230 ss:$0x1], $0xffff;
	v59 =	vadd.f32 v54, v15;
	v2 =	vadd.f32 v2, v6  }
0x89: {  	s0 =	sshll.u32 s30, $0x6;
	s30 =	sadd.s32 $0x1, s30;
	v60 =	vadd.f32 v55, v14;
	v3 =	vadd.f32 v3, v7  }
0x8a: {  	p0 =	sne.s32 s30, $0x4;
	v61 =	vadd.f32 v56, v59;
	v2 =	vadd.f32 v4, v2  }
.Ltmp3:
0x8b: {  	s0 =	sand.u32 $0x3FFFFFC0, s0;
	v62 =	vadd.f32 v57, v60;
	v3 =	vadd.f32 v5, v3;
	(pc) =	sbr.rel @p0 .LBB2_3-.Ltmp3, $4  }
0x8c: {  	v63 =	vadd.f32 v58, v61;
	[tilespmem:v0+s0+$0x0 ss:$0x1] =	vst.idx.msk $0xffff, v2  }
0x8d: {  	v1 =	vadd.f32 v1, v62;
	[tilespmem:v0+s0+$0x10 ss:$0x1] =	vst.idx.msk $0xffff, v3  }
0x8e: {  	[tilespmem:v0+s0+$0x20 ss:$0x1] =	vst.idx.msk $0xffff, v63  }
0x8f: {  	s31 =	sadd.s32 $0x1C00, s31;
	[tilespmem:v0+s0+$0x30 ss:$0x1] =	vst.idx.msk $0xffff, v1  }
0x90: {  	s30 =	sshll.u32 s29, $0x1;
	p0 =	seq.s32 s29, $0x3F  }
0x91: {  	s0 =	sadd.s32 @!p0 $0x2, s30  }
0x92: {  	s1 =	sand.u32 @!p0 $0xE, s0  }
0x93: {  	p2 =	seq.s32 @!p0 s1, $0x0  }
0x94: {  	p1 =	por !p2, p0  }
0x95: {  	p2 =	por p2, p0;
	s8 =	sshll.u32 @!p1 s0, $0x1B  }
0x96: {  	s31 =	sshll.u32 @!p1 s0, $0x6;
	s10 =	simm.s32 @!p1 $0x38;
	s8 =	sshra.s32 @!p1 s8, $0x1F  }
0x97: {  	s11 =	simm.s32 @!p1 $0x80;
	s31 =	sadd.s32 @!p1 s31, s4;
	s8 =	sand.u32 @!p1 $0xE00, s8  }
0x98: {  	[tilespmem:s8], [sflag:$0x3] =	stream.strided.gather @!p1 [hbm4b:s31+s10], $0xE00, s11, s10, $0x38;
	[tilespmem:$0x17C00] =	vst v63  }
0x99: {  	s8 =	sand.u32 @!p1 $0x10, s0;
	s0 =	sand.u32 @!p2 $0x10, s0  }
0x9a: {  	s10 =	simm.s32 @!p1 $0x3;
	s8 =	smov.u32 @p1 s0  }
0x9b: {  	_ =	swait.ge @!p1 [sflag:s10], $0xE00;
	s0 =	smul.u32 @!p0 $0x380, s1;
	p2 =	seq.s32 @!p0 s8, $0x0  }
0x9c: {  	s1 =	simm.s32 @!p0 $0x0;
	[sflag:s10] =	ssyncset.done @!p1 $0x0;
	p2 =	por !p2, p0  }
0x9d: {  	s8 =	simm.s32 @!p0 $0x1C00;
	s0 =	sshrl.u32 @!p0 s0, $0x2;
	s1 =	simm.s32 @p2 $0xE00  }
0x9e: {  	[sflag:s10] =	ssyncadd.s32 @!p1 $0xFFFFF200;
	s0 =	sadd.s32 @!p0 s0, s1;
	s1 =	simm.s32 @!p0 $0x38  }
0x9f: {  	[tilespmem:s8], [sflag:$0x1] =	stream.indirect.gather @!p0 [hbm4b:s3+s1], $0x80, s0, s1, $0xb8;
	[tilespmem:$0x17C00] =	vst v63  }
0xa0: {  	s10 =	simm.s32 @!p0 $0x3800;
	s8 =	sadd.s32 @!p0 $0x38, s0  }
0xa1: {  	[tilespmem:s10], [sflag:$0x1] =	stream.indirect.gather @!p0 [hbm4b:s3+s1], $0x80, s8, s1, $0xb8;
	[tilespmem:$0x17C00] =	vst v63  }
0xa2: {  	s8 =	sadd.s32 @!p0 $0x70, s0;
	s10 =	simm.s32 @!p0 $0x5400  }
0xa3: {  	[tilespmem:s10], [sflag:$0x1] =	stream.indirect.gather @!p0 [hbm4b:s3+s1], $0x80, s8, s1, $0xb8;
	[tilespmem:$0x17C00] =	vst v63  }
0xa4: {  	s0 =	sadd.s32 @!p0 $0xA8, s0;
	s8 =	simm.s32 @!p0 $0x7000  }
0xa5: {  	[tilespmem:s8], [sflag:$0x1] =	stream.indirect.gather @!p0 [hbm4b:s3+s1], $0x80, s0, s1, $0xb8;
	[tilespmem:$0x17C00] =	vst v63  }
0xa6: {  	_ =	swait.ge [sflag:s25], $0x1C00  }
0xa7: {  	[sflag:s25] =	ssyncset.done $0x0  }
0xa8: {  	[sflag:s25] =	ssyncadd.s32 $0xFFFFE400  }
0xa9: {  	_ =	swait.ge [sflag:s25], $0x1C00  }
0xaa: {  	[sflag:s25] =	ssyncset.done $0x0  }
0xab: {  	[sflag:s25] =	ssyncadd.s32 $0xFFFFE400  }
0xac: {  	_ =	swait.ge [sflag:s25], $0x1C00  }
0xad: {  	[sflag:s25] =	ssyncset.done $0x0  }
0xae: {  	[sflag:s25] =	ssyncadd.s32 $0xFFFFE400  }
0xaf: {  	_ =	swait.ge [sflag:s25], $0x1C00  }
0xb0: {  	[sflag:s25] =	ssyncset.done $0x0  }
0xb1: {  	s31 =	simm.s32 $0x0;
	s1 =	simm.s32 $0x1C00;
	[sflag:s25] =	ssyncadd.s32 $0xFFFFE400  }
.LBB2_7:
0xb2: {  	v1 =	vmov s1;
	_ =	sdelay $0x3  }
0xb3: {  	s0 =	simm.s32 $0x0  }
0xb4: {  	v4 =	vld.idx.msk [tilespmem:v1+s0+$0x7480 ss:$0x1], $0xffff  }
0xb5: {  	v5 =	vld.idx.msk [tilespmem:v1+s0+$0x7490 ss:$0x1], $0xffff  }
0xb6: {  	v2 =	vld.idx.msk [tilespmem:v1+s0+$0x7400 ss:$0x1], $0xffff  }
0xb7: {  	v3 =	vld.idx.msk [tilespmem:v1+s0+$0x7410 ss:$0x1], $0xffff  }
0xb8: {  	v6 =	vld.idx.msk [tilespmem:v1+s0+$0x7380 ss:$0x1], $0xffff  }
0xb9: {  	v7 =	vld.idx.msk [tilespmem:v1+s0+$0x7390 ss:$0x1], $0xffff  }
0xba: {  	v8 =	vld.idx.msk [tilespmem:v1+s0+$0x7300 ss:$0x1], $0xffff  }
0xbb: {  	v9 =	vld.idx.msk [tilespmem:v1+s0+$0x7310 ss:$0x1], $0xffff  }
0xbc: {  	v11 =	vld.idx.msk [tilespmem:v1+s0+$0x7280 ss:$0x1], $0xffff  }
0xbd: {  	v10 =	vld.idx.msk [tilespmem:v1+s0+$0x7290 ss:$0x1], $0xffff  }
0xbe: {  	v13 =	vld.idx.msk [tilespmem:v1+s0+$0x7200 ss:$0x1], $0xffff  }
0xbf: {  	v12 =	vld.idx.msk [tilespmem:v1+s0+$0x7210 ss:$0x1], $0xffff  }
0xc0: {  	v15 =	vld.idx.msk [tilespmem:v1+s0+$0x7180 ss:$0x1], $0xffff  }
0xc1: {  	v14 =	vld.idx.msk [tilespmem:v1+s0+$0x7190 ss:$0x1], $0xffff  }
0xc2: {  	v17 =	vld.idx.msk [tilespmem:v1+s0+$0x7100 ss:$0x1], $0xffff  }
0xc3: {  	v16 =	vld.idx.msk [tilespmem:v1+s0+$0x7110 ss:$0x1], $0xffff  }
0xc4: {  	v23 =	vld.idx.msk [tilespmem:v1+s0+$0x7080 ss:$0x1], $0xffff  }
0xc5: {  	v22 =	vld.idx.msk [tilespmem:v1+s0+$0x7090 ss:$0x1], $0xffff  }
0xc6: {  	v25 =	vld.idx.msk [tilespmem:v1+s0+$0x7000 ss:$0x1], $0xffff  }
0xc7: {  	v19 =	vimm.f32 $0.0e+00;
	v26 =	vld.idx.msk [tilespmem:v1+s0+$0x7010 ss:$0x1], $0xffff  }
0xc8: {  	s8 =	simm.s32 $0x1400;
	v21 =	vimm.f32 $0.0e+00;
	v20 =	vimm.f32 $0.0e+00;
	v18 =	vimm.f32 $0.0e+00;
	v24 =	vld.idx.msk [tilespmem:v1+s0+$0x7020 ss:$0x1], $0xffff  }
.LBB2_8:
0xc9: {  	p1 =	sne.s32 s8, $0x5000;
	v27 =	vld.idx.msk [tilespmem:v1+s0+$0x7030 ss:$0x1], $0xffff  }
0xca: {  	v28 =	vld.idx.msk [tilespmem:v1+s0+$0x70A0 ss:$0x1], $0xffff  }
0xcb: {  	v29 =	vld.idx.msk [tilespmem:v1+s0+$0x70B0 ss:$0x1], $0xffff  }
0xcc: {  	v30 =	vld.idx.msk [tilespmem:v1+s0+$0x7120 ss:$0x1], $0xffff  }
0xcd: {  	v31 =	vld.idx.msk [tilespmem:v1+s0+$0x7130 ss:$0x1], $0xffff  }
0xce: {  	v19 =	vadd.f32 v25, v19;
	v21 =	vadd.f32 v26, v21;
	v25 =	vld.idx.msk [tilespmem:v1+s0+$0x71A0 ss:$0x1], $0xffff  }
0xcf: {  	v20 =	vadd.f32 v24, v20;
	v18 =	vadd.f32 v27, v18;
	v24 =	vld.idx.msk [tilespmem:v1+s0+$0x71B0 ss:$0x1], $0xffff  }
0xd0: {  	v19 =	vadd.f32 v23, v19;
	v21 =	vadd.f32 v22, v21;
	v22 =	vld.idx.msk [tilespmem:v1+s0+$0x7220 ss:$0x1], $0xffff  }
0xd1: {  	v20 =	vadd.f32 v28, v20;
	v18 =	vadd.f32 v29, v18;
	v23 =	vld.idx.msk [tilespmem:v1+s0+$0x7230 ss:$0x1], $0xffff  }
0xd2: {  	v17 =	vadd.f32 v17, v19;
	v16 =	vadd.f32 v16, v21;
	v19 =	vld.idx.msk [tilespmem:v1+s0+$0x72A0 ss:$0x1], $0xffff  }
0xd3: {  	v20 =	vadd.f32 v30, v20;
	v18 =	vadd.f32 v31, v18;
	v21 =	vld.idx.msk [tilespmem:v1+s0+$0x72B0 ss:$0x1], $0xffff  }
0xd4: {  	v15 =	vadd.f32 v15, v17;
	v14 =	vadd.f32 v14, v16;
	v16 =	vld.idx.msk [tilespmem:v1+s0+$0x7320 ss:$0x1], $0xffff  }
0xd5: {  	v17 =	vadd.f32 v25, v20;
	v18 =	vadd.f32 v24, v18;
	v20 =	vld.idx.msk [tilespmem:v1+s0+$0x7330 ss:$0x1], $0xffff  }
0xd6: {  	v13 =	vadd.f32 v13, v15;
	v12 =	vadd.f32 v12, v14;
	v14 =	vld.idx.msk [tilespmem:v1+s0+$0x73A0 ss:$0x1], $0xffff  }
0xd7: {  	v15 =	vadd.f32 v22, v17;
	v17 =	vadd.f32 v23, v18;
	v18 =	vld.idx.msk [tilespmem:v1+s0+$0x73B0 ss:$0x1], $0xffff  }
0xd8: {  	v11 =	vadd.f32 v11, v13;
	v10 =	vadd.f32 v10, v12;
	v12 =	vld.idx.msk [tilespmem:v1+s0+$0x7420 ss:$0x1], $0xffff  }
0xd9: {  	v13 =	vadd.f32 v19, v15;
	v15 =	vadd.f32 v21, v17;
	v17 =	vld.idx.msk [tilespmem:v1+s0+$0x7430 ss:$0x1], $0xffff  }
0xda: {  	v8 =	vadd.f32 v8, v11;
	v9 =	vadd.f32 v9, v10;
	v10 =	vld.idx.msk [tilespmem:v1+s0+$0x74A0 ss:$0x1], $0xffff  }
0xdb: {  	v11 =	vadd.f32 v16, v13;
	v13 =	vadd.f32 v20, v15;
	v15 =	vld.idx.msk [tilespmem:v1+s0+$0x74B0 ss:$0x1], $0xffff;
	s0 =	sshra.s32 s8, $0x2  }
0xdc: {  	v6 =	vadd.f32 v6, v8;
	v7 =	vadd.f32 v7, v9;
	v16 =	vld.idx.msk [tilespmem:v1+s0+$0x7480 ss:$0x1], $0xffff  }
0xdd: {  	v8 =	vadd.f32 v14, v11;
	v9 =	vadd.f32 v18, v13;
	v22 =	vld.idx.msk [tilespmem:v1+s0+$0x7490 ss:$0x1], $0xffff  }
0xde: {  	v11 =	vadd.f32 v2, v6;
	v7 =	vadd.f32 v3, v7;
	v2 =	vld.idx.msk [tilespmem:v1+s0+$0x7400 ss:$0x1], $0xffff  }
0xdf: {  	v8 =	vadd.f32 v12, v8;
	v9 =	vadd.f32 v17, v9;
	v3 =	vld.idx.msk [tilespmem:v1+s0+$0x7410 ss:$0x1], $0xffff  }
0xe0: {  	v19 =	vadd.f32 v4, v11;
	v21 =	vadd.f32 v5, v7;
	v6 =	vld.idx.msk [tilespmem:v1+s0+$0x7380 ss:$0x1], $0xffff  }
0xe1: {  	v20 =	vadd.f32 v10, v8;
	v18 =	vadd.f32 v15, v9;
	v7 =	vld.idx.msk [tilespmem:v1+s0+$0x7390 ss:$0x1], $0xffff  }
0xe2: {  	v4 =	vmov v16;
	v8 =	vld.idx.msk [tilespmem:v1+s0+$0x7300 ss:$0x1], $0xffff  }
0xe3: {  	v5 =	vmov v22;
	v9 =	vld.idx.msk [tilespmem:v1+s0+$0x7310 ss:$0x1], $0xffff  }
0xe4: {  	v11 =	vld.idx.msk [tilespmem:v1+s0+$0x7280 ss:$0x1], $0xffff  }
0xe5: {  	v10 =	vld.idx.msk [tilespmem:v1+s0+$0x7290 ss:$0x1], $0xffff  }
0xe6: {  	v13 =	vld.idx.msk [tilespmem:v1+s0+$0x7200 ss:$0x1], $0xffff  }
0xe7: {  	v12 =	vld.idx.msk [tilespmem:v1+s0+$0x7210 ss:$0x1], $0xffff  }
0xe8: {  	v15 =	vld.idx.msk [tilespmem:v1+s0+$0x7180 ss:$0x1], $0xffff  }
0xe9: {  	v14 =	vld.idx.msk [tilespmem:v1+s0+$0x7190 ss:$0x1], $0xffff  }
0xea: {  	v17 =	vld.idx.msk [tilespmem:v1+s0+$0x7100 ss:$0x1], $0xffff  }
0xeb: {  	v16 =	vld.idx.msk [tilespmem:v1+s0+$0x7110 ss:$0x1], $0xffff  }
.Ltmp4:
0xec: {  	v23 =	vld.idx.msk [tilespmem:v1+s0+$0x7080 ss:$0x1], $0xffff;
	(pc) =	sbr.rel @p1 .LBB2_8-.Ltmp4, $4  }
0xed: {  	v22 =	vld.idx.msk [tilespmem:v1+s0+$0x7090 ss:$0x1], $0xffff  }
0xee: {  	v25 =	vld.idx.msk [tilespmem:v1+s0+$0x7000 ss:$0x1], $0xffff  }
0xef: {  	v26 =	vld.idx.msk [tilespmem:v1+s0+$0x7010 ss:$0x1], $0xffff  }
0xf0: {  	s8 =	sadd.s32 $0x1400, s8;
	v24 =	vld.idx.msk [tilespmem:v1+s0+$0x7020 ss:$0x1], $0xffff  }
0xf1: {  	_ =	sdelay $0x3  }
0xf2: {  	v27 =	vld.idx.msk [tilespmem:v1+s0+$0x7030 ss:$0x1], $0xffff  }
0xf3: {  	v28 =	vld.idx.msk [tilespmem:v1+s0+$0x70A0 ss:$0x1], $0xffff  }
0xf4: {  	v29 =	vld.idx.msk [tilespmem:v1+s0+$0x70B0 ss:$0x1], $0xffff;
	v19 =	vadd.f32 v25, v19  }
0xf5: {  	v44 =	vld.idx.msk [tilespmem:v1+s0+$0x7120 ss:$0x1], $0xffff;
	v21 =	vadd.f32 v26, v21  }
0xf6: {  	v45 =	vld.idx.msk [tilespmem:v1+s0+$0x7130 ss:$0x1], $0xffff;
	v20 =	vadd.f32 v24, v20;
	v19 =	vadd.f32 v23, v19  }
0xf7: {  	v46 =	vld.idx.msk [tilespmem:v1+s0+$0x71A0 ss:$0x1], $0xffff;
	v18 =	vadd.f32 v27, v18;
	v21 =	vadd.f32 v22, v21  }
0xf8: {  	v47 =	vld.idx.msk [tilespmem:v1+s0+$0x71B0 ss:$0x1], $0xffff;
	v20 =	vadd.f32 v28, v20;
	v17 =	vadd.f32 v17, v19  }
0xf9: {  	v48 =	vld.idx.msk [tilespmem:v1+s0+$0x7220 ss:$0x1], $0xffff;
	v18 =	vadd.f32 v29, v18;
	v16 =	vadd.f32 v16, v21  }
0xfa: {  	v49 =	vld.idx.msk [tilespmem:v1+s0+$0x7230 ss:$0x1], $0xffff;
	v20 =	vadd.f32 v44, v20;
	v15 =	vadd.f32 v15, v17  }
0xfb: {  	v50 =	vld.idx.msk [tilespmem:v1+s0+$0x72A0 ss:$0x1], $0xffff;
	v18 =	vadd.f32 v45, v18;
	v14 =	vadd.f32 v14, v16  }
0xfc: {  	v51 =	vld.idx.msk [tilespmem:v1+s0+$0x72B0 ss:$0x1], $0xffff;
	v20 =	vadd.f32 v46, v20;
	v13 =	vadd.f32 v13, v15  }
0xfd: {  	v52 =	vld.idx.msk [tilespmem:v1+s0+$0x7320 ss:$0x1], $0xffff;
	v18 =	vadd.f32 v47, v18;
	v12 =	vadd.f32 v12, v14  }
0xfe: {  	v53 =	vld.idx.msk [tilespmem:v1+s0+$0x7330 ss:$0x1], $0xffff;
	v19 =	vadd.f32 v48, v20;
	v11 =	vadd.f32 v11, v13  }
0xff: {  	v54 =	vld.idx.msk [tilespmem:v1+s0+$0x73A0 ss:$0x1], $0xffff;
	v18 =	vadd.f32 v49, v18;
	v10 =	vadd.f32 v10, v12  }
0x100: {  	v55 =	vld.idx.msk [tilespmem:v1+s0+$0x73B0 ss:$0x1], $0xffff;
	v17 =	vadd.f32 v50, v19;
	v8 =	vadd.f32 v8, v11  }
0x101: {  	v56 =	vld.idx.msk [tilespmem:v1+s0+$0x7420 ss:$0x1], $0xffff;
	v16 =	vadd.f32 v51, v18;
	v9 =	vadd.f32 v9, v10  }
0x102: {  	v57 =	vld.idx.msk [tilespmem:v1+s0+$0x7430 ss:$0x1], $0xffff;
	v15 =	vadd.f32 v52, v17;
	v6 =	vadd.f32 v6, v8  }
0x103: {  	v58 =	vld.idx.msk [tilespmem:v1+s0+$0x74A0 ss:$0x1], $0xffff;
	v14 =	vadd.f32 v53, v16;
	v7 =	vadd.f32 v7, v9  }
0x104: {  	v1 =	vld.idx.msk [tilespmem:v1+s0+$0x74B0 ss:$0x1], $0xffff;
	v59 =	vadd.f32 v54, v15;
	v2 =	vadd.f32 v2, v6  }
0x105: {  	s11 =	sshll.u32 s31, $0x6;
	s31 =	sadd.s32 $0x1, s31;
	v60 =	vadd.f32 v55, v14;
	v3 =	vadd.f32 v3, v7  }
0x106: {  	p1 =	sne.s32 s31, $0x4;
	v61 =	vadd.f32 v56, v59;
	v2 =	vadd.f32 v4, v2  }
.Ltmp5:
0x107: {  	s0 =	sand.u32 $0x3FFFFFC0, s11;
	v62 =	vadd.f32 v57, v60;
	v3 =	vadd.f32 v5, v3;
	(pc) =	sbr.rel @p1 .LBB2_7-.Ltmp5, $4  }
0x108: {  	v63 =	vadd.f32 v58, v61;
	[tilespmem:v0+s0+$0x100 ss:$0x1] =	vst.idx.msk $0xffff, v2  }
0x109: {  	v1 =	vadd.f32 v1, v62;
	[tilespmem:v0+s0+$0x110 ss:$0x1] =	vst.idx.msk $0xffff, v3  }
0x10a: {  	[tilespmem:v0+s0+$0x120 ss:$0x1] =	vst.idx.msk $0xffff, v63  }
0x10b: {  	s1 =	sadd.s32 $0x1C00, s1;
	[tilespmem:v0+s0+$0x130 ss:$0x1] =	vst.idx.msk $0xffff, v1  }
.Ltmp6:
0x10c: {  	(pc) =	sbr.rel @p0 .LBB2_12-.Ltmp6, $1  }
0x10d: {  	_ =	sdelay $0x3  }
0x10e: {  	s0 =	sadd.s32 $0x3, s30  }
0x10f: {  	s1 =	sshll.u32 s0, $0x2  }
0x110: {  	s1 =	sand.u32 $0x3C, s1  }
0x111: {  	s0 =	sshll.u32 s0, $0x1B;
	s1 =	smul.u32 $0xE0, s1  }
0x112: {  	s0 =	sshra.s32 s0, $0x1F  }
0x113: {  	s0 =	sand.u32 $0xE00, s0;
	s1 =	sshrl.u32 s1, $0x2  }
0x114: {  	s0 =	sadd.s32 s1, s0  }
0x115: {  	[tilespmem:s17], [sflag:$0x2] =	stream.indirect.gather [hbm4b:s3+s7], $0x80, s0, s7, $0xb8;
	[tilespmem:$0x17C00] =	vst v63  }
0x116: {  	s1 =	sadd.s32 $0x38, s0  }
0x117: {  	[tilespmem:s19], [sflag:$0x2] =	stream.indirect.gather [hbm4b:s3+s7], $0x80, s1, s7, $0xb8;
	[tilespmem:$0x17C00] =	vst v63  }
.Ltmp7:
0x118: {  	_ = 	snop;
	(pc) =	sbr.rel .LBB2_2-.Ltmp7, $4  }
0x119: {  	s31 =	sadd.s32 $0x70, s0  }
0x11a: {  	[tilespmem:s21], [sflag:$0x2] =	stream.indirect.gather [hbm4b:s3+s7], $0x80, s31, s7, $0xb8;
	[tilespmem:$0x17C00] =	vst v63  }
0x11b: {  	s29 =	sadd.s32 $0x1, s29;
	s0 =	sadd.s32 $0xA8, s0  }
0x11c: {  	[tilespmem:s23], [sflag:$0x2] =	stream.indirect.gather [hbm4b:s3+s7], $0x80, s0, s7, $0xb8;
	[tilespmem:$0x17C00] =	vst v63  }
.LBB2_13:
0x11d: {  	_ =	sfence.sel $0x180000  }
0x11e: {  	[bflag:$0x0] =	sbarrier.arrive $0xFFFF  }
0x11f: {  	_ =	strace $0x90000047  }
0x120: {  	s0 =	stileid.u32;
	[bflag:$0x2] =	sbarrier.arrive $0xFFFF  }
0x121: {  	p0 =	sne.s32 s0, $0x0;
	s0 =	rddreg [dreg:$0x2]  }
0x122: {  	s0 =	sadd.s32 @!p0 $0x100000, s0  }
0x123: {  	[sflag:s0] =	ssyncadd.tile.s32 @!p0 $0x1;
	_ =	shalt  }
.Lfunc_end2:
_tile_overlayer_lowered:
.L_overlay_start_2:
0x124: {  	(tag) =	ssettag $0x2  }
0x125: {  	s0 =	rddreg [dreg:$0x0];
	s2 =	stileid.u32  }
0x126: {  	s1 =	rddreg [dreg:$0x1];
	p0 =	sne.s32 s2, $0x0  }
0x127: {  	s3 =	rddreg [dreg:$0x2];
	[bflag:$0x3] =	sbarrier.arrive $0xFFFF;
	s2 =	simm.s32 @!p0 $0x1C03  }
0x128: {  	[timem:s3], [sflag:s2] =	dma.local @!p0 [hbm:s0], s1  }
0x129: {  	s0 =	simm.s32 @!p0 $0x3  }
0x12a: {  	_ =	swait.ge @!p0 [sflag:s0], s1  }
0x12b: {  	s1 =	ssub.s32 @!p0 $0x0, s1;
	[sflag:s0] =	ssyncset.done @!p0 $0x0  }
0x12c: {  	[sflag:s0] =	ssyncadd.s32 @!p0 s1  }
0x12d: {  	[bflag:$0x3] =	sbarrier.arrive $0xFFFF  }
0x12e: {  	_ =	shalt  }

</sc_bundles>
